<compile_context>
chip_gen: v7x
topology: tpu7x:2x2x1
jax: 0.10.2.dev20260603
libtpu: 0.0.44.dev20260713+nightly
codegen_flags: <defaults>
</compile_context>

<pallas_src>
import functools

import jax
import jax.numpy as jnp
from jax import lax
from jax.experimental import pallas as pl
from jax.experimental.pallas import tpu as pltpu
from jax.experimental.pallas import tpu_sc as plsc

N_SEL = 8192
D = 256
L = 16
NC, NS = 2, 16
NW = NC * NS
CHUNK = N_SEL // NW
IB = 128
PW = D + L


def _sc_stage(triple_heads, triple_indices, cls_embeddings, tgt_vec,
              entity_emb):
    mesh = plsc.VectorSubcoreMesh(core_axis_name="c", subcore_axis_name="s")

    @functools.partial(
        pl.kernel,
        out_type=[
            jax.ShapeDtypeStruct((NW, PW), jnp.float32),
            jax.ShapeDtypeStruct((1, D), jnp.float32),
        ],
        mesh=mesh,
        scratch_types=[
            pltpu.VMEM((CHUNK // IB, IB), jnp.int32),
            pltpu.VMEM((CHUNK,), jnp.int32),
            pltpu.VMEM((L, D), jnp.float32),
            pltpu.VMEM((PW,), jnp.float32),
            pltpu.VMEM((L,), jnp.int32),
            pltpu.VMEM((1, D), jnp.float32),
            pltpu.SemaphoreType.DMA,
            pltpu.SemaphoreType.DMA,
        ],
    )
    def k(th_hbm, ti_hbm, cls_hbm, tgt_hbm, ent_hbm,
          part_out, ent_out,
          idx_v, heads_v, rows_v, acc_v, tgt_v, entrow_v, sem, sem2):
        c = lax.axis_index("c")
        s = lax.axis_index("s")
        wid = s * NC + c
        base = wid * CHUNK

        tcp = pltpu.async_copy(tgt_hbm, tgt_v, sem)
        cps = [pltpu.async_copy(ti_hbm.at[pl.ds(base + j * IB, IB)],
                                idx_v.at[j], sem2)
               for j in range(CHUNK // IB)]
        tcp.wait()
        tgtv = tgt_v[...]
        t_s = tgtv[0]
        ecp = pltpu.async_copy(ent_hbm.at[pl.ds(t_s, 1)], entrow_v, sem)
        for cp in cps:
            cp.wait()
        cps = [pltpu.async_copy(th_hbm.at[idx_v.at[j]],
                                heads_v.at[pl.ds(j * IB, IB)], sem2)
               for j in range(CHUNK // IB)]
        for cp in cps:
            cp.wait()

        zf = jnp.zeros((L,), jnp.float32)
        for j in range(D // L):
            acc_v[pl.ds(j * L, L)] = zf

        cw = jnp.zeros((L,), jnp.float32)
        wfs = []
        for ci in range(CHUNK // L):
            hv = heads_v[pl.ds(ci * L, L)]
            wf = jnp.where(hv == tgtv, 1.0, 0.0)
            wfs.append(wf)
            cw = cw + wf
        acc_v[pl.ds(D, L)] = cw
        tile_total = cw[0]
        for r in range(1, L):
            tile_total = tile_total + cw[r]

        @pl.when(tile_total > 0.0)
        def _():
            def bbody(ci, carry):
                hv = heads_v[pl.ds(ci * L, L)]
                wf = jnp.where(hv == tgtv, 1.0, 0.0)
                ws = [wf[r] for r in range(L)]
                msum = ws[0]
                for r in range(1, L):
                    msum = msum + ws[r]

                @pl.when(msum > 0.0)
                def _():
                    pltpu.sync_copy(cls_hbm.at[pl.ds(base + ci * L, L)],
                                    rows_v)
                    for dc in range(D // L):
                        a = acc_v[pl.ds(dc * L, L)]
                        for r in range(L):
                            a = a + rows_v[r, pl.ds(dc * L, L)] * ws[r]
                        acc_v[pl.ds(dc * L, L)] = a

                return carry

            lax.fori_loop(0, CHUNK // L, bbody, jnp.int32(0))

        pltpu.sync_copy(acc_v, part_out.at[wid])
        ecp.wait()

        @pl.when(wid == 0)
        def _():
            pltpu.sync_copy(entrow_v, ent_out)

    return k(triple_heads, triple_indices, cls_embeddings, tgt_vec,
             entity_emb)


def _tc_stage(part, entrow, W, b):
    def body(part_ref, ent_ref, w_ref, b_ref, out_ref):
        summed = jnp.sum(part_ref[:, :D], axis=0)
        cnt_f = jnp.sum(part_ref[:, D:])
        mean = summed / jnp.maximum(cnt_f, 1.0)
        upd = lax.dot_general(mean[None, :], w_ref[...],
                              (((1,), (1,)), ((), ())),
                              preferred_element_type=jnp.float32)[0] + b_ref[...]
        out_ref[...] = jnp.where(cnt_f > 0.0, upd, ent_ref[0])

    return pl.pallas_call(
        body,
        out_shape=jax.ShapeDtypeStruct((D,), jnp.float32),
    )(part, entrow, W, b)


def kernel(entity_emb, cls_embeddings, triple_heads, triple_indices, target_head_id, W, b):
    tgt_vec = jnp.broadcast_to(jnp.asarray(target_head_id, jnp.int32), (L,))
    part, entrow = _sc_stage(
        triple_heads, triple_indices, cls_embeddings, tgt_vec, entity_emb)
    return _tc_stage(part, entrow, W, b)

# --- scband reference (transcript-rebuilt; emitter-appended) ---
"""Pipeline reference for scband-entity-embedding-updater-36636071035732 (READ-ONLY COPY).

The authoritative reference and input builder live on the scoring server;
editing this copy changes nothing except your own understanding.
"""

import jax, jax.numpy as jnp
import numpy as np

N_ENT = 100000
N_TRIPLES = 50000
N_SEL = 8192
D = 256
HEAD_VOCAB = 1000


def setup_inputs(seed: int = 0) -> dict:
    key = jax.random.key(seed)
    ks = jax.random.split(key, 6)
    entity_emb = jax.random.normal(ks[0], (N_ENT, D), dtype=jnp.float32)
    cls_embeddings = jax.random.normal(ks[1], (N_SEL, D), dtype=jnp.float32)
    # triples is a List[Tuple[h, r, t, str]] in the torch module; only the head id h
    # is ever read, so we materialize just the head column as an int array.
    triple_heads = jax.random.randint(ks[2], (N_TRIPLES,), 0, HEAD_VOCAB, dtype=jnp.int32)
    triple_indices = jax.random.randint(ks[3], (N_SEL,), 0, N_TRIPLES, dtype=jnp.int32)
    target_head_id = 7
    # nn.Linear(hidden_dim, hidden_dim) parameters
    bound = 1.0 / np.sqrt(D)
    W = jax.random.uniform(ks[4], (D, D), dtype=jnp.float32, minval=-bound, maxval=bound)
    b = jax.random.uniform(ks[5], (D,), dtype=jnp.float32, minval=-bound, maxval=bound)
    return {
        'entity_emb': entity_emb,
        'cls_embeddings': cls_embeddings,
        'triple_heads': triple_heads,
        'triple_indices': triple_indices,
        'target_head_id': target_head_id,
        'W': W,
        'b': b,
    }


def reference(entity_emb, cls_embeddings, triple_heads, triple_indices, target_head_id, W, b):
    # gather head ids for the selected triples (triples[global_idx][0])
    heads_sel = jnp.take(triple_heads, triple_indices, axis=0)  # [N_SEL]
    mask = (heads_sel == target_head_id)
    cnt = jnp.sum(mask.astype(jnp.int32))
    maskf = mask.astype(cls_embeddings.dtype)
    # softmax over a vector of ones of length cnt is uniform 1/cnt, so the
    # weighted sum is exactly the mean of the selected CLS embeddings.
    summed = jnp.sum(cls_embeddings * maskf[:, None], axis=0)  # [D]
    aggregated = summed / jnp.maximum(cnt, 1).astype(cls_embeddings.dtype)
    updated = aggregated @ W.T + b  # nn.Linear
    fallback = entity_emb[target_head_id]  # returned when no triple matches
    return jnp.where(cnt > 0, updated, fallback)

if __name__ == "__main__":
    import jax
    _d = setup_inputs()
    print(jax.jit(kernel)(*tuple(_d.values())))

</pallas_src>

<mosaic_0001>
#map = affine_map<(d0, d1) -> (0)>
#map1 = affine_map<(d0, d1) -> (0, 0)>
module attributes {stable_mosaic.version = 14 : i64} {
  func.func @k(%arg0: i32, %arg1: i32, %arg2: memref<50000xi32, #tpu.memory_space<hbm>>, %arg3: memref<8192xi32, #tpu.memory_space<hbm>>, %arg4: memref<8192x256xf32, #tpu.memory_space<hbm>>, %arg5: memref<16xi32, #tpu.memory_space<hbm>>, %arg6: memref<100000x256xf32, #tpu.memory_space<hbm>>, %arg7: memref<32x272xf32, #tpu.memory_space<hbm>>, %arg8: memref<1x256xf32, #tpu.memory_space<hbm>>, %arg9: memref<2x128xi32, #tpu.memory_space<vmem>>, %arg10: memref<256xi32, #tpu.memory_space<vmem>>, %arg11: memref<16x256xf32, #tpu.memory_space<vmem>>, %arg12: memref<272xf32, #tpu.memory_space<vmem>>, %arg13: memref<16xi32, #tpu.memory_space<vmem>>, %arg14: memref<1x256xf32, #tpu.memory_space<vmem>>, %arg15: memref<!tpu.dma_semaphore, #tpu.memory_space<semaphore_mem>>, %arg16: memref<!tpu.dma_semaphore, #tpu.memory_space<semaphore_mem>>) attributes {dimension_semantics = [#tpu.dimension_semantics<core_parallel>, #tpu.dimension_semantics<subcore_parallel>], iteration_bounds = array<i64: 2, 16>, scalar_prefetch = 0 : i64, scratch_operands = 8 : i64, tpu.core_type = #tpu.core_type<sc_vector_subcore>, window_params = [{transform_indices = #map}, {transform_indices = #map}, {transform_indices = #map1}, {transform_indices = #map}, {transform_indices = #map1}, {transform_indices = #map1}, {transform_indices = #map1}]} {
    %mul3A = arith.constant 2 : i32
    %mul3A_0 = arith.muli %arg1, %mul3A : i32
    %add3A = arith.addi %mul3A_0, %arg0 : i32
    %mul3A_1 = arith.constant 256 : i32
    %mul3A_2 = arith.muli %add3A, %mul3A_1 : i32
    tpu.enqueue_dma source(%arg5 : memref<16xi32, #tpu.memory_space<hbm>>) target(%arg13 : memref<16xi32, #tpu.memory_space<vmem>>) target_semaphore(%arg15 : memref<!tpu.dma_semaphore, #tpu.memory_space<semaphore_mem>>)
    %add3A_3 = arith.constant 0 : i32
    %add3A_4 = arith.addi %mul3A_2, %add3A_3 : i32
    %dma_start3A = arith.constant 0 : i32
    %dma_start3A_5 = arith.constant 0 : i32
    %dma_start3A_6 = tpu.memref_slice %arg9[%dma_start3A, %dma_start3A_5] : memref<2x128xi32, #tpu.memory_space<vmem>> -> memref<1x128xi32, #tpu.memory_space<vmem>>
    %dma_start3A_7 = tpu.memref_squeeze %dma_start3A_6 : memref<1x128xi32, #tpu.memory_space<vmem>> -> memref<128xi32, #tpu.memory_space<vmem>>
    %dma_start3A_8 = tpu.memref_slice %arg3[%add3A_4] : memref<8192xi32, #tpu.memory_space<hbm>> -> memref<128xi32, #tpu.memory_space<hbm>>
    %dma_start3A_9 = arith.constant 0 : i32
    %dma_start3A_10 = tpu.memref_slice %arg9[%dma_start3A, %dma_start3A_9] : memref<2x128xi32, #tpu.memory_space<vmem>> -> memref<1x128xi32, #tpu.memory_space<vmem>>
    %dma_start3A_11 = tpu.memref_squeeze %dma_start3A_10 : memref<1x128xi32, #tpu.memory_space<vmem>> -> memref<128xi32, #tpu.memory_space<vmem>>
    %dma_start3A_12 = tpu.memref_slice %arg3[%add3A_4] : memref<8192xi32, #tpu.memory_space<hbm>> -> memref<128xi32, #tpu.memory_space<hbm>>
    tpu.enqueue_dma source(%dma_start3A_12 : memref<128xi32, #tpu.memory_space<hbm>>) target(%dma_start3A_11 : memref<128xi32, #tpu.memory_space<vmem>>) target_semaphore(%arg16 : memref<!tpu.dma_semaphore, #tpu.memory_space<semaphore_mem>>)
    %add3A_13 = arith.constant 128 : i32
    %add3A_14 = arith.addi %mul3A_2, %add3A_13 : i32
    %dma_start3A_15 = arith.constant 1 : i32
    %dma_start3A_16 = arith.constant 0 : i32
    %dma_start3A_17 = tpu.memref_slice %arg9[%dma_start3A_15, %dma_start3A_16] : memref<2x128xi32, #tpu.memory_space<vmem>> -> memref<1x128xi32, #tpu.memory_space<vmem>>
    %dma_start3A_18 = tpu.memref_squeeze %dma_start3A_17 : memref<1x128xi32, #tpu.memory_space<vmem>> -> memref<128xi32, #tpu.memory_space<vmem>>
    %dma_start3A_19 = tpu.memref_slice %arg3[%add3A_14] : memref<8192xi32, #tpu.memory_space<hbm>> -> memref<128xi32, #tpu.memory_space<hbm>>
    %dma_start3A_20 = arith.constant 0 : i32
    %dma_start3A_21 = tpu.memref_slice %arg9[%dma_start3A_15, %dma_start3A_20] : memref<2x128xi32, #tpu.memory_space<vmem>> -> memref<1x128xi32, #tpu.memory_space<vmem>>
    %dma_start3A_22 = tpu.memref_squeeze %dma_start3A_21 : memref<1x128xi32, #tpu.memory_space<vmem>> -> memref<128xi32, #tpu.memory_space<vmem>>
    %dma_start3A_23 = tpu.memref_slice %arg3[%add3A_14] : memref<8192xi32, #tpu.memory_space<hbm>> -> memref<128xi32, #tpu.memory_space<hbm>>
    tpu.enqueue_dma source(%dma_start3A_23 : memref<128xi32, #tpu.memory_space<hbm>>) target(%dma_start3A_22 : memref<128xi32, #tpu.memory_space<vmem>>) target_semaphore(%arg16 : memref<!tpu.dma_semaphore, #tpu.memory_space<semaphore_mem>>)
    tpu.wait_dma2 semaphore(%arg15 : memref<!tpu.dma_semaphore, #tpu.memory_space<semaphore_mem>>) src(%arg5 : memref<16xi32, #tpu.memory_space<hbm>>) dst(%arg13 : memref<16xi32, #tpu.memory_space<vmem>>)
    %get3A = arith.constant 0 : index
    %get3A_24 = tpu.vector_load %arg13[%get3A] {strides = array<i32>} : memref<16xi32, #tpu.memory_space<vmem>>, vector<16xi32>,
    %get3A_25 = vector.shape_cast %get3A_24 : vector<16xi32> to vector<16xi32>
    %slice3A = vector.extract_strided_slice %get3A_25 {offsets = [0], sizes = [1], strides = [1]} : vector<16xi32> to vector<1xi32>
    %squeeze3A = vector.extract %slice3A[0] : i32 from vector<1xi32>
    %dma_start3A_26 = arith.constant 0 : i32
    %dma_start3A_27 = tpu.memref_slice %arg6[%squeeze3A, %dma_start3A_26] : memref<100000x256xf32, #tpu.memory_space<hbm>> -> memref<1x256xf32, #tpu.memory_space<hbm>>
    %dma_start3A_28 = arith.constant 0 : i32
    %dma_start3A_29 = tpu.memref_slice %arg6[%squeeze3A, %dma_start3A_28] : memref<100000x256xf32, #tpu.memory_space<hbm>> -> memref<1x256xf32, #tpu.memory_space<hbm>>
    tpu.enqueue_dma source(%dma_start3A_29 : memref<1x256xf32, #tpu.memory_space<hbm>>) target(%arg14 : memref<1x256xf32, #tpu.memory_space<vmem>>) target_semaphore(%arg15 : memref<!tpu.dma_semaphore, #tpu.memory_space<semaphore_mem>>)
    %dma_wait3A = arith.constant 0 : i32
    %dma_wait3A_30 = arith.constant 0 : i32
    %dma_wait3A_31 = tpu.memref_slice %arg9[%dma_wait3A, %dma_wait3A_30] : memref<2x128xi32, #tpu.memory_space<vmem>> -> memref<1x128xi32, #tpu.memory_space<vmem>>
    %dma_wait3A_32 = tpu.memref_squeeze %dma_wait3A_31 : memref<1x128xi32, #tpu.memory_space<vmem>> -> memref<128xi32, #tpu.memory_space<vmem>>
    %dma_wait3A_33 = tpu.memref_slice %arg3[%add3A_4] : memref<8192xi32, #tpu.memory_space<hbm>> -> memref<128xi32, #tpu.memory_space<hbm>>
    %dma_wait3A_34 = arith.constant 0 : i32
    %dma_wait3A_35 = tpu.memref_slice %arg9[%dma_wait3A, %dma_wait3A_34] : memref<2x128xi32, #tpu.memory_space<vmem>> -> memref<1x128xi32, #tpu.memory_space<vmem>>
    %dma_wait3A_36 = tpu.memref_squeeze %dma_wait3A_35 : memref<1x128xi32, #tpu.memory_space<vmem>> -> memref<128xi32, #tpu.memory_space<vmem>>
    %dma_wait3A_37 = tpu.memref_slice %arg3[%add3A_4] : memref<8192xi32, #tpu.memory_space<hbm>> -> memref<128xi32, #tpu.memory_space<hbm>>
    tpu.wait_dma2 semaphore(%arg16 : memref<!tpu.dma_semaphore, #tpu.memory_space<semaphore_mem>>) src(%dma_wait3A_37 : memref<128xi32, #tpu.memory_space<hbm>>) dst(%dma_wait3A_36 : memref<128xi32, #tpu.memory_space<vmem>>)
    %dma_wait3A_38 = arith.constant 1 : i32
    %dma_wait3A_39 = arith.constant 0 : i32
    %dma_wait3A_40 = tpu.memref_slice %arg9[%dma_wait3A_38, %dma_wait3A_39] : memref<2x128xi32, #tpu.memory_space<vmem>> -> memref<1x128xi32, #tpu.memory_space<vmem>>
    %dma_wait3A_41 = tpu.memref_squeeze %dma_wait3A_40 : memref<1x128xi32, #tpu.memory_space<vmem>> -> memref<128xi32, #tpu.memory_space<vmem>>
    %dma_wait3A_42 = tpu.memref_slice %arg3[%add3A_14] : memref<8192xi32, #tpu.memory_space<hbm>> -> memref<128xi32, #tpu.memory_space<hbm>>
    %dma_wait3A_43 = arith.constant 0 : i32
    %dma_wait3A_44 = tpu.memref_slice %arg9[%dma_wait3A_38, %dma_wait3A_43] : memref<2x128xi32, #tpu.memory_space<vmem>> -> memref<1x128xi32, #tpu.memory_space<vmem>>
    %dma_wait3A_45 = tpu.memref_squeeze %dma_wait3A_44 : memref<1x128xi32, #tpu.memory_space<vmem>> -> memref<128xi32, #tpu.memory_space<vmem>>
    %dma_wait3A_46 = tpu.memref_slice %arg3[%add3A_14] : memref<8192xi32, #tpu.memory_space<hbm>> -> memref<128xi32, #tpu.memory_space<hbm>>
    tpu.wait_dma2 semaphore(%arg16 : memref<!tpu.dma_semaphore, #tpu.memory_space<semaphore_mem>>) src(%dma_wait3A_46 : memref<128xi32, #tpu.memory_space<hbm>>) dst(%dma_wait3A_45 : memref<128xi32, #tpu.memory_space<vmem>>)
    %dma_start3A_47 = arith.constant 0 : i32
    %dma_start3A_48 = arith.constant 0 : i32
    %dma_start3A_49 = tpu.memref_slice %arg10[%dma_start3A_48] : memref<256xi32, #tpu.memory_space<vmem>> -> memref<128xi32, #tpu.memory_space<vmem>>
    %dma_start3A_50 = arith.constant 0 : i32
    %dma_start3A_51 = tpu.memref_slice %arg9[%dma_start3A_47, %dma_start3A_50] : memref<2x128xi32, #tpu.memory_space<vmem>> -> memref<1x128xi32, #tpu.memory_space<vmem>>
    %dma_start3A_52 = tpu.memref_squeeze %dma_start3A_51 : memref<1x128xi32, #tpu.memory_space<vmem>> -> memref<128xi32, #tpu.memory_space<vmem>>
    %dma_start3A_53 = arith.constant 0 : i32
    %dma_start3A_54 = tpu.memref_slice %arg2[%dma_start3A_53] : memref<50000xi32, #tpu.memory_space<hbm>> -> memref<50000xi32, #tpu.memory_space<hbm>>
    tpu.enqueue_indirect_dma source(%dma_start3A_54 : memref<50000xi32, #tpu.memory_space<hbm>>) target(%dma_start3A_49 : memref<128xi32, #tpu.memory_space<vmem>>) offsets(%dma_start3A_52 : memref<128xi32, #tpu.memory_space<vmem>>) semaphore(%arg16 : memref<!tpu.dma_semaphore, #tpu.memory_space<semaphore_mem>>)
    %dma_start3A_55 = arith.constant 1 : i32
    %dma_start3A_56 = arith.constant 128 : i32
    %dma_start3A_57 = tpu.memref_slice %arg10[%dma_start3A_56] : memref<256xi32, #tpu.memory_space<vmem>> -> memref<128xi32, #tpu.memory_space<vmem>>
    %dma_start3A_58 = arith.constant 0 : i32
    %dma_start3A_59 = tpu.memref_slice %arg9[%dma_start3A_55, %dma_start3A_58] : memref<2x128xi32, #tpu.memory_space<vmem>> -> memref<1x128xi32, #tpu.memory_space<vmem>>
    %dma_start3A_60 = tpu.memref_squeeze %dma_start3A_59 : memref<1x128xi32, #tpu.memory_space<vmem>> -> memref<128xi32, #tpu.memory_space<vmem>>
    %dma_start3A_61 = arith.constant 0 : i32
    %dma_start3A_62 = tpu.memref_slice %arg2[%dma_start3A_61] : memref<50000xi32, #tpu.memory_space<hbm>> -> memref<50000xi32, #tpu.memory_space<hbm>>
    tpu.enqueue_indirect_dma source(%dma_start3A_62 : memref<50000xi32, #tpu.memory_space<hbm>>) target(%dma_start3A_57 : memref<128xi32, #tpu.memory_space<vmem>>) offsets(%dma_start3A_60 : memref<128xi32, #tpu.memory_space<vmem>>) semaphore(%arg16 : memref<!tpu.dma_semaphore, #tpu.memory_space<semaphore_mem>>)
    %dma_wait3A_63 = arith.constant 0 : i32
    %dma_wait3A_64 = arith.constant 0 : i32
    %dma_wait3A_65 = tpu.memref_slice %arg10[%dma_wait3A_64] : memref<256xi32, #tpu.memory_space<vmem>> -> memref<128xi32, #tpu.memory_space<vmem>>
    %dma_wait3A_66 = arith.constant 0 : i32
    %dma_wait3A_67 = tpu.memref_slice %arg9[%dma_wait3A_63, %dma_wait3A_66] : memref<2x128xi32, #tpu.memory_space<vmem>> -> memref<1x128xi32, #tpu.memory_space<vmem>>
    %dma_wait3A_68 = tpu.memref_squeeze %dma_wait3A_67 : memref<1x128xi32, #tpu.memory_space<vmem>> -> memref<128xi32, #tpu.memory_space<vmem>>
    %dma_wait3A_69 = arith.constant 0 : i32
    %dma_wait3A_70 = tpu.memref_slice %arg2[%dma_wait3A_69] : memref<50000xi32, #tpu.memory_space<hbm>> -> memref<50000xi32, #tpu.memory_space<hbm>>
    tpu.wait_indirect_dma semaphore(%arg16 : memref<!tpu.dma_semaphore, #tpu.memory_space<semaphore_mem>>) src(%dma_wait3A_70 : memref<50000xi32, #tpu.memory_space<hbm>>) dst(%dma_wait3A_65 : memref<128xi32, #tpu.memory_space<vmem>>)
    %dma_wait3A_71 = arith.constant 1 : i32
    %dma_wait3A_72 = arith.constant 128 : i32
    %dma_wait3A_73 = tpu.memref_slice %arg10[%dma_wait3A_72] : memref<256xi32, #tpu.memory_space<vmem>> -> memref<128xi32, #tpu.memory_space<vmem>>
    %dma_wait3A_74 = arith.constant 0 : i32
    %dma_wait3A_75 = tpu.memref_slice %arg9[%dma_wait3A_71, %dma_wait3A_74] : memref<2x128xi32, #tpu.memory_space<vmem>> -> memref<1x128xi32, #tpu.memory_space<vmem>>
    %dma_wait3A_76 = tpu.memref_squeeze %dma_wait3A_75 : memref<1x128xi32, #tpu.memory_space<vmem>> -> memref<128xi32, #tpu.memory_space<vmem>>
    %dma_wait3A_77 = arith.constant 0 : i32
    %dma_wait3A_78 = tpu.memref_slice %arg2[%dma_wait3A_77] : memref<50000xi32, #tpu.memory_space<hbm>> -> memref<50000xi32, #tpu.memory_space<hbm>>
    tpu.wait_indirect_dma semaphore(%arg16 : memref<!tpu.dma_semaphore, #tpu.memory_space<semaphore_mem>>) src(%dma_wait3A_78 : memref<50000xi32, #tpu.memory_space<hbm>>) dst(%dma_wait3A_73 : memref<128xi32, #tpu.memory_space<vmem>>)
    %broadcast_in_dim3A = arith.constant 0.000000e+00 : f32
    %broadcast_in_dim3A_79 = vector.broadcast %broadcast_in_dim3A : f32 to vector<16xf32>
    %swap3A = arith.constant 0 : index
    %swap3A_80 = tpu.vector_load %arg12[%swap3A] {strides = array<i32>} : memref<272xf32, #tpu.memory_space<vmem>>, vector<16xf32>,
    %swap3A_81 = vector.shape_cast %swap3A_80 : vector<16xf32> to vector<16xf32>
    %swap3A_82 = vector.shape_cast %broadcast_in_dim3A_79 : vector<16xf32> to vector<16xf32>
    tpu.vector_store %arg12[%swap3A], %swap3A_82 {strides = array<i32>} : memref<272xf32, #tpu.memory_space<vmem>>, vector<16xf32>,
    %swap3A_83 = arith.constant 16 : index
    %swap3A_84 = tpu.vector_load %arg12[%swap3A_83] {strides = array<i32>} : memref<272xf32, #tpu.memory_space<vmem>>, vector<16xf32>,
    %swap3A_85 = vector.shape_cast %swap3A_84 : vector<16xf32> to vector<16xf32>
    %swap3A_86 = vector.shape_cast %broadcast_in_dim3A_79 : vector<16xf32> to vector<16xf32>
    tpu.vector_store %arg12[%swap3A_83], %swap3A_86 {strides = array<i32>} : memref<272xf32, #tpu.memory_space<vmem>>, vector<16xf32>,
    %swap3A_87 = arith.constant 32 : index
    %swap3A_88 = tpu.vector_load %arg12[%swap3A_87] {strides = array<i32>} : memref<272xf32, #tpu.memory_space<vmem>>, vector<16xf32>,
    %swap3A_89 = vector.shape_cast %swap3A_88 : vector<16xf32> to vector<16xf32>
    %swap3A_90 = vector.shape_cast %broadcast_in_dim3A_79 : vector<16xf32> to vector<16xf32>
    tpu.vector_store %arg12[%swap3A_87], %swap3A_90 {strides = array<i32>} : memref<272xf32, #tpu.memory_space<vmem>>, vector<16xf32>,
    %swap3A_91 = arith.constant 48 : index
    %swap3A_92 = tpu.vector_load %arg12[%swap3A_91] {strides = array<i32>} : memref<272xf32, #tpu.memory_space<vmem>>, vector<16xf32>,
    %swap3A_93 = vector.shape_cast %swap3A_92 : vector<16xf32> to vector<16xf32>
    %swap3A_94 = vector.shape_cast %broadcast_in_dim3A_79 : vector<16xf32> to vector<16xf32>
    tpu.vector_store %arg12[%swap3A_91], %swap3A_94 {strides = array<i32>} : memref<272xf32, #tpu.memory_space<vmem>>, vector<16xf32>,
    %swap3A_95 = arith.constant 64 : index
    %swap3A_96 = tpu.vector_load %arg12[%swap3A_95] {strides = array<i32>} : memref<272xf32, #tpu.memory_space<vmem>>, vector<16xf32>,
    %swap3A_97 = vector.shape_cast %swap3A_96 : vector<16xf32> to vector<16xf32>
    %swap3A_98 = vector.shape_cast %broadcast_in_dim3A_79 : vector<16xf32> to vector<16xf32>
    tpu.vector_store %arg12[%swap3A_95], %swap3A_98 {strides = array<i32>} : memref<272xf32, #tpu.memory_space<vmem>>, vector<16xf32>,
    %swap3A_99 = arith.constant 80 : index
    %swap3A_100 = tpu.vector_load %arg12[%swap3A_99] {strides = array<i32>} : memref<272xf32, #tpu.memory_space<vmem>>, vector<16xf32>,
    %swap3A_101 = vector.shape_cast %swap3A_100 : vector<16xf32> to vector<16xf32>
    %swap3A_102 = vector.shape_cast %broadcast_in_dim3A_79 : vector<16xf32> to vector<16xf32>
    tpu.vector_store %arg12[%swap3A_99], %swap3A_102 {strides = array<i32>} : memref<272xf32, #tpu.memory_space<vmem>>, vector<16xf32>,
    %swap3A_103 = arith.constant 96 : index
    %swap3A_104 = tpu.vector_load %arg12[%swap3A_103] {strides = array<i32>} : memref<272xf32, #tpu.memory_space<vmem>>, vector<16xf32>,
    %swap3A_105 = vector.shape_cast %swap3A_104 : vector<16xf32> to vector<16xf32>
    %swap3A_106 = vector.shape_cast %broadcast_in_dim3A_79 : vector<16xf32> to vector<16xf32>
    tpu.vector_store %arg12[%swap3A_103], %swap3A_106 {strides = array<i32>} : memref<272xf32, #tpu.memory_space<vmem>>, vector<16xf32>,
    %swap3A_107 = arith.constant 112 : index
    %swap3A_108 = tpu.vector_load %arg12[%swap3A_107] {strides = array<i32>} : memref<272xf32, #tpu.memory_space<vmem>>, vector<16xf32>,
    %swap3A_109 = vector.shape_cast %swap3A_108 : vector<16xf32> to vector<16xf32>
    %swap3A_110 = vector.shape_cast %broadcast_in_dim3A_79 : vector<16xf32> to vector<16xf32>
    tpu.vector_store %arg12[%swap3A_107], %swap3A_110 {strides = array<i32>} : memref<272xf32, #tpu.memory_space<vmem>>, vector<16xf32>,
    %swap3A_111 = arith.constant 128 : index
    %swap3A_112 = tpu.vector_load %arg12[%swap3A_111] {strides = array<i32>} : memref<272xf32, #tpu.memory_space<vmem>>, vector<16xf32>,
    %swap3A_113 = vector.shape_cast %swap3A_112 : vector<16xf32> to vector<16xf32>
    %swap3A_114 = vector.shape_cast %broadcast_in_dim3A_79 : vector<16xf32> to vector<16xf32>
    tpu.vector_store %arg12[%swap3A_111], %swap3A_114 {strides = array<i32>} : memref<272xf32, #tpu.memory_space<vmem>>, vector<16xf32>,
    %swap3A_115 = arith.constant 144 : index
    %swap3A_116 = tpu.vector_load %arg12[%swap3A_115] {strides = array<i32>} : memref<272xf32, #tpu.memory_space<vmem>>, vector<16xf32>,
    %swap3A_117 = vector.shape_cast %swap3A_116 : vector<16xf32> to vector<16xf32>
    %swap3A_118 = vector.shape_cast %broadcast_in_dim3A_79 : vector<16xf32> to vector<16xf32>
    tpu.vector_store %arg12[%swap3A_115], %swap3A_118 {strides = array<i32>} : memref<272xf32, #tpu.memory_space<vmem>>, vector<16xf32>,
    %swap3A_119 = arith.constant 160 : index
    %swap3A_120 = tpu.vector_load %arg12[%swap3A_119] {strides = array<i32>} : memref<272xf32, #tpu.memory_space<vmem>>, vector<16xf32>,
    %swap3A_121 = vector.shape_cast %swap3A_120 : vector<16xf32> to vector<16xf32>
    %swap3A_122 = vector.shape_cast %broadcast_in_dim3A_79 : vector<16xf32> to vector<16xf32>
    tpu.vector_store %arg12[%swap3A_119], %swap3A_122 {strides = array<i32>} : memref<272xf32, #tpu.memory_space<vmem>>, vector<16xf32>,
    %swap3A_123 = arith.constant 176 : index
    %swap3A_124 = tpu.vector_load %arg12[%swap3A_123] {strides = array<i32>} : memref<272xf32, #tpu.memory_space<vmem>>, vector<16xf32>,
    %swap3A_125 = vector.shape_cast %swap3A_124 : vector<16xf32> to vector<16xf32>
    %swap3A_126 = vector.shape_cast %broadcast_in_dim3A_79 : vector<16xf32> to vector<16xf32>
    tpu.vector_store %arg12[%swap3A_123], %swap3A_126 {strides = array<i32>} : memref<272xf32, #tpu.memory_space<vmem>>, vector<16xf32>,
    %swap3A_127 = arith.constant 192 : index
    %swap3A_128 = tpu.vector_load %arg12[%swap3A_127] {strides = array<i32>} : memref<272xf32, #tpu.memory_space<vmem>>, vector<16xf32>,
    %swap3A_129 = vector.shape_cast %swap3A_128 : vector<16xf32> to vector<16xf32>
    %swap3A_130 = vector.shape_cast %broadcast_in_dim3A_79 : vector<16xf32> to vector<16xf32>
    tpu.vector_store %arg12[%swap3A_127], %swap3A_130 {strides = array<i32>} : memref<272xf32, #tpu.memory_space<vmem>>, vector<16xf32>,
    %swap3A_131 = arith.constant 208 : index
    %swap3A_132 = tpu.vector_load %arg12[%swap3A_131] {strides = array<i32>} : memref<272xf32, #tpu.memory_space<vmem>>, vector<16xf32>,
    %swap3A_133 = vector.shape_cast %swap3A_132 : vector<16xf32> to vector<16xf32>
    %swap3A_134 = vector.shape_cast %broadcast_in_dim3A_79 : vector<16xf32> to vector<16xf32>
    tpu.vector_store %arg12[%swap3A_131], %swap3A_134 {strides = array<i32>} : memref<272xf32, #tpu.memory_space<vmem>>, vector<16xf32>,
    %swap3A_135 = arith.constant 224 : index
    %swap3A_136 = tpu.vector_load %arg12[%swap3A_135] {strides = array<i32>} : memref<272xf32, #tpu.memory_space<vmem>>, vector<16xf32>,
    %swap3A_137 = vector.shape_cast %swap3A_136 : vector<16xf32> to vector<16xf32>
    %swap3A_138 = vector.shape_cast %broadcast_in_dim3A_79 : vector<16xf32> to vector<16xf32>
    tpu.vector_store %arg12[%swap3A_135], %swap3A_138 {strides = array<i32>} : memref<272xf32, #tpu.memory_space<vmem>>, vector<16xf32>,
    %swap3A_139 = arith.constant 240 : index
    %swap3A_140 = tpu.vector_load %arg12[%swap3A_139] {strides = array<i32>} : memref<272xf32, #tpu.memory_space<vmem>>, vector<16xf32>,
    %swap3A_141 = vector.shape_cast %swap3A_140 : vector<16xf32> to vector<16xf32>
    %swap3A_142 = vector.shape_cast %broadcast_in_dim3A_79 : vector<16xf32> to vector<16xf32>
    tpu.vector_store %arg12[%swap3A_139], %swap3A_142 {strides = array<i32>} : memref<272xf32, #tpu.memory_space<vmem>>, vector<16xf32>,
    %broadcast_in_dim3A_143 = arith.constant 0.000000e+00 : f32
    %broadcast_in_dim3A_144 = vector.broadcast %broadcast_in_dim3A_143 : f32 to vector<16xf32>
    %get3A_145 = arith.constant 0 : index
    %get3A_146 = tpu.vector_load %arg10[%get3A_145] {strides = array<i32>} : memref<256xi32, #tpu.memory_space<vmem>>, vector<16xi32>,
    %get3A_147 = vector.shape_cast %get3A_146 : vector<16xi32> to vector<16xi32>
    %eq3A = arith.cmpi eq, %get3A_147, %get3A_25 : vector<16xi32>
    %jit3A = arith.constant 1.000000e+00 : f32
    %jit3A_148 = arith.constant 0.000000e+00 : f32
    %broadcast_in_dim3A_149 = vector.broadcast %jit3A : f32 to vector<16xf32>
    %broadcast_in_dim3A_150 = vector.broadcast %jit3A_148 : f32 to vector<16xf32>
    %select_n3A = arith.select %eq3A, %broadcast_in_dim3A_149, %broadcast_in_dim3A_150 : vector<16xi1>, vector<16xf32>
    %add3A_151 = arith.addf %broadcast_in_dim3A_144, %select_n3A : vector<16xf32>
    %get3A_152 = arith.constant 16 : index
    %get3A_153 = tpu.vector_load %arg10[%get3A_152] {strides = array<i32>} : memref<256xi32, #tpu.memory_space<vmem>>, vector<16xi32>,
    %get3A_154 = vector.shape_cast %get3A_153 : vector<16xi32> to vector<16xi32>
    %eq3A_155 = arith.cmpi eq, %get3A_154, %get3A_25 : vector<16xi32>
    %jit3A_156 = arith.constant 1.000000e+00 : f32
    %jit3A_157 = arith.constant 0.000000e+00 : f32
    %broadcast_in_dim3A_158 = vector.broadcast %jit3A_156 : f32 to vector<16xf32>
    %broadcast_in_dim3A_159 = vector.broadcast %jit3A_157 : f32 to vector<16xf32>
    %select_n3A_160 = arith.select %eq3A_155, %broadcast_in_dim3A_158, %broadcast_in_dim3A_159 : vector<16xi1>, vector<16xf32>
    %add3A_161 = arith.addf %add3A_151, %select_n3A_160 : vector<16xf32>
    %get3A_162 = arith.constant 32 : index
    %get3A_163 = tpu.vector_load %arg10[%get3A_162] {strides = array<i32>} : memref<256xi32, #tpu.memory_space<vmem>>, vector<16xi32>,
    %get3A_164 = vector.shape_cast %get3A_163 : vector<16xi32> to vector<16xi32>
    %eq3A_165 = arith.cmpi eq, %get3A_164, %get3A_25 : vector<16xi32>
    %jit3A_166 = arith.constant 1.000000e+00 : f32
    %jit3A_167 = arith.constant 0.000000e+00 : f32
    %broadcast_in_dim3A_168 = vector.broadcast %jit3A_166 : f32 to vector<16xf32>
    %broadcast_in_dim3A_169 = vector.broadcast %jit3A_167 : f32 to vector<16xf32>
    %select_n3A_170 = arith.select %eq3A_165, %broadcast_in_dim3A_168, %broadcast_in_dim3A_169 : vector<16xi1>, vector<16xf32>
    %add3A_171 = arith.addf %add3A_161, %select_n3A_170 : vector<16xf32>
    %get3A_172 = arith.constant 48 : index
    %get3A_173 = tpu.vector_load %arg10[%get3A_172] {strides = array<i32>} : memref<256xi32, #tpu.memory_space<vmem>>, vector<16xi32>,
    %get3A_174 = vector.shape_cast %get3A_173 : vector<16xi32> to vector<16xi32>
    %eq3A_175 = arith.cmpi eq, %get3A_174, %get3A_25 : vector<16xi32>
    %jit3A_176 = arith.constant 1.000000e+00 : f32
    %jit3A_177 = arith.constant 0.000000e+00 : f32
    %broadcast_in_dim3A_178 = vector.broadcast %jit3A_176 : f32 to vector<16xf32>
    %broadcast_in_dim3A_179 = vector.broadcast %jit3A_177 : f32 to vector<16xf32>
    %select_n3A_180 = arith.select %eq3A_175, %broadcast_in_dim3A_178, %broadcast_in_dim3A_179 : vector<16xi1>, vector<16xf32>
    %add3A_181 = arith.addf %add3A_171, %select_n3A_180 : vector<16xf32>
    %get3A_182 = arith.constant 64 : index
    %get3A_183 = tpu.vector_load %arg10[%get3A_182] {strides = array<i32>} : memref<256xi32, #tpu.memory_space<vmem>>, vector<16xi32>,
    %get3A_184 = vector.shape_cast %get3A_183 : vector<16xi32> to vector<16xi32>
    %eq3A_185 = arith.cmpi eq, %get3A_184, %get3A_25 : vector<16xi32>
    %jit3A_186 = arith.constant 1.000000e+00 : f32
    %jit3A_187 = arith.constant 0.000000e+00 : f32
    %broadcast_in_dim3A_188 = vector.broadcast %jit3A_186 : f32 to vector<16xf32>
    %broadcast_in_dim3A_189 = vector.broadcast %jit3A_187 : f32 to vector<16xf32>
    %select_n3A_190 = arith.select %eq3A_185, %broadcast_in_dim3A_188, %broadcast_in_dim3A_189 : vector<16xi1>, vector<16xf32>
    %add3A_191 = arith.addf %add3A_181, %select_n3A_190 : vector<16xf32>
    %get3A_192 = arith.constant 80 : index
    %get3A_193 = tpu.vector_load %arg10[%get3A_192] {strides = array<i32>} : memref<256xi32, #tpu.memory_space<vmem>>, vector<16xi32>,
    %get3A_194 = vector.shape_cast %get3A_193 : vector<16xi32> to vector<16xi32>
    %eq3A_195 = arith.cmpi eq, %get3A_194, %get3A_25 : vector<16xi32>
    %jit3A_196 = arith.constant 1.000000e+00 : f32
    %jit3A_197 = arith.constant 0.000000e+00 : f32
    %broadcast_in_dim3A_198 = vector.broadcast %jit3A_196 : f32 to vector<16xf32>
    %broadcast_in_dim3A_199 = vector.broadcast %jit3A_197 : f32 to vector<16xf32>
    %select_n3A_200 = arith.select %eq3A_195, %broadcast_in_dim3A_198, %broadcast_in_dim3A_199 : vector<16xi1>, vector<16xf32>
    %add3A_201 = arith.addf %add3A_191, %select_n3A_200 : vector<16xf32>
    %get3A_202 = arith.constant 96 : index
    %get3A_203 = tpu.vector_load %arg10[%get3A_202] {strides = array<i32>} : memref<256xi32, #tpu.memory_space<vmem>>, vector<16xi32>,
    %get3A_204 = vector.shape_cast %get3A_203 : vector<16xi32> to vector<16xi32>
    %eq3A_205 = arith.cmpi eq, %get3A_204, %get3A_25 : vector<16xi32>
    %jit3A_206 = arith.constant 1.000000e+00 : f32
    %jit3A_207 = arith.constant 0.000000e+00 : f32
    %broadcast_in_dim3A_208 = vector.broadcast %jit3A_206 : f32 to vector<16xf32>
    %broadcast_in_dim3A_209 = vector.broadcast %jit3A_207 : f32 to vector<16xf32>
    %select_n3A_210 = arith.select %eq3A_205, %broadcast_in_dim3A_208, %broadcast_in_dim3A_209 : vector<16xi1>, vector<16xf32>
    %add3A_211 = arith.addf %add3A_201, %select_n3A_210 : vector<16xf32>
    %get3A_212 = arith.constant 112 : index
    %get3A_213 = tpu.vector_load %arg10[%get3A_212] {strides = array<i32>} : memref<256xi32, #tpu.memory_space<vmem>>, vector<16xi32>,
    %get3A_214 = vector.shape_cast %get3A_213 : vector<16xi32> to vector<16xi32>
    %eq3A_215 = arith.cmpi eq, %get3A_214, %get3A_25 : vector<16xi32>
    %jit3A_216 = arith.constant 1.000000e+00 : f32
    %jit3A_217 = arith.constant 0.000000e+00 : f32
    %broadcast_in_dim3A_218 = vector.broadcast %jit3A_216 : f32 to vector<16xf32>
    %broadcast_in_dim3A_219 = vector.broadcast %jit3A_217 : f32 to vector<16xf32>
    %select_n3A_220 = arith.select %eq3A_215, %broadcast_in_dim3A_218, %broadcast_in_dim3A_219 : vector<16xi1>, vector<16xf32>
    %add3A_221 = arith.addf %add3A_211, %select_n3A_220 : vector<16xf32>
    %get3A_222 = arith.constant 128 : index
    %get3A_223 = tpu.vector_load %arg10[%get3A_222] {strides = array<i32>} : memref<256xi32, #tpu.memory_space<vmem>>, vector<16xi32>,
    %get3A_224 = vector.shape_cast %get3A_223 : vector<16xi32> to vector<16xi32>
    %eq3A_225 = arith.cmpi eq, %get3A_224, %get3A_25 : vector<16xi32>
    %jit3A_226 = arith.constant 1.000000e+00 : f32
    %jit3A_227 = arith.constant 0.000000e+00 : f32
    %broadcast_in_dim3A_228 = vector.broadcast %jit3A_226 : f32 to vector<16xf32>
    %broadcast_in_dim3A_229 = vector.broadcast %jit3A_227 : f32 to vector<16xf32>
    %select_n3A_230 = arith.select %eq3A_225, %broadcast_in_dim3A_228, %broadcast_in_dim3A_229 : vector<16xi1>, vector<16xf32>
    %add3A_231 = arith.addf %add3A_221, %select_n3A_230 : vector<16xf32>
    %get3A_232 = arith.constant 144 : index
    %get3A_233 = tpu.vector_load %arg10[%get3A_232] {strides = array<i32>} : memref<256xi32, #tpu.memory_space<vmem>>, vector<16xi32>,
    %get3A_234 = vector.shape_cast %get3A_233 : vector<16xi32> to vector<16xi32>
    %eq3A_235 = arith.cmpi eq, %get3A_234, %get3A_25 : vector<16xi32>
    %jit3A_236 = arith.constant 1.000000e+00 : f32
    %jit3A_237 = arith.constant 0.000000e+00 : f32
    %broadcast_in_dim3A_238 = vector.broadcast %jit3A_236 : f32 to vector<16xf32>
    %broadcast_in_dim3A_239 = vector.broadcast %jit3A_237 : f32 to vector<16xf32>
    %select_n3A_240 = arith.select %eq3A_235, %broadcast_in_dim3A_238, %broadcast_in_dim3A_239 : vector<16xi1>, vector<16xf32>
    %add3A_241 = arith.addf %add3A_231, %select_n3A_240 : vector<16xf32>
    %get3A_242 = arith.constant 160 : index
    %get3A_243 = tpu.vector_load %arg10[%get3A_242] {strides = array<i32>} : memref<256xi32, #tpu.memory_space<vmem>>, vector<16xi32>,
    %get3A_244 = vector.shape_cast %get3A_243 : vector<16xi32> to vector<16xi32>
    %eq3A_245 = arith.cmpi eq, %get3A_244, %get3A_25 : vector<16xi32>
    %jit3A_246 = arith.constant 1.000000e+00 : f32
    %jit3A_247 = arith.constant 0.000000e+00 : f32
    %broadcast_in_dim3A_248 = vector.broadcast %jit3A_246 : f32 to vector<16xf32>
    %broadcast_in_dim3A_249 = vector.broadcast %jit3A_247 : f32 to vector<16xf32>
    %select_n3A_250 = arith.select %eq3A_245, %broadcast_in_dim3A_248, %broadcast_in_dim3A_249 : vector<16xi1>, vector<16xf32>
    %add3A_251 = arith.addf %add3A_241, %select_n3A_250 : vector<16xf32>
    %get3A_252 = arith.constant 176 : index
    %get3A_253 = tpu.vector_load %arg10[%get3A_252] {strides = array<i32>} : memref<256xi32, #tpu.memory_space<vmem>>, vector<16xi32>,
    %get3A_254 = vector.shape_cast %get3A_253 : vector<16xi32> to vector<16xi32>
    %eq3A_255 = arith.cmpi eq, %get3A_254, %get3A_25 : vector<16xi32>
    %jit3A_256 = arith.constant 1.000000e+00 : f32
    %jit3A_257 = arith.constant 0.000000e+00 : f32
    %broadcast_in_dim3A_258 = vector.broadcast %jit3A_256 : f32 to vector<16xf32>
    %broadcast_in_dim3A_259 = vector.broadcast %jit3A_257 : f32 to vector<16xf32>
    %select_n3A_260 = arith.select %eq3A_255, %broadcast_in_dim3A_258, %broadcast_in_dim3A_259 : vector<16xi1>, vector<16xf32>
    %add3A_261 = arith.addf %add3A_251, %select_n3A_260 : vector<16xf32>
    %get3A_262 = arith.constant 192 : index
    %get3A_263 = tpu.vector_load %arg10[%get3A_262] {strides = array<i32>} : memref<256xi32, #tpu.memory_space<vmem>>, vector<16xi32>,
    %get3A_264 = vector.shape_cast %get3A_263 : vector<16xi32> to vector<16xi32>
    %eq3A_265 = arith.cmpi eq, %get3A_264, %get3A_25 : vector<16xi32>
    %jit3A_266 = arith.constant 1.000000e+00 : f32
    %jit3A_267 = arith.constant 0.000000e+00 : f32
    %broadcast_in_dim3A_268 = vector.broadcast %jit3A_266 : f32 to vector<16xf32>
    %broadcast_in_dim3A_269 = vector.broadcast %jit3A_267 : f32 to vector<16xf32>
    %select_n3A_270 = arith.select %eq3A_265, %broadcast_in_dim3A_268, %broadcast_in_dim3A_269 : vector<16xi1>, vector<16xf32>
    %add3A_271 = arith.addf %add3A_261, %select_n3A_270 : vector<16xf32>
    %get3A_272 = arith.constant 208 : index
    %get3A_273 = tpu.vector_load %arg10[%get3A_272] {strides = array<i32>} : memref<256xi32, #tpu.memory_space<vmem>>, vector<16xi32>,
    %get3A_274 = vector.shape_cast %get3A_273 : vector<16xi32> to vector<16xi32>
    %eq3A_275 = arith.cmpi eq, %get3A_274, %get3A_25 : vector<16xi32>
    %jit3A_276 = arith.constant 1.000000e+00 : f32
    %jit3A_277 = arith.constant 0.000000e+00 : f32
    %broadcast_in_dim3A_278 = vector.broadcast %jit3A_276 : f32 to vector<16xf32>
    %broadcast_in_dim3A_279 = vector.broadcast %jit3A_277 : f32 to vector<16xf32>
    %select_n3A_280 = arith.select %eq3A_275, %broadcast_in_dim3A_278, %broadcast_in_dim3A_279 : vector<16xi1>, vector<16xf32>
    %add3A_281 = arith.addf %add3A_271, %select_n3A_280 : vector<16xf32>
    %get3A_282 = arith.constant 224 : index
    %get3A_283 = tpu.vector_load %arg10[%get3A_282] {strides = array<i32>} : memref<256xi32, #tpu.memory_space<vmem>>, vector<16xi32>,
    %get3A_284 = vector.shape_cast %get3A_283 : vector<16xi32> to vector<16xi32>
    %eq3A_285 = arith.cmpi eq, %get3A_284, %get3A_25 : vector<16xi32>
    %jit3A_286 = arith.constant 1.000000e+00 : f32
    %jit3A_287 = arith.constant 0.000000e+00 : f32
    %broadcast_in_dim3A_288 = vector.broadcast %jit3A_286 : f32 to vector<16xf32>
    %broadcast_in_dim3A_289 = vector.broadcast %jit3A_287 : f32 to vector<16xf32>
    %select_n3A_290 = arith.select %eq3A_285, %broadcast_in_dim3A_288, %broadcast_in_dim3A_289 : vector<16xi1>, vector<16xf32>
    %add3A_291 = arith.addf %add3A_281, %select_n3A_290 : vector<16xf32>
    %get3A_292 = arith.constant 240 : index
    %get3A_293 = tpu.vector_load %arg10[%get3A_292] {strides = array<i32>} : memref<256xi32, #tpu.memory_space<vmem>>, vector<16xi32>,
    %get3A_294 = vector.shape_cast %get3A_293 : vector<16xi32> to vector<16xi32>
    %eq3A_295 = arith.cmpi eq, %get3A_294, %get3A_25 : vector<16xi32>
    %jit3A_296 = arith.constant 1.000000e+00 : f32
    %jit3A_297 = arith.constant 0.000000e+00 : f32
    %broadcast_in_dim3A_298 = vector.broadcast %jit3A_296 : f32 to vector<16xf32>
    %broadcast_in_dim3A_299 = vector.broadcast %jit3A_297 : f32 to vector<16xf32>
    %select_n3A_300 = arith.select %eq3A_295, %broadcast_in_dim3A_298, %broadcast_in_dim3A_299 : vector<16xi1>, vector<16xf32>
    %add3A_301 = arith.addf %add3A_291, %select_n3A_300 : vector<16xf32>
    %swap3A_302 = arith.constant 256 : index
    %swap3A_303 = tpu.vector_load %arg12[%swap3A_302] {strides = array<i32>} : memref<272xf32, #tpu.memory_space<vmem>>, vector<16xf32>,
    %swap3A_304 = vector.shape_cast %swap3A_303 : vector<16xf32> to vector<16xf32>
    %swap3A_305 = vector.shape_cast %add3A_301 : vector<16xf32> to vector<16xf32>
    tpu.vector_store %arg12[%swap3A_302], %swap3A_305 {strides = array<i32>} : memref<272xf32, #tpu.memory_space<vmem>>, vector<16xf32>,
    %slice3A_306 = vector.extract_strided_slice %add3A_301 {offsets = [0], sizes = [1], strides = [1]} : vector<16xf32> to vector<1xf32>
    %squeeze3A_307 = vector.extract %slice3A_306[0] : f32 from vector<1xf32>
    %slice3A_308 = vector.extract_strided_slice %add3A_301 {offsets = [1], sizes = [1], strides = [1]} : vector<16xf32> to vector<1xf32>
    %squeeze3A_309 = vector.extract %slice3A_308[0] : f32 from vector<1xf32>
    %add3A_310 = arith.addf %squeeze3A_307, %squeeze3A_309 : f32
    %slice3A_311 = vector.extract_strided_slice %add3A_301 {offsets = [2], sizes = [1], strides = [1]} : vector<16xf32> to vector<1xf32>
    %squeeze3A_312 = vector.extract %slice3A_311[0] : f32 from vector<1xf32>
    %add3A_313 = arith.addf %add3A_310, %squeeze3A_312 : f32
    %slice3A_314 = vector.extract_strided_slice %add3A_301 {offsets = [3], sizes = [1], strides = [1]} : vector<16xf32> to vector<1xf32>
    %squeeze3A_315 = vector.extract %slice3A_314[0] : f32 from vector<1xf32>
    %add3A_316 = arith.addf %add3A_313, %squeeze3A_315 : f32
    %slice3A_317 = vector.extract_strided_slice %add3A_301 {offsets = [4], sizes = [1], strides = [1]} : vector<16xf32> to vector<1xf32>
    %squeeze3A_318 = vector.extract %slice3A_317[0] : f32 from vector<1xf32>
    %add3A_319 = arith.addf %add3A_316, %squeeze3A_318 : f32
    %slice3A_320 = vector.extract_strided_slice %add3A_301 {offsets = [5], sizes = [1], strides = [1]} : vector<16xf32> to vector<1xf32>
    %squeeze3A_321 = vector.extract %slice3A_320[0] : f32 from vector<1xf32>
    %add3A_322 = arith.addf %add3A_319, %squeeze3A_321 : f32
    %slice3A_323 = vector.extract_strided_slice %add3A_301 {offsets = [6], sizes = [1], strides = [1]} : vector<16xf32> to vector<1xf32>
    %squeeze3A_324 = vector.extract %slice3A_323[0] : f32 from vector<1xf32>
    %add3A_325 = arith.addf %add3A_322, %squeeze3A_324 : f32
    %slice3A_326 = vector.extract_strided_slice %add3A_301 {offsets = [7], sizes = [1], strides = [1]} : vector<16xf32> to vector<1xf32>
    %squeeze3A_327 = vector.extract %slice3A_326[0] : f32 from vector<1xf32>
    %add3A_328 = arith.addf %add3A_325, %squeeze3A_327 : f32
    %slice3A_329 = vector.extract_strided_slice %add3A_301 {offsets = [8], sizes = [1], strides = [1]} : vector<16xf32> to vector<1xf32>
    %squeeze3A_330 = vector.extract %slice3A_329[0] : f32 from vector<1xf32>
    %add3A_331 = arith.addf %add3A_328, %squeeze3A_330 : f32
    %slice3A_332 = vector.extract_strided_slice %add3A_301 {offsets = [9], sizes = [1], strides = [1]} : vector<16xf32> to vector<1xf32>
    %squeeze3A_333 = vector.extract %slice3A_332[0] : f32 from vector<1xf32>
    %add3A_334 = arith.addf %add3A_331, %squeeze3A_333 : f32
    %slice3A_335 = vector.extract_strided_slice %add3A_301 {offsets = [10], sizes = [1], strides = [1]} : vector<16xf32> to vector<1xf32>
    %squeeze3A_336 = vector.extract %slice3A_335[0] : f32 from vector<1xf32>
    %add3A_337 = arith.addf %add3A_334, %squeeze3A_336 : f32
    %slice3A_338 = vector.extract_strided_slice %add3A_301 {offsets = [11], sizes = [1], strides = [1]} : vector<16xf32> to vector<1xf32>
    %squeeze3A_339 = vector.extract %slice3A_338[0] : f32 from vector<1xf32>
    %add3A_340 = arith.addf %add3A_337, %squeeze3A_339 : f32
    %slice3A_341 = vector.extract_strided_slice %add3A_301 {offsets = [12], sizes = [1], strides = [1]} : vector<16xf32> to vector<1xf32>
    %squeeze3A_342 = vector.extract %slice3A_341[0] : f32 from vector<1xf32>
    %add3A_343 = arith.addf %add3A_340, %squeeze3A_342 : f32
    %slice3A_344 = vector.extract_strided_slice %add3A_301 {offsets = [13], sizes = [1], strides = [1]} : vector<16xf32> to vector<1xf32>
    %squeeze3A_345 = vector.extract %slice3A_344[0] : f32 from vector<1xf32>
    %add3A_346 = arith.addf %add3A_343, %squeeze3A_345 : f32
    %slice3A_347 = vector.extract_strided_slice %add3A_301 {offsets = [14], sizes = [1], strides = [1]} : vector<16xf32> to vector<1xf32>
    %squeeze3A_348 = vector.extract %slice3A_347[0] : f32 from vector<1xf32>
    %add3A_349 = arith.addf %add3A_346, %squeeze3A_348 : f32
    %slice3A_350 = vector.extract_strided_slice %add3A_301 {offsets = [15], sizes = [1], strides = [1]} : vector<16xf32> to vector<1xf32>
    %squeeze3A_351 = vector.extract %slice3A_350[0] : f32 from vector<1xf32>
    %add3A_352 = arith.addf %add3A_349, %squeeze3A_351 : f32
    %gt3A = arith.constant 0.000000e+00 : f32
    %gt3A_353 = arith.cmpf ogt, %add3A_352, %gt3A : f32
    %convert_element_type3A = arith.extui %gt3A_353 : i1 to i32
    %cond3A = arith.constant 0 : i32
    %cond3A_354 = arith.cmpi ne, %convert_element_type3A, %cond3A : i32
    scf.if %cond3A_354 {
      %scan3A = arith.constant 0 : i32
      %scan3A_364 = arith.constant 0 : i32
      %scan3A_365 = arith.constant 16 : i32
      %scan3A_366 = arith.addi %scan3A_364, %scan3A_365 : i32
      %scan3A_367 = arith.constant 1 : i32
      scf.for %scan3A_369 = %scan3A_364 to %scan3A_366 step %scan3A_367  : i32 {
        %mul3A_370 = arith.constant 16 : i32
        %mul3A_371 = arith.muli %scan3A_369, %mul3A_370 : i32
        %get3A_372 = arith.index_cast %mul3A_371 : i32 to index
        %get3A_373 = tpu.vector_load %arg10[%get3A_372] {strides = array<i32>} : memref<256xi32, #tpu.memory_space<vmem>>, vector<16xi32>,
        %get3A_374 = vector.shape_cast %get3A_373 : vector<16xi32> to vector<16xi32>
        %eq3A_375 = arith.cmpi eq, %get3A_374, %get3A_25 : vector<16xi32>
        %jit3A_376 = arith.constant 1.000000e+00 : f32
        %jit3A_377 = arith.constant 0.000000e+00 : f32
        %broadcast_in_dim3A_378 = vector.broadcast %jit3A_376 : f32 to vector<16xf32>
        %broadcast_in_dim3A_379 = vector.broadcast %jit3A_377 : f32 to vector<16xf32>
        %select_n3A_380 = arith.select %eq3A_375, %broadcast_in_dim3A_378, %broadcast_in_dim3A_379 : vector<16xi1>, vector<16xf32>
        %slice3A_381 = vector.extract_strided_slice %select_n3A_380 {offsets = [0], sizes = [1], strides = [1]} : vector<16xf32> to vector<1xf32>
        %squeeze3A_382 = vector.extract %slice3A_381[0] : f32 from vector<1xf32>
        %slice3A_383 = vector.extract_strided_slice %select_n3A_380 {offsets = [1], sizes = [1], strides = [1]} : vector<16xf32> to vector<1xf32>
        %squeeze3A_384 = vector.extract %slice3A_383[0] : f32 from vector<1xf32>
        %slice3A_385 = vector.extract_strided_slice %select_n3A_380 {offsets = [2], sizes = [1], strides = [1]} : vector<16xf32> to vector<1xf32>
        %squeeze3A_386 = vector.extract %slice3A_385[0] : f32 from vector<1xf32>
        %slice3A_387 = vector.extract_strided_slice %select_n3A_380 {offsets = [3], sizes = [1], strides = [1]} : vector<16xf32> to vector<1xf32>
        %squeeze3A_388 = vector.extract %slice3A_387[0] : f32 from vector<1xf32>
        %slice3A_389 = vector.extract_strided_slice %select_n3A_380 {offsets = [4], sizes = [1], strides = [1]} : vector<16xf32> to vector<1xf32>
        %squeeze3A_390 = vector.extract %slice3A_389[0] : f32 from vector<1xf32>
        %slice3A_391 = vector.extract_strided_slice %select_n3A_380 {offsets = [5], sizes = [1], strides = [1]} : vector<16xf32> to vector<1xf32>
        %squeeze3A_392 = vector.extract %slice3A_391[0] : f32 from vector<1xf32>
        %slice3A_393 = vector.extract_strided_slice %select_n3A_380 {offsets = [6], sizes = [1], strides = [1]} : vector<16xf32> to vector<1xf32>
        %squeeze3A_394 = vector.extract %slice3A_393[0] : f32 from vector<1xf32>
        %slice3A_395 = vector.extract_strided_slice %select_n3A_380 {offsets = [7], sizes = [1], strides = [1]} : vector<16xf32> to vector<1xf32>
        %squeeze3A_396 = vector.extract %slice3A_395[0] : f32 from vector<1xf32>
        %slice3A_397 = vector.extract_strided_slice %select_n3A_380 {offsets = [8], sizes = [1], strides = [1]} : vector<16xf32> to vector<1xf32>
        %squeeze3A_398 = vector.extract %slice3A_397[0] : f32 from vector<1xf32>
        %slice3A_399 = vector.extract_strided_slice %select_n3A_380 {offsets = [9], sizes = [1], strides = [1]} : vector<16xf32> to vector<1xf32>
        %squeeze3A_400 = vector.extract %slice3A_399[0] : f32 from vector<1xf32>
        %slice3A_401 = vector.extract_strided_slice %select_n3A_380 {offsets = [10], sizes = [1], strides = [1]} : vector<16xf32> to vector<1xf32>
        %squeeze3A_402 = vector.extract %slice3A_401[0] : f32 from vector<1xf32>
        %slice3A_403 = vector.extract_strided_slice %select_n3A_380 {offsets = [11], sizes = [1], strides = [1]} : vector<16xf32> to vector<1xf32>
        %squeeze3A_404 = vector.extract %slice3A_403[0] : f32 from vector<1xf32>
        %slice3A_405 = vector.extract_strided_slice %select_n3A_380 {offsets = [12], sizes = [1], strides = [1]} : vector<16xf32> to vector<1xf32>
        %squeeze3A_406 = vector.extract %slice3A_405[0] : f32 from vector<1xf32>
        %slice3A_407 = vector.extract_strided_slice %select_n3A_380 {offsets = [13], sizes = [1], strides = [1]} : vector<16xf32> to vector<1xf32>
        %squeeze3A_408 = vector.extract %slice3A_407[0] : f32 from vector<1xf32>
        %slice3A_409 = vector.extract_strided_slice %select_n3A_380 {offsets = [14], sizes = [1], strides = [1]} : vector<16xf32> to vector<1xf32>
        %squeeze3A_410 = vector.extract %slice3A_409[0] : f32 from vector<1xf32>
        %slice3A_411 = vector.extract_strided_slice %select_n3A_380 {offsets = [15], sizes = [1], strides = [1]} : vector<16xf32> to vector<1xf32>
        %squeeze3A_412 = vector.extract %slice3A_411[0] : f32 from vector<1xf32>
        %add3A_413 = arith.addf %squeeze3A_382, %squeeze3A_384 : f32
        %add3A_414 = arith.addf %add3A_413, %squeeze3A_386 : f32
        %add3A_415 = arith.addf %add3A_414, %squeeze3A_388 : f32
        %add3A_416 = arith.addf %add3A_415, %squeeze3A_390 : f32
        %add3A_417 = arith.addf %add3A_416, %squeeze3A_392 : f32
        %add3A_418 = arith.addf %add3A_417, %squeeze3A_394 : f32
        %add3A_419 = arith.addf %add3A_418, %squeeze3A_396 : f32
        %add3A_420 = arith.addf %add3A_419, %squeeze3A_398 : f32
        %add3A_421 = arith.addf %add3A_420, %squeeze3A_400 : f32
        %add3A_422 = arith.addf %add3A_421, %squeeze3A_402 : f32
        %add3A_423 = arith.addf %add3A_422, %squeeze3A_404 : f32
        %add3A_424 = arith.addf %add3A_423, %squeeze3A_406 : f32
        %add3A_425 = arith.addf %add3A_424, %squeeze3A_408 : f32
        %add3A_426 = arith.addf %add3A_425, %squeeze3A_410 : f32
        %add3A_427 = arith.addf %add3A_426, %squeeze3A_412 : f32
        %gt3A_428 = arith.constant 0.000000e+00 : f32
        %gt3A_429 = arith.cmpf ogt, %add3A_427, %gt3A_428 : f32
        %convert_element_type3A_430 = arith.extui %gt3A_429 : i1 to i32
        %cond3A_431 = arith.constant 0 : i32
        %cond3A_432 = arith.cmpi ne, %convert_element_type3A_430, %cond3A_431 : i32
        scf.if %cond3A_432 {
          %mul3A_433 = arith.constant 16 : i32
          %mul3A_434 = arith.muli %scan3A_369, %mul3A_433 : i32
          %add3A_435 = arith.addi %mul3A_2, %mul3A_434 : i32
          "tpu.region"() ({
            %run_scoped3A = tpu.sem_alloc : memref<!tpu.dma_semaphore, #tpu.memory_space<semaphore_mem>>
            %dma_start3A_2596 = arith.constant 0 : i32
            %dma_start3A_2597 = tpu.memref_slice %arg4[%add3A_435, %dma_start3A_2596] : memref<8192x256xf32, #tpu.memory_space<hbm>> -> memref<16x256xf32, #tpu.memory_space<hbm>>
            %dma_start3A_2598 = arith.constant 0 : i32
            %dma_start3A_2599 = tpu.memref_slice %arg4[%add3A_435, %dma_start3A_2598] : memref<8192x256xf32, #tpu.memory_space<hbm>> -> memref<16x256xf32, #tpu.memory_space<hbm>>
            tpu.enqueue_dma source(%dma_start3A_2599 : memref<16x256xf32, #tpu.memory_space<hbm>>) target(%arg11 : memref<16x256xf32, #tpu.memory_space<vmem>>) target_semaphore(%run_scoped3A : memref<!tpu.dma_semaphore, #tpu.memory_space<semaphore_mem>>)
            %dma_wait3A_2600 = arith.constant 0 : i32
            %dma_wait3A_2601 = tpu.memref_slice %arg4[%add3A_435, %dma_wait3A_2600] : memref<8192x256xf32, #tpu.memory_space<hbm>> -> memref<16x256xf32, #tpu.memory_space<hbm>>
            %dma_wait3A_2602 = arith.constant 0 : i32
            %dma_wait3A_2603 = tpu.memref_slice %arg4[%add3A_435, %dma_wait3A_2602] : memref<8192x256xf32, #tpu.memory_space<hbm>> -> memref<16x256xf32, #tpu.memory_space<hbm>>
            tpu.wait_dma2 semaphore(%run_scoped3A : memref<!tpu.dma_semaphore, #tpu.memory_space<semaphore_mem>>) src(%dma_wait3A_2603 : memref<16x256xf32, #tpu.memory_space<hbm>>) dst(%arg11 : memref<16x256xf32, #tpu.memory_space<vmem>>)
            tpu.yield
          }) : () -> ()
          %get3A_436 = arith.constant 0 : index
          %get3A_437 = tpu.vector_load %arg12[%get3A_436] {strides = array<i32>} : memref<272xf32, #tpu.memory_space<vmem>>, vector<16xf32>,
          %get3A_438 = vector.shape_cast %get3A_437 : vector<16xf32> to vector<16xf32>
          %get3A_439 = arith.constant 0 : i32
          %get3A_440 = arith.index_cast %get3A_439 : i32 to index
          %get3A_441 = arith.constant 0 : index
          %get3A_442 = tpu.vector_load %arg11[%get3A_440, %get3A_441] {strides = array<i32>} : memref<16x256xf32, #tpu.memory_space<vmem>>, vector<1x16xf32>,
          %get3A_443 = vector.shape_cast %get3A_442 : vector<1x16xf32> to vector<16xf32>
          %mul3A_444 = vector.broadcast %squeeze3A_382 : f32 to vector<16xf32>
          %mul3A_445 = arith.mulf %get3A_443, %mul3A_444 : vector<16xf32>
          %add3A_446 = arith.addf %get3A_438, %mul3A_445 : vector<16xf32>
          %get3A_447 = arith.constant 1 : i32
          %get3A_448 = arith.index_cast %get3A_447 : i32 to index
          %get3A_449 = arith.constant 0 : index
          %get3A_450 = tpu.vector_load %arg11[%get3A_448, %get3A_449] {strides = array<i32>} : memref<16x256xf32, #tpu.memory_space<vmem>>, vector<1x16xf32>,
          %get3A_451 = vector.shape_cast %get3A_450 : vector<1x16xf32> to vector<16xf32>
          %mul3A_452 = vector.broadcast %squeeze3A_384 : f32 to vector<16xf32>
          %mul3A_453 = arith.mulf %get3A_451, %mul3A_452 : vector<16xf32>
          %add3A_454 = arith.addf %add3A_446, %mul3A_453 : vector<16xf32>
          %get3A_455 = arith.constant 2 : i32
          %get3A_456 = arith.index_cast %get3A_455 : i32 to index
          %get3A_457 = arith.constant 0 : index
          %get3A_458 = tpu.vector_load %arg11[%get3A_456, %get3A_457] {strides = array<i32>} : memref<16x256xf32, #tpu.memory_space<vmem>>, vector<1x16xf32>,
          %get3A_459 = vector.shape_cast %get3A_458 : vector<1x16xf32> to vector<16xf32>
          %mul3A_460 = vector.broadcast %squeeze3A_386 : f32 to vector<16xf32>
          %mul3A_461 = arith.mulf %get3A_459, %mul3A_460 : vector<16xf32>
          %add3A_462 = arith.addf %add3A_454, %mul3A_461 : vector<16xf32>
          %get3A_463 = arith.constant 3 : i32
          %get3A_464 = arith.index_cast %get3A_463 : i32 to index
          %get3A_465 = arith.constant 0 : index
          %get3A_466 = tpu.vector_load %arg11[%get3A_464, %get3A_465] {strides = array<i32>} : memref<16x256xf32, #tpu.memory_space<vmem>>, vector<1x16xf32>,
          %get3A_467 = vector.shape_cast %get3A_466 : vector<1x16xf32> to vector<16xf32>
          %mul3A_468 = vector.broadcast %squeeze3A_388 : f32 to vector<16xf32>
          %mul3A_469 = arith.mulf %get3A_467, %mul3A_468 : vector<16xf32>
          %add3A_470 = arith.addf %add3A_462, %mul3A_469 : vector<16xf32>
          %get3A_471 = arith.constant 4 : i32
          %get3A_472 = arith.index_cast %get3A_471 : i32 to index
          %get3A_473 = arith.constant 0 : index
          %get3A_474 = tpu.vector_load %arg11[%get3A_472, %get3A_473] {strides = array<i32>} : memref<16x256xf32, #tpu.memory_space<vmem>>, vector<1x16xf32>,
          %get3A_475 = vector.shape_cast %get3A_474 : vector<1x16xf32> to vector<16xf32>
          %mul3A_476 = vector.broadcast %squeeze3A_390 : f32 to vector<16xf32>
          %mul3A_477 = arith.mulf %get3A_475, %mul3A_476 : vector<16xf32>
          %add3A_478 = arith.addf %add3A_470, %mul3A_477 : vector<16xf32>
          %get3A_479 = arith.constant 5 : i32
          %get3A_480 = arith.index_cast %get3A_479 : i32 to index
          %get3A_481 = arith.constant 0 : index
          %get3A_482 = tpu.vector_load %arg11[%get3A_480, %get3A_481] {strides = array<i32>} : memref<16x256xf32, #tpu.memory_space<vmem>>, vector<1x16xf32>,
          %get3A_483 = vector.shape_cast %get3A_482 : vector<1x16xf32> to vector<16xf32>
          %mul3A_484 = vector.broadcast %squeeze3A_392 : f32 to vector<16xf32>
          %mul3A_485 = arith.mulf %get3A_483, %mul3A_484 : vector<16xf32>
          %add3A_486 = arith.addf %add3A_478, %mul3A_485 : vector<16xf32>
          %get3A_487 = arith.constant 6 : i32
          %get3A_488 = arith.index_cast %get3A_487 : i32 to index
          %get3A_489 = arith.constant 0 : index
          %get3A_490 = tpu.vector_load %arg11[%get3A_488, %get3A_489] {strides = array<i32>} : memref<16x256xf32, #tpu.memory_space<vmem>>, vector<1x16xf32>,
          %get3A_491 = vector.shape_cast %get3A_490 : vector<1x16xf32> to vector<16xf32>
          %mul3A_492 = vector.broadcast %squeeze3A_394 : f32 to vector<16xf32>
          %mul3A_493 = arith.mulf %get3A_491, %mul3A_492 : vector<16xf32>
          %add3A_494 = arith.addf %add3A_486, %mul3A_493 : vector<16xf32>
          %get3A_495 = arith.constant 7 : i32
          %get3A_496 = arith.index_cast %get3A_495 : i32 to index
          %get3A_497 = arith.constant 0 : index
          %get3A_498 = tpu.vector_load %arg11[%get3A_496, %get3A_497] {strides = array<i32>} : memref<16x256xf32, #tpu.memory_space<vmem>>, vector<1x16xf32>,
          %get3A_499 = vector.shape_cast %get3A_498 : vector<1x16xf32> to vector<16xf32>
          %mul3A_500 = vector.broadcast %squeeze3A_396 : f32 to vector<16xf32>
          %mul3A_501 = arith.mulf %get3A_499, %mul3A_500 : vector<16xf32>
          %add3A_502 = arith.addf %add3A_494, %mul3A_501 : vector<16xf32>
          %get3A_503 = arith.constant 8 : i32
          %get3A_504 = arith.index_cast %get3A_503 : i32 to index
          %get3A_505 = arith.constant 0 : index
          %get3A_506 = tpu.vector_load %arg11[%get3A_504, %get3A_505] {strides = array<i32>} : memref<16x256xf32, #tpu.memory_space<vmem>>, vector<1x16xf32>,
          %get3A_507 = vector.shape_cast %get3A_506 : vector<1x16xf32> to vector<16xf32>
          %mul3A_508 = vector.broadcast %squeeze3A_398 : f32 to vector<16xf32>
          %mul3A_509 = arith.mulf %get3A_507, %mul3A_508 : vector<16xf32>
          %add3A_510 = arith.addf %add3A_502, %mul3A_509 : vector<16xf32>
          %get3A_511 = arith.constant 9 : i32
          %get3A_512 = arith.index_cast %get3A_511 : i32 to index
          %get3A_513 = arith.constant 0 : index
          %get3A_514 = tpu.vector_load %arg11[%get3A_512, %get3A_513] {strides = array<i32>} : memref<16x256xf32, #tpu.memory_space<vmem>>, vector<1x16xf32>,
          %get3A_515 = vector.shape_cast %get3A_514 : vector<1x16xf32> to vector<16xf32>
          %mul3A_516 = vector.broadcast %squeeze3A_400 : f32 to vector<16xf32>
          %mul3A_517 = arith.mulf %get3A_515, %mul3A_516 : vector<16xf32>
          %add3A_518 = arith.addf %add3A_510, %mul3A_517 : vector<16xf32>
          %get3A_519 = arith.constant 10 : i32
          %get3A_520 = arith.index_cast %get3A_519 : i32 to index
          %get3A_521 = arith.constant 0 : index
          %get3A_522 = tpu.vector_load %arg11[%get3A_520, %get3A_521] {strides = array<i32>} : memref<16x256xf32, #tpu.memory_space<vmem>>, vector<1x16xf32>,
          %get3A_523 = vector.shape_cast %get3A_522 : vector<1x16xf32> to vector<16xf32>
          %mul3A_524 = vector.broadcast %squeeze3A_402 : f32 to vector<16xf32>
          %mul3A_525 = arith.mulf %get3A_523, %mul3A_524 : vector<16xf32>
          %add3A_526 = arith.addf %add3A_518, %mul3A_525 : vector<16xf32>
          %get3A_527 = arith.constant 11 : i32
          %get3A_528 = arith.index_cast %get3A_527 : i32 to index
          %get3A_529 = arith.constant 0 : index
          %get3A_530 = tpu.vector_load %arg11[%get3A_528, %get3A_529] {strides = array<i32>} : memref<16x256xf32, #tpu.memory_space<vmem>>, vector<1x16xf32>,
          %get3A_531 = vector.shape_cast %get3A_530 : vector<1x16xf32> to vector<16xf32>
          %mul3A_532 = vector.broadcast %squeeze3A_404 : f32 to vector<16xf32>
          %mul3A_533 = arith.mulf %get3A_531, %mul3A_532 : vector<16xf32>
          %add3A_534 = arith.addf %add3A_526, %mul3A_533 : vector<16xf32>
          %get3A_535 = arith.constant 12 : i32
          %get3A_536 = arith.index_cast %get3A_535 : i32 to index
          %get3A_537 = arith.constant 0 : index
          %get3A_538 = tpu.vector_load %arg11[%get3A_536, %get3A_537] {strides = array<i32>} : memref<16x256xf32, #tpu.memory_space<vmem>>, vector<1x16xf32>,
          %get3A_539 = vector.shape_cast %get3A_538 : vector<1x16xf32> to vector<16xf32>
          %mul3A_540 = vector.broadcast %squeeze3A_406 : f32 to vector<16xf32>
          %mul3A_541 = arith.mulf %get3A_539, %mul3A_540 : vector<16xf32>
          %add3A_542 = arith.addf %add3A_534, %mul3A_541 : vector<16xf32>
          %get3A_543 = arith.constant 13 : i32
          %get3A_544 = arith.index_cast %get3A_543 : i32 to index
          %get3A_545 = arith.constant 0 : index
          %get3A_546 = tpu.vector_load %arg11[%get3A_544, %get3A_545] {strides = array<i32>} : memref<16x256xf32, #tpu.memory_space<vmem>>, vector<1x16xf32>,
          %get3A_547 = vector.shape_cast %get3A_546 : vector<1x16xf32> to vector<16xf32>
          %mul3A_548 = vector.broadcast %squeeze3A_408 : f32 to vector<16xf32>
          %mul3A_549 = arith.mulf %get3A_547, %mul3A_548 : vector<16xf32>
          %add3A_550 = arith.addf %add3A_542, %mul3A_549 : vector<16xf32>
          %get3A_551 = arith.constant 14 : i32
          %get3A_552 = arith.index_cast %get3A_551 : i32 to index
          %get3A_553 = arith.constant 0 : index
          %get3A_554 = tpu.vector_load %arg11[%get3A_552, %get3A_553] {strides = array<i32>} : memref<16x256xf32, #tpu.memory_space<vmem>>, vector<1x16xf32>,
          %get3A_555 = vector.shape_cast %get3A_554 : vector<1x16xf32> to vector<16xf32>
          %mul3A_556 = vector.broadcast %squeeze3A_410 : f32 to vector<16xf32>
          %mul3A_557 = arith.mulf %get3A_555, %mul3A_556 : vector<16xf32>
          %add3A_558 = arith.addf %add3A_550, %mul3A_557 : vector<16xf32>
          %get3A_559 = arith.constant 15 : i32
          %get3A_560 = arith.index_cast %get3A_559 : i32 to index
          %get3A_561 = arith.constant 0 : index
          %get3A_562 = tpu.vector_load %arg11[%get3A_560, %get3A_561] {strides = array<i32>} : memref<16x256xf32, #tpu.memory_space<vmem>>, vector<1x16xf32>,
          %get3A_563 = vector.shape_cast %get3A_562 : vector<1x16xf32> to vector<16xf32>
          %mul3A_564 = vector.broadcast %squeeze3A_412 : f32 to vector<16xf32>
          %mul3A_565 = arith.mulf %get3A_563, %mul3A_564 : vector<16xf32>
          %add3A_566 = arith.addf %add3A_558, %mul3A_565 : vector<16xf32>
          %swap3A_567 = arith.constant 0 : index
          %swap3A_568 = tpu.vector_load %arg12[%swap3A_567] {strides = array<i32>} : memref<272xf32, #tpu.memory_space<vmem>>, vector<16xf32>,
          %swap3A_569 = vector.shape_cast %swap3A_568 : vector<16xf32> to vector<16xf32>
          %swap3A_570 = vector.shape_cast %add3A_566 : vector<16xf32> to vector<16xf32>
          tpu.vector_store %arg12[%swap3A_567], %swap3A_570 {strides = array<i32>} : memref<272xf32, #tpu.memory_space<vmem>>, vector<16xf32>,
          %get3A_571 = arith.constant 16 : index
          %get3A_572 = tpu.vector_load %arg12[%get3A_571] {strides = array<i32>} : memref<272xf32, #tpu.memory_space<vmem>>, vector<16xf32>,
          %get3A_573 = vector.shape_cast %get3A_572 : vector<16xf32> to vector<16xf32>
          %get3A_574 = arith.constant 0 : i32
          %get3A_575 = arith.index_cast %get3A_574 : i32 to index
          %get3A_576 = arith.constant 16 : index
          %get3A_577 = tpu.vector_load %arg11[%get3A_575, %get3A_576] {strides = array<i32>} : memref<16x256xf32, #tpu.memory_space<vmem>>, vector<1x16xf32>,
          %get3A_578 = vector.shape_cast %get3A_577 : vector<1x16xf32> to vector<16xf32>
          %mul3A_579 = vector.broadcast %squeeze3A_382 : f32 to vector<16xf32>
          %mul3A_580 = arith.mulf %get3A_578, %mul3A_579 : vector<16xf32>
          %add3A_581 = arith.addf %get3A_573, %mul3A_580 : vector<16xf32>
          %get3A_582 = arith.constant 1 : i32
          %get3A_583 = arith.index_cast %get3A_582 : i32 to index
          %get3A_584 = arith.constant 16 : index
          %get3A_585 = tpu.vector_load %arg11[%get3A_583, %get3A_584] {strides = array<i32>} : memref<16x256xf32, #tpu.memory_space<vmem>>, vector<1x16xf32>,
          %get3A_586 = vector.shape_cast %get3A_585 : vector<1x16xf32> to vector<16xf32>
          %mul3A_587 = vector.broadcast %squeeze3A_384 : f32 to vector<16xf32>
          %mul3A_588 = arith.mulf %get3A_586, %mul3A_587 : vector<16xf32>
          %add3A_589 = arith.addf %add3A_581, %mul3A_588 : vector<16xf32>
          %get3A_590 = arith.constant 2 : i32
          %get3A_591 = arith.index_cast %get3A_590 : i32 to index
          %get3A_592 = arith.constant 16 : index
          %get3A_593 = tpu.vector_load %arg11[%get3A_591, %get3A_592] {strides = array<i32>} : memref<16x256xf32, #tpu.memory_space<vmem>>, vector<1x16xf32>,
          %get3A_594 = vector.shape_cast %get3A_593 : vector<1x16xf32> to vector<16xf32>
          %mul3A_595 = vector.broadcast %squeeze3A_386 : f32 to vector<16xf32>
          %mul3A_596 = arith.mulf %get3A_594, %mul3A_595 : vector<16xf32>
          %add3A_597 = arith.addf %add3A_589, %mul3A_596 : vector<16xf32>
          %get3A_598 = arith.constant 3 : i32
          %get3A_599 = arith.index_cast %get3A_598 : i32 to index
          %get3A_600 = arith.constant 16 : index
          %get3A_601 = tpu.vector_load %arg11[%get3A_599, %get3A_600] {strides = array<i32>} : memref<16x256xf32, #tpu.memory_space<vmem>>, vector<1x16xf32>,
          %get3A_602 = vector.shape_cast %get3A_601 : vector<1x16xf32> to vector<16xf32>
          %mul3A_603 = vector.broadcast %squeeze3A_388 : f32 to vector<16xf32>
          %mul3A_604 = arith.mulf %get3A_602, %mul3A_603 : vector<16xf32>
          %add3A_605 = arith.addf %add3A_597, %mul3A_604 : vector<16xf32>
          %get3A_606 = arith.constant 4 : i32
          %get3A_607 = arith.index_cast %get3A_606 : i32 to index
          %get3A_608 = arith.constant 16 : index
          %get3A_609 = tpu.vector_load %arg11[%get3A_607, %get3A_608] {strides = array<i32>} : memref<16x256xf32, #tpu.memory_space<vmem>>, vector<1x16xf32>,
          %get3A_610 = vector.shape_cast %get3A_609 : vector<1x16xf32> to vector<16xf32>
          %mul3A_611 = vector.broadcast %squeeze3A_390 : f32 to vector<16xf32>
          %mul3A_612 = arith.mulf %get3A_610, %mul3A_611 : vector<16xf32>
          %add3A_613 = arith.addf %add3A_605, %mul3A_612 : vector<16xf32>
          %get3A_614 = arith.constant 5 : i32
          %get3A_615 = arith.index_cast %get3A_614 : i32 to index
          %get3A_616 = arith.constant 16 : index
          %get3A_617 = tpu.vector_load %arg11[%get3A_615, %get3A_616] {strides = array<i32>} : memref<16x256xf32, #tpu.memory_space<vmem>>, vector<1x16xf32>,
          %get3A_618 = vector.shape_cast %get3A_617 : vector<1x16xf32> to vector<16xf32>
          %mul3A_619 = vector.broadcast %squeeze3A_392 : f32 to vector<16xf32>
          %mul3A_620 = arith.mulf %get3A_618, %mul3A_619 : vector<16xf32>
          %add3A_621 = arith.addf %add3A_613, %mul3A_620 : vector<16xf32>
          %get3A_622 = arith.constant 6 : i32
          %get3A_623 = arith.index_cast %get3A_622 : i32 to index
          %get3A_624 = arith.constant 16 : index
          %get3A_625 = tpu.vector_load %arg11[%get3A_623, %get3A_624] {strides = array<i32>} : memref<16x256xf32, #tpu.memory_space<vmem>>, vector<1x16xf32>,
          %get3A_626 = vector.shape_cast %get3A_625 : vector<1x16xf32> to vector<16xf32>
          %mul3A_627 = vector.broadcast %squeeze3A_394 : f32 to vector<16xf32>
          %mul3A_628 = arith.mulf %get3A_626, %mul3A_627 : vector<16xf32>
          %add3A_629 = arith.addf %add3A_621, %mul3A_628 : vector<16xf32>
          %get3A_630 = arith.constant 7 : i32
          %get3A_631 = arith.index_cast %get3A_630 : i32 to index
          %get3A_632 = arith.constant 16 : index
          %get3A_633 = tpu.vector_load %arg11[%get3A_631, %get3A_632] {strides = array<i32>} : memref<16x256xf32, #tpu.memory_space<vmem>>, vector<1x16xf32>,
          %get3A_634 = vector.shape_cast %get3A_633 : vector<1x16xf32> to vector<16xf32>
          %mul3A_635 = vector.broadcast %squeeze3A_396 : f32 to vector<16xf32>
          %mul3A_636 = arith.mulf %get3A_634, %mul3A_635 : vector<16xf32>
          %add3A_637 = arith.addf %add3A_629, %mul3A_636 : vector<16xf32>
          %get3A_638 = arith.constant 8 : i32
          %get3A_639 = arith.index_cast %get3A_638 : i32 to index
          %get3A_640 = arith.constant 16 : index
          %get3A_641 = tpu.vector_load %arg11[%get3A_639, %get3A_640] {strides = array<i32>} : memref<16x256xf32, #tpu.memory_space<vmem>>, vector<1x16xf32>,
          %get3A_642 = vector.shape_cast %get3A_641 : vector<1x16xf32> to vector<16xf32>
          %mul3A_643 = vector.broadcast %squeeze3A_398 : f32 to vector<16xf32>
          %mul3A_644 = arith.mulf %get3A_642, %mul3A_643 : vector<16xf32>
          %add3A_645 = arith.addf %add3A_637, %mul3A_644 : vector<16xf32>
          %get3A_646 = arith.constant 9 : i32
          %get3A_647 = arith.index_cast %get3A_646 : i32 to index
          %get3A_648 = arith.constant 16 : index
          %get3A_649 = tpu.vector_load %arg11[%get3A_647, %get3A_648] {strides = array<i32>} : memref<16x256xf32, #tpu.memory_space<vmem>>, vector<1x16xf32>,
          %get3A_650 = vector.shape_cast %get3A_649 : vector<1x16xf32> to vector<16xf32>
          %mul3A_651 = vector.broadcast %squeeze3A_400 : f32 to vector<16xf32>
          %mul3A_652 = arith.mulf %get3A_650, %mul3A_651 : vector<16xf32>
          %add3A_653 = arith.addf %add3A_645, %mul3A_652 : vector<16xf32>
          %get3A_654 = arith.constant 10 : i32
          %get3A_655 = arith.index_cast %get3A_654 : i32 to index
          %get3A_656 = arith.constant 16 : index
          %get3A_657 = tpu.vector_load %arg11[%get3A_655, %get3A_656] {strides = array<i32>} : memref<16x256xf32, #tpu.memory_space<vmem>>, vector<1x16xf32>,
          %get3A_658 = vector.shape_cast %get3A_657 : vector<1x16xf32> to vector<16xf32>
          %mul3A_659 = vector.broadcast %squeeze3A_402 : f32 to vector<16xf32>
          %mul3A_660 = arith.mulf %get3A_658, %mul3A_659 : vector<16xf32>
          %add3A_661 = arith.addf %add3A_653, %mul3A_660 : vector<16xf32>
          %get3A_662 = arith.constant 11 : i32
          %get3A_663 = arith.index_cast %get3A_662 : i32 to index
          %get3A_664 = arith.constant 16 : index
          %get3A_665 = tpu.vector_load %arg11[%get3A_663, %get3A_664] {strides = array<i32>} : memref<16x256xf32, #tpu.memory_space<vmem>>, vector<1x16xf32>,
          %get3A_666 = vector.shape_cast %get3A_665 : vector<1x16xf32> to vector<16xf32>
          %mul3A_667 = vector.broadcast %squeeze3A_404 : f32 to vector<16xf32>
          %mul3A_668 = arith.mulf %get3A_666, %mul3A_667 : vector<16xf32>
          %add3A_669 = arith.addf %add3A_661, %mul3A_668 : vector<16xf32>
          %get3A_670 = arith.constant 12 : i32
          %get3A_671 = arith.index_cast %get3A_670 : i32 to index
          %get3A_672 = arith.constant 16 : index
          %get3A_673 = tpu.vector_load %arg11[%get3A_671, %get3A_672] {strides = array<i32>} : memref<16x256xf32, #tpu.memory_space<vmem>>, vector<1x16xf32>,
          %get3A_674 = vector.shape_cast %get3A_673 : vector<1x16xf32> to vector<16xf32>
          %mul3A_675 = vector.broadcast %squeeze3A_406 : f32 to vector<16xf32>
          %mul3A_676 = arith.mulf %get3A_674, %mul3A_675 : vector<16xf32>
          %add3A_677 = arith.addf %add3A_669, %mul3A_676 : vector<16xf32>
          %get3A_678 = arith.constant 13 : i32
          %get3A_679 = arith.index_cast %get3A_678 : i32 to index
          %get3A_680 = arith.constant 16 : index
          %get3A_681 = tpu.vector_load %arg11[%get3A_679, %get3A_680] {strides = array<i32>} : memref<16x256xf32, #tpu.memory_space<vmem>>, vector<1x16xf32>,
          %get3A_682 = vector.shape_cast %get3A_681 : vector<1x16xf32> to vector<16xf32>
          %mul3A_683 = vector.broadcast %squeeze3A_408 : f32 to vector<16xf32>
          %mul3A_684 = arith.mulf %get3A_682, %mul3A_683 : vector<16xf32>
          %add3A_685 = arith.addf %add3A_677, %mul3A_684 : vector<16xf32>
          %get3A_686 = arith.constant 14 : i32
          %get3A_687 = arith.index_cast %get3A_686 : i32 to index
          %get3A_688 = arith.constant 16 : index
          %get3A_689 = tpu.vector_load %arg11[%get3A_687, %get3A_688] {strides = array<i32>} : memref<16x256xf32, #tpu.memory_space<vmem>>, vector<1x16xf32>,
          %get3A_690 = vector.shape_cast %get3A_689 : vector<1x16xf32> to vector<16xf32>
          %mul3A_691 = vector.broadcast %squeeze3A_410 : f32 to vector<16xf32>
          %mul3A_692 = arith.mulf %get3A_690, %mul3A_691 : vector<16xf32>
          %add3A_693 = arith.addf %add3A_685, %mul3A_692 : vector<16xf32>
          %get3A_694 = arith.constant 15 : i32
          %get3A_695 = arith.index_cast %get3A_694 : i32 to index
          %get3A_696 = arith.constant 16 : index
          %get3A_697 = tpu.vector_load %arg11[%get3A_695, %get3A_696] {strides = array<i32>} : memref<16x256xf32, #tpu.memory_space<vmem>>, vector<1x16xf32>,
          %get3A_698 = vector.shape_cast %get3A_697 : vector<1x16xf32> to vector<16xf32>
          %mul3A_699 = vector.broadcast %squeeze3A_412 : f32 to vector<16xf32>
          %mul3A_700 = arith.mulf %get3A_698, %mul3A_699 : vector<16xf32>
          %add3A_701 = arith.addf %add3A_693, %mul3A_700 : vector<16xf32>
          %swap3A_702 = arith.constant 16 : index
          %swap3A_703 = tpu.vector_load %arg12[%swap3A_702] {strides = array<i32>} : memref<272xf32, #tpu.memory_space<vmem>>, vector<16xf32>,
          %swap3A_704 = vector.shape_cast %swap3A_703 : vector<16xf32> to vector<16xf32>
          %swap3A_705 = vector.shape_cast %add3A_701 : vector<16xf32> to vector<16xf32>
          tpu.vector_store %arg12[%swap3A_702], %swap3A_705 {strides = array<i32>} : memref<272xf32, #tpu.memory_space<vmem>>, vector<16xf32>,
          %get3A_706 = arith.constant 32 : index
          %get3A_707 = tpu.vector_load %arg12[%get3A_706] {strides = array<i32>} : memref<272xf32, #tpu.memory_space<vmem>>, vector<16xf32>,
          %get3A_708 = vector.shape_cast %get3A_707 : vector<16xf32> to vector<16xf32>
          %get3A_709 = arith.constant 0 : i32
          %get3A_710 = arith.index_cast %get3A_709 : i32 to index
          %get3A_711 = arith.constant 32 : index
          %get3A_712 = tpu.vector_load %arg11[%get3A_710, %get3A_711] {strides = array<i32>} : memref<16x256xf32, #tpu.memory_space<vmem>>, vector<1x16xf32>,
          %get3A_713 = vector.shape_cast %get3A_712 : vector<1x16xf32> to vector<16xf32>
          %mul3A_714 = vector.broadcast %squeeze3A_382 : f32 to vector<16xf32>
          %mul3A_715 = arith.mulf %get3A_713, %mul3A_714 : vector<16xf32>
          %add3A_716 = arith.addf %get3A_708, %mul3A_715 : vector<16xf32>
          %get3A_717 = arith.constant 1 : i32
          %get3A_718 = arith.index_cast %get3A_717 : i32 to index
          %get3A_719 = arith.constant 32 : index
          %get3A_720 = tpu.vector_load %arg11[%get3A_718, %get3A_719] {strides = array<i32>} : memref<16x256xf32, #tpu.memory_space<vmem>>, vector<1x16xf32>,
          %get3A_721 = vector.shape_cast %get3A_720 : vector<1x16xf32> to vector<16xf32>
          %mul3A_722 = vector.broadcast %squeeze3A_384 : f32 to vector<16xf32>
          %mul3A_723 = arith.mulf %get3A_721, %mul3A_722 : vector<16xf32>
          %add3A_724 = arith.addf %add3A_716, %mul3A_723 : vector<16xf32>
          %get3A_725 = arith.constant 2 : i32
          %get3A_726 = arith.index_cast %get3A_725 : i32 to index
          %get3A_727 = arith.constant 32 : index
          %get3A_728 = tpu.vector_load %arg11[%get3A_726, %get3A_727] {strides = array<i32>} : memref<16x256xf32, #tpu.memory_space<vmem>>, vector<1x16xf32>,
          %get3A_729 = vector.shape_cast %get3A_728 : vector<1x16xf32> to vector<16xf32>
          %mul3A_730 = vector.broadcast %squeeze3A_386 : f32 to vector<16xf32>
          %mul3A_731 = arith.mulf %get3A_729, %mul3A_730 : vector<16xf32>
          %add3A_732 = arith.addf %add3A_724, %mul3A_731 : vector<16xf32>
          %get3A_733 = arith.constant 3 : i32
          %get3A_734 = arith.index_cast %get3A_733 : i32 to index
          %get3A_735 = arith.constant 32 : index
          %get3A_736 = tpu.vector_load %arg11[%get3A_734, %get3A_735] {strides = array<i32>} : memref<16x256xf32, #tpu.memory_space<vmem>>, vector<1x16xf32>,
          %get3A_737 = vector.shape_cast %get3A_736 : vector<1x16xf32> to vector<16xf32>
          %mul3A_738 = vector.broadcast %squeeze3A_388 : f32 to vector<16xf32>
          %mul3A_739 = arith.mulf %get3A_737, %mul3A_738 : vector<16xf32>
          %add3A_740 = arith.addf %add3A_732, %mul3A_739 : vector<16xf32>
          %get3A_741 = arith.constant 4 : i32
          %get3A_742 = arith.index_cast %get3A_741 : i32 to index
          %get3A_743 = arith.constant 32 : index
          %get3A_744 = tpu.vector_load %arg11[%get3A_742, %get3A_743] {strides = array<i32>} : memref<16x256xf32, #tpu.memory_space<vmem>>, vector<1x16xf32>,
          %get3A_745 = vector.shape_cast %get3A_744 : vector<1x16xf32> to vector<16xf32>
          %mul3A_746 = vector.broadcast %squeeze3A_390 : f32 to vector<16xf32>
          %mul3A_747 = arith.mulf %get3A_745, %mul3A_746 : vector<16xf32>
          %add3A_748 = arith.addf %add3A_740, %mul3A_747 : vector<16xf32>
          %get3A_749 = arith.constant 5 : i32
          %get3A_750 = arith.index_cast %get3A_749 : i32 to index
          %get3A_751 = arith.constant 32 : index
          %get3A_752 = tpu.vector_load %arg11[%get3A_750, %get3A_751] {strides = array<i32>} : memref<16x256xf32, #tpu.memory_space<vmem>>, vector<1x16xf32>,
          %get3A_753 = vector.shape_cast %get3A_752 : vector<1x16xf32> to vector<16xf32>
          %mul3A_754 = vector.broadcast %squeeze3A_392 : f32 to vector<16xf32>
          %mul3A_755 = arith.mulf %get3A_753, %mul3A_754 : vector<16xf32>
          %add3A_756 = arith.addf %add3A_748, %mul3A_755 : vector<16xf32>
          %get3A_757 = arith.constant 6 : i32
          %get3A_758 = arith.index_cast %get3A_757 : i32 to index
          %get3A_759 = arith.constant 32 : index
          %get3A_760 = tpu.vector_load %arg11[%get3A_758, %get3A_759] {strides = array<i32>} : memref<16x256xf32, #tpu.memory_space<vmem>>, vector<1x16xf32>,
          %get3A_761 = vector.shape_cast %get3A_760 : vector<1x16xf32> to vector<16xf32>
          %mul3A_762 = vector.broadcast %squeeze3A_394 : f32 to vector<16xf32>
          %mul3A_763 = arith.mulf %get3A_761, %mul3A_762 : vector<16xf32>
          %add3A_764 = arith.addf %add3A_756, %mul3A_763 : vector<16xf32>
          %get3A_765 = arith.constant 7 : i32
          %get3A_766 = arith.index_cast %get3A_765 : i32 to index
          %get3A_767 = arith.constant 32 : index
          %get3A_768 = tpu.vector_load %arg11[%get3A_766, %get3A_767] {strides = array<i32>} : memref<16x256xf32, #tpu.memory_space<vmem>>, vector<1x16xf32>,
          %get3A_769 = vector.shape_cast %get3A_768 : vector<1x16xf32> to vector<16xf32>
          %mul3A_770 = vector.broadcast %squeeze3A_396 : f32 to vector<16xf32>
          %mul3A_771 = arith.mulf %get3A_769, %mul3A_770 : vector<16xf32>
          %add3A_772 = arith.addf %add3A_764, %mul3A_771 : vector<16xf32>
          %get3A_773 = arith.constant 8 : i32
          %get3A_774 = arith.index_cast %get3A_773 : i32 to index
          %get3A_775 = arith.constant 32 : index
          %get3A_776 = tpu.vector_load %arg11[%get3A_774, %get3A_775] {strides = array<i32>} : memref<16x256xf32, #tpu.memory_space<vmem>>, vector<1x16xf32>,
          %get3A_777 = vector.shape_cast %get3A_776 : vector<1x16xf32> to vector<16xf32>
          %mul3A_778 = vector.broadcast %squeeze3A_398 : f32 to vector<16xf32>
          %mul3A_779 = arith.mulf %get3A_777, %mul3A_778 : vector<16xf32>
          %add3A_780 = arith.addf %add3A_772, %mul3A_779 : vector<16xf32>
          %get3A_781 = arith.constant 9 : i32
          %get3A_782 = arith.index_cast %get3A_781 : i32 to index
          %get3A_783 = arith.constant 32 : index
          %get3A_784 = tpu.vector_load %arg11[%get3A_782, %get3A_783] {strides = array<i32>} : memref<16x256xf32, #tpu.memory_space<vmem>>, vector<1x16xf32>,
          %get3A_785 = vector.shape_cast %get3A_784 : vector<1x16xf32> to vector<16xf32>
          %mul3A_786 = vector.broadcast %squeeze3A_400 : f32 to vector<16xf32>
          %mul3A_787 = arith.mulf %get3A_785, %mul3A_786 : vector<16xf32>
          %add3A_788 = arith.addf %add3A_780, %mul3A_787 : vector<16xf32>
          %get3A_789 = arith.constant 10 : i32
          %get3A_790 = arith.index_cast %get3A_789 : i32 to index
          %get3A_791 = arith.constant 32 : index
          %get3A_792 = tpu.vector_load %arg11[%get3A_790, %get3A_791] {strides = array<i32>} : memref<16x256xf32, #tpu.memory_space<vmem>>, vector<1x16xf32>,
          %get3A_793 = vector.shape_cast %get3A_792 : vector<1x16xf32> to vector<16xf32>
          %mul3A_794 = vector.broadcast %squeeze3A_402 : f32 to vector<16xf32>
          %mul3A_795 = arith.mulf %get3A_793, %mul3A_794 : vector<16xf32>
          %add3A_796 = arith.addf %add3A_788, %mul3A_795 : vector<16xf32>
          %get3A_797 = arith.constant 11 : i32
          %get3A_798 = arith.index_cast %get3A_797 : i32 to index
          %get3A_799 = arith.constant 32 : index
          %get3A_800 = tpu.vector_load %arg11[%get3A_798, %get3A_799] {strides = array<i32>} : memref<16x256xf32, #tpu.memory_space<vmem>>, vector<1x16xf32>,
          %get3A_801 = vector.shape_cast %get3A_800 : vector<1x16xf32> to vector<16xf32>
          %mul3A_802 = vector.broadcast %squeeze3A_404 : f32 to vector<16xf32>
          %mul3A_803 = arith.mulf %get3A_801, %mul3A_802 : vector<16xf32>
          %add3A_804 = arith.addf %add3A_796, %mul3A_803 : vector<16xf32>
          %get3A_805 = arith.constant 12 : i32
          %get3A_806 = arith.index_cast %get3A_805 : i32 to index
          %get3A_807 = arith.constant 32 : index
          %get3A_808 = tpu.vector_load %arg11[%get3A_806, %get3A_807] {strides = array<i32>} : memref<16x256xf32, #tpu.memory_space<vmem>>, vector<1x16xf32>,
          %get3A_809 = vector.shape_cast %get3A_808 : vector<1x16xf32> to vector<16xf32>
          %mul3A_810 = vector.broadcast %squeeze3A_406 : f32 to vector<16xf32>
          %mul3A_811 = arith.mulf %get3A_809, %mul3A_810 : vector<16xf32>
          %add3A_812 = arith.addf %add3A_804, %mul3A_811 : vector<16xf32>
          %get3A_813 = arith.constant 13 : i32
          %get3A_814 = arith.index_cast %get3A_813 : i32 to index
          %get3A_815 = arith.constant 32 : index
          %get3A_816 = tpu.vector_load %arg11[%get3A_814, %get3A_815] {strides = array<i32>} : memref<16x256xf32, #tpu.memory_space<vmem>>, vector<1x16xf32>,
          %get3A_817 = vector.shape_cast %get3A_816 : vector<1x16xf32> to vector<16xf32>
          %mul3A_818 = vector.broadcast %squeeze3A_408 : f32 to vector<16xf32>
          %mul3A_819 = arith.mulf %get3A_817, %mul3A_818 : vector<16xf32>
          %add3A_820 = arith.addf %add3A_812, %mul3A_819 : vector<16xf32>
          %get3A_821 = arith.constant 14 : i32
          %get3A_822 = arith.index_cast %get3A_821 : i32 to index
          %get3A_823 = arith.constant 32 : index
          %get3A_824 = tpu.vector_load %arg11[%get3A_822, %get3A_823] {strides = array<i32>} : memref<16x256xf32, #tpu.memory_space<vmem>>, vector<1x16xf32>,
          %get3A_825 = vector.shape_cast %get3A_824 : vector<1x16xf32> to vector<16xf32>
          %mul3A_826 = vector.broadcast %squeeze3A_410 : f32 to vector<16xf32>
          %mul3A_827 = arith.mulf %get3A_825, %mul3A_826 : vector<16xf32>
          %add3A_828 = arith.addf %add3A_820, %mul3A_827 : vector<16xf32>
          %get3A_829 = arith.constant 15 : i32
          %get3A_830 = arith.index_cast %get3A_829 : i32 to index
          %get3A_831 = arith.constant 32 : index
          %get3A_832 = tpu.vector_load %arg11[%get3A_830, %get3A_831] {strides = array<i32>} : memref<16x256xf32, #tpu.memory_space<vmem>>, vector<1x16xf32>,
          %get3A_833 = vector.shape_cast %get3A_832 : vector<1x16xf32> to vector<16xf32>
          %mul3A_834 = vector.broadcast %squeeze3A_412 : f32 to vector<16xf32>
          %mul3A_835 = arith.mulf %get3A_833, %mul3A_834 : vector<16xf32>
          %add3A_836 = arith.addf %add3A_828, %mul3A_835 : vector<16xf32>
          %swap3A_837 = arith.constant 32 : index
          %swap3A_838 = tpu.vector_load %arg12[%swap3A_837] {strides = array<i32>} : memref<272xf32, #tpu.memory_space<vmem>>, vector<16xf32>,
          %swap3A_839 = vector.shape_cast %swap3A_838 : vector<16xf32> to vector<16xf32>
          %swap3A_840 = vector.shape_cast %add3A_836 : vector<16xf32> to vector<16xf32>
          tpu.vector_store %arg12[%swap3A_837], %swap3A_840 {strides = array<i32>} : memref<272xf32, #tpu.memory_space<vmem>>, vector<16xf32>,
          %get3A_841 = arith.constant 48 : index
          %get3A_842 = tpu.vector_load %arg12[%get3A_841] {strides = array<i32>} : memref<272xf32, #tpu.memory_space<vmem>>, vector<16xf32>,
          %get3A_843 = vector.shape_cast %get3A_842 : vector<16xf32> to vector<16xf32>
          %get3A_844 = arith.constant 0 : i32
          %get3A_845 = arith.index_cast %get3A_844 : i32 to index
          %get3A_846 = arith.constant 48 : index
          %get3A_847 = tpu.vector_load %arg11[%get3A_845, %get3A_846] {strides = array<i32>} : memref<16x256xf32, #tpu.memory_space<vmem>>, vector<1x16xf32>,
          %get3A_848 = vector.shape_cast %get3A_847 : vector<1x16xf32> to vector<16xf32>
          %mul3A_849 = vector.broadcast %squeeze3A_382 : f32 to vector<16xf32>
          %mul3A_850 = arith.mulf %get3A_848, %mul3A_849 : vector<16xf32>
          %add3A_851 = arith.addf %get3A_843, %mul3A_850 : vector<16xf32>
          %get3A_852 = arith.constant 1 : i32
          %get3A_853 = arith.index_cast %get3A_852 : i32 to index
          %get3A_854 = arith.constant 48 : index
          %get3A_855 = tpu.vector_load %arg11[%get3A_853, %get3A_854] {strides = array<i32>} : memref<16x256xf32, #tpu.memory_space<vmem>>, vector<1x16xf32>,
          %get3A_856 = vector.shape_cast %get3A_855 : vector<1x16xf32> to vector<16xf32>
          %mul3A_857 = vector.broadcast %squeeze3A_384 : f32 to vector<16xf32>
          %mul3A_858 = arith.mulf %get3A_856, %mul3A_857 : vector<16xf32>
          %add3A_859 = arith.addf %add3A_851, %mul3A_858 : vector<16xf32>
          %get3A_860 = arith.constant 2 : i32
          %get3A_861 = arith.index_cast %get3A_860 : i32 to index
          %get3A_862 = arith.constant 48 : index
          %get3A_863 = tpu.vector_load %arg11[%get3A_861, %get3A_862] {strides = array<i32>} : memref<16x256xf32, #tpu.memory_space<vmem>>, vector<1x16xf32>,
          %get3A_864 = vector.shape_cast %get3A_863 : vector<1x16xf32> to vector<16xf32>
          %mul3A_865 = vector.broadcast %squeeze3A_386 : f32 to vector<16xf32>
          %mul3A_866 = arith.mulf %get3A_864, %mul3A_865 : vector<16xf32>
          %add3A_867 = arith.addf %add3A_859, %mul3A_866 : vector<16xf32>
          %get3A_868 = arith.constant 3 : i32
          %get3A_869 = arith.index_cast %get3A_868 : i32 to index
          %get3A_870 = arith.constant 48 : index
          %get3A_871 = tpu.vector_load %arg11[%get3A_869, %get3A_870] {strides = array<i32>} : memref<16x256xf32, #tpu.memory_space<vmem>>, vector<1x16xf32>,
          %get3A_872 = vector.shape_cast %get3A_871 : vector<1x16xf32> to vector<16xf32>
          %mul3A_873 = vector.broadcast %squeeze3A_388 : f32 to vector<16xf32>
          %mul3A_874 = arith.mulf %get3A_872, %mul3A_873 : vector<16xf32>
          %add3A_875 = arith.addf %add3A_867, %mul3A_874 : vector<16xf32>
          %get3A_876 = arith.constant 4 : i32
          %get3A_877 = arith.index_cast %get3A_876 : i32 to index
          %get3A_878 = arith.constant 48 : index
          %get3A_879 = tpu.vector_load %arg11[%get3A_877, %get3A_878] {strides = array<i32>} : memref<16x256xf32, #tpu.memory_space<vmem>>, vector<1x16xf32>,
          %get3A_880 = vector.shape_cast %get3A_879 : vector<1x16xf32> to vector<16xf32>
          %mul3A_881 = vector.broadcast %squeeze3A_390 : f32 to vector<16xf32>
          %mul3A_882 = arith.mulf %get3A_880, %mul3A_881 : vector<16xf32>
          %add3A_883 = arith.addf %add3A_875, %mul3A_882 : vector<16xf32>
          %get3A_884 = arith.constant 5 : i32
          %get3A_885 = arith.index_cast %get3A_884 : i32 to index
          %get3A_886 = arith.constant 48 : index
          %get3A_887 = tpu.vector_load %arg11[%get3A_885, %get3A_886] {strides = array<i32>} : memref<16x256xf32, #tpu.memory_space<vmem>>, vector<1x16xf32>,
          %get3A_888 = vector.shape_cast %get3A_887 : vector<1x16xf32> to vector<16xf32>
          %mul3A_889 = vector.broadcast %squeeze3A_392 : f32 to vector<16xf32>
          %mul3A_890 = arith.mulf %get3A_888, %mul3A_889 : vector<16xf32>
          %add3A_891 = arith.addf %add3A_883, %mul3A_890 : vector<16xf32>
          %get3A_892 = arith.constant 6 : i32
          %get3A_893 = arith.index_cast %get3A_892 : i32 to index
          %get3A_894 = arith.constant 48 : index
          %get3A_895 = tpu.vector_load %arg11[%get3A_893, %get3A_894] {strides = array<i32>} : memref<16x256xf32, #tpu.memory_space<vmem>>, vector<1x16xf32>,
          %get3A_896 = vector.shape_cast %get3A_895 : vector<1x16xf32> to vector<16xf32>
          %mul3A_897 = vector.broadcast %squeeze3A_394 : f32 to vector<16xf32>
          %mul3A_898 = arith.mulf %get3A_896, %mul3A_897 : vector<16xf32>
          %add3A_899 = arith.addf %add3A_891, %mul3A_898 : vector<16xf32>
          %get3A_900 = arith.constant 7 : i32
          %get3A_901 = arith.index_cast %get3A_900 : i32 to index
          %get3A_902 = arith.constant 48 : index
          %get3A_903 = tpu.vector_load %arg11[%get3A_901, %get3A_902] {strides = array<i32>} : memref<16x256xf32, #tpu.memory_space<vmem>>, vector<1x16xf32>,
          %get3A_904 = vector.shape_cast %get3A_903 : vector<1x16xf32> to vector<16xf32>
          %mul3A_905 = vector.broadcast %squeeze3A_396 : f32 to vector<16xf32>
          %mul3A_906 = arith.mulf %get3A_904, %mul3A_905 : vector<16xf32>
          %add3A_907 = arith.addf %add3A_899, %mul3A_906 : vector<16xf32>
          %get3A_908 = arith.constant 8 : i32
          %get3A_909 = arith.index_cast %get3A_908 : i32 to index
          %get3A_910 = arith.constant 48 : index
          %get3A_911 = tpu.vector_load %arg11[%get3A_909, %get3A_910] {strides = array<i32>} : memref<16x256xf32, #tpu.memory_space<vmem>>, vector<1x16xf32>,
          %get3A_912 = vector.shape_cast %get3A_911 : vector<1x16xf32> to vector<16xf32>
          %mul3A_913 = vector.broadcast %squeeze3A_398 : f32 to vector<16xf32>
          %mul3A_914 = arith.mulf %get3A_912, %mul3A_913 : vector<16xf32>
          %add3A_915 = arith.addf %add3A_907, %mul3A_914 : vector<16xf32>
          %get3A_916 = arith.constant 9 : i32
          %get3A_917 = arith.index_cast %get3A_916 : i32 to index
          %get3A_918 = arith.constant 48 : index
          %get3A_919 = tpu.vector_load %arg11[%get3A_917, %get3A_918] {strides = array<i32>} : memref<16x256xf32, #tpu.memory_space<vmem>>, vector<1x16xf32>,
          %get3A_920 = vector.shape_cast %get3A_919 : vector<1x16xf32> to vector<16xf32>
          %mul3A_921 = vector.broadcast %squeeze3A_400 : f32 to vector<16xf32>
          %mul3A_922 = arith.mulf %get3A_920, %mul3A_921 : vector<16xf32>
          %add3A_923 = arith.addf %add3A_915, %mul3A_922 : vector<16xf32>
          %get3A_924 = arith.constant 10 : i32
          %get3A_925 = arith.index_cast %get3A_924 : i32 to index
          %get3A_926 = arith.constant 48 : index
          %get3A_927 = tpu.vector_load %arg11[%get3A_925, %get3A_926] {strides = array<i32>} : memref<16x256xf32, #tpu.memory_space<vmem>>, vector<1x16xf32>,
          %get3A_928 = vector.shape_cast %get3A_927 : vector<1x16xf32> to vector<16xf32>
          %mul3A_929 = vector.broadcast %squeeze3A_402 : f32 to vector<16xf32>
          %mul3A_930 = arith.mulf %get3A_928, %mul3A_929 : vector<16xf32>
          %add3A_931 = arith.addf %add3A_923, %mul3A_930 : vector<16xf32>
          %get3A_932 = arith.constant 11 : i32
          %get3A_933 = arith.index_cast %get3A_932 : i32 to index
          %get3A_934 = arith.constant 48 : index
          %get3A_935 = tpu.vector_load %arg11[%get3A_933, %get3A_934] {strides = array<i32>} : memref<16x256xf32, #tpu.memory_space<vmem>>, vector<1x16xf32>,
          %get3A_936 = vector.shape_cast %get3A_935 : vector<1x16xf32> to vector<16xf32>
          %mul3A_937 = vector.broadcast %squeeze3A_404 : f32 to vector<16xf32>
          %mul3A_938 = arith.mulf %get3A_936, %mul3A_937 : vector<16xf32>
          %add3A_939 = arith.addf %add3A_931, %mul3A_938 : vector<16xf32>
          %get3A_940 = arith.constant 12 : i32
          %get3A_941 = arith.index_cast %get3A_940 : i32 to index
          %get3A_942 = arith.constant 48 : index
          %get3A_943 = tpu.vector_load %arg11[%get3A_941, %get3A_942] {strides = array<i32>} : memref<16x256xf32, #tpu.memory_space<vmem>>, vector<1x16xf32>,
          %get3A_944 = vector.shape_cast %get3A_943 : vector<1x16xf32> to vector<16xf32>
          %mul3A_945 = vector.broadcast %squeeze3A_406 : f32 to vector<16xf32>
          %mul3A_946 = arith.mulf %get3A_944, %mul3A_945 : vector<16xf32>
          %add3A_947 = arith.addf %add3A_939, %mul3A_946 : vector<16xf32>
          %get3A_948 = arith.constant 13 : i32
          %get3A_949 = arith.index_cast %get3A_948 : i32 to index
          %get3A_950 = arith.constant 48 : index
          %get3A_951 = tpu.vector_load %arg11[%get3A_949, %get3A_950] {strides = array<i32>} : memref<16x256xf32, #tpu.memory_space<vmem>>, vector<1x16xf32>,
          %get3A_952 = vector.shape_cast %get3A_951 : vector<1x16xf32> to vector<16xf32>
          %mul3A_953 = vector.broadcast %squeeze3A_408 : f32 to vector<16xf32>
          %mul3A_954 = arith.mulf %get3A_952, %mul3A_953 : vector<16xf32>
          %add3A_955 = arith.addf %add3A_947, %mul3A_954 : vector<16xf32>
          %get3A_956 = arith.constant 14 : i32
          %get3A_957 = arith.index_cast %get3A_956 : i32 to index
          %get3A_958 = arith.constant 48 : index
          %get3A_959 = tpu.vector_load %arg11[%get3A_957, %get3A_958] {strides = array<i32>} : memref<16x256xf32, #tpu.memory_space<vmem>>, vector<1x16xf32>,
          %get3A_960 = vector.shape_cast %get3A_959 : vector<1x16xf32> to vector<16xf32>
          %mul3A_961 = vector.broadcast %squeeze3A_410 : f32 to vector<16xf32>
          %mul3A_962 = arith.mulf %get3A_960, %mul3A_961 : vector<16xf32>
          %add3A_963 = arith.addf %add3A_955, %mul3A_962 : vector<16xf32>
          %get3A_964 = arith.constant 15 : i32
          %get3A_965 = arith.index_cast %get3A_964 : i32 to index
          %get3A_966 = arith.constant 48 : index
          %get3A_967 = tpu.vector_load %arg11[%get3A_965, %get3A_966] {strides = array<i32>} : memref<16x256xf32, #tpu.memory_space<vmem>>, vector<1x16xf32>,
          %get3A_968 = vector.shape_cast %get3A_967 : vector<1x16xf32> to vector<16xf32>
          %mul3A_969 = vector.broadcast %squeeze3A_412 : f32 to vector<16xf32>
          %mul3A_970 = arith.mulf %get3A_968, %mul3A_969 : vector<16xf32>
          %add3A_971 = arith.addf %add3A_963, %mul3A_970 : vector<16xf32>
          %swap3A_972 = arith.constant 48 : index
          %swap3A_973 = tpu.vector_load %arg12[%swap3A_972] {strides = array<i32>} : memref<272xf32, #tpu.memory_space<vmem>>, vector<16xf32>,
          %swap3A_974 = vector.shape_cast %swap3A_973 : vector<16xf32> to vector<16xf32>
          %swap3A_975 = vector.shape_cast %add3A_971 : vector<16xf32> to vector<16xf32>
          tpu.vector_store %arg12[%swap3A_972], %swap3A_975 {strides = array<i32>} : memref<272xf32, #tpu.memory_space<vmem>>, vector<16xf32>,
          %get3A_976 = arith.constant 64 : index
          %get3A_977 = tpu.vector_load %arg12[%get3A_976] {strides = array<i32>} : memref<272xf32, #tpu.memory_space<vmem>>, vector<16xf32>,
          %get3A_978 = vector.shape_cast %get3A_977 : vector<16xf32> to vector<16xf32>
          %get3A_979 = arith.constant 0 : i32
          %get3A_980 = arith.index_cast %get3A_979 : i32 to index
          %get3A_981 = arith.constant 64 : index
          %get3A_982 = tpu.vector_load %arg11[%get3A_980, %get3A_981] {strides = array<i32>} : memref<16x256xf32, #tpu.memory_space<vmem>>, vector<1x16xf32>,
          %get3A_983 = vector.shape_cast %get3A_982 : vector<1x16xf32> to vector<16xf32>
          %mul3A_984 = vector.broadcast %squeeze3A_382 : f32 to vector<16xf32>
          %mul3A_985 = arith.mulf %get3A_983, %mul3A_984 : vector<16xf32>
          %add3A_986 = arith.addf %get3A_978, %mul3A_985 : vector<16xf32>
          %get3A_987 = arith.constant 1 : i32
          %get3A_988 = arith.index_cast %get3A_987 : i32 to index
          %get3A_989 = arith.constant 64 : index
          %get3A_990 = tpu.vector_load %arg11[%get3A_988, %get3A_989] {strides = array<i32>} : memref<16x256xf32, #tpu.memory_space<vmem>>, vector<1x16xf32>,
          %get3A_991 = vector.shape_cast %get3A_990 : vector<1x16xf32> to vector<16xf32>
          %mul3A_992 = vector.broadcast %squeeze3A_384 : f32 to vector<16xf32>
          %mul3A_993 = arith.mulf %get3A_991, %mul3A_992 : vector<16xf32>
          %add3A_994 = arith.addf %add3A_986, %mul3A_993 : vector<16xf32>
          %get3A_995 = arith.constant 2 : i32
          %get3A_996 = arith.index_cast %get3A_995 : i32 to index
          %get3A_997 = arith.constant 64 : index
          %get3A_998 = tpu.vector_load %arg11[%get3A_996, %get3A_997] {strides = array<i32>} : memref<16x256xf32, #tpu.memory_space<vmem>>, vector<1x16xf32>,
          %get3A_999 = vector.shape_cast %get3A_998 : vector<1x16xf32> to vector<16xf32>
          %mul3A_1000 = vector.broadcast %squeeze3A_386 : f32 to vector<16xf32>
          %mul3A_1001 = arith.mulf %get3A_999, %mul3A_1000 : vector<16xf32>
          %add3A_1002 = arith.addf %add3A_994, %mul3A_1001 : vector<16xf32>
          %get3A_1003 = arith.constant 3 : i32
          %get3A_1004 = arith.index_cast %get3A_1003 : i32 to index
          %get3A_1005 = arith.constant 64 : index
          %get3A_1006 = tpu.vector_load %arg11[%get3A_1004, %get3A_1005] {strides = array<i32>} : memref<16x256xf32, #tpu.memory_space<vmem>>, vector<1x16xf32>,
          %get3A_1007 = vector.shape_cast %get3A_1006 : vector<1x16xf32> to vector<16xf32>
          %mul3A_1008 = vector.broadcast %squeeze3A_388 : f32 to vector<16xf32>
          %mul3A_1009 = arith.mulf %get3A_1007, %mul3A_1008 : vector<16xf32>
          %add3A_1010 = arith.addf %add3A_1002, %mul3A_1009 : vector<16xf32>
          %get3A_1011 = arith.constant 4 : i32
          %get3A_1012 = arith.index_cast %get3A_1011 : i32 to index
          %get3A_1013 = arith.constant 64 : index
          %get3A_1014 = tpu.vector_load %arg11[%get3A_1012, %get3A_1013] {strides = array<i32>} : memref<16x256xf32, #tpu.memory_space<vmem>>, vector<1x16xf32>,
          %get3A_1015 = vector.shape_cast %get3A_1014 : vector<1x16xf32> to vector<16xf32>
          %mul3A_1016 = vector.broadcast %squeeze3A_390 : f32 to vector<16xf32>
          %mul3A_1017 = arith.mulf %get3A_1015, %mul3A_1016 : vector<16xf32>
          %add3A_1018 = arith.addf %add3A_1010, %mul3A_1017 : vector<16xf32>
          %get3A_1019 = arith.constant 5 : i32
          %get3A_1020 = arith.index_cast %get3A_1019 : i32 to index
          %get3A_1021 = arith.constant 64 : index
          %get3A_1022 = tpu.vector_load %arg11[%get3A_1020, %get3A_1021] {strides = array<i32>} : memref<16x256xf32, #tpu.memory_space<vmem>>, vector<1x16xf32>,
          %get3A_1023 = vector.shape_cast %get3A_1022 : vector<1x16xf32> to vector<16xf32>
          %mul3A_1024 = vector.broadcast %squeeze3A_392 : f32 to vector<16xf32>
          %mul3A_1025 = arith.mulf %get3A_1023, %mul3A_1024 : vector<16xf32>
          %add3A_1026 = arith.addf %add3A_1018, %mul3A_1025 : vector<16xf32>
          %get3A_1027 = arith.constant 6 : i32
          %get3A_1028 = arith.index_cast %get3A_1027 : i32 to index
          %get3A_1029 = arith.constant 64 : index
          %get3A_1030 = tpu.vector_load %arg11[%get3A_1028, %get3A_1029] {strides = array<i32>} : memref<16x256xf32, #tpu.memory_space<vmem>>, vector<1x16xf32>,
          %get3A_1031 = vector.shape_cast %get3A_1030 : vector<1x16xf32> to vector<16xf32>
          %mul3A_1032 = vector.broadcast %squeeze3A_394 : f32 to vector<16xf32>
          %mul3A_1033 = arith.mulf %get3A_1031, %mul3A_1032 : vector<16xf32>
          %add3A_1034 = arith.addf %add3A_1026, %mul3A_1033 : vector<16xf32>
          %get3A_1035 = arith.constant 7 : i32
          %get3A_1036 = arith.index_cast %get3A_1035 : i32 to index
          %get3A_1037 = arith.constant 64 : index
          %get3A_1038 = tpu.vector_load %arg11[%get3A_1036, %get3A_1037] {strides = array<i32>} : memref<16x256xf32, #tpu.memory_space<vmem>>, vector<1x16xf32>,
          %get3A_1039 = vector.shape_cast %get3A_1038 : vector<1x16xf32> to vector<16xf32>
          %mul3A_1040 = vector.broadcast %squeeze3A_396 : f32 to vector<16xf32>
          %mul3A_1041 = arith.mulf %get3A_1039, %mul3A_1040 : vector<16xf32>
          %add3A_1042 = arith.addf %add3A_1034, %mul3A_1041 : vector<16xf32>
          %get3A_1043 = arith.constant 8 : i32
          %get3A_1044 = arith.index_cast %get3A_1043 : i32 to index
          %get3A_1045 = arith.constant 64 : index
          %get3A_1046 = tpu.vector_load %arg11[%get3A_1044, %get3A_1045] {strides = array<i32>} : memref<16x256xf32, #tpu.memory_space<vmem>>, vector<1x16xf32>,
          %get3A_1047 = vector.shape_cast %get3A_1046 : vector<1x16xf32> to vector<16xf32>
          %mul3A_1048 = vector.broadcast %squeeze3A_398 : f32 to vector<16xf32>
          %mul3A_1049 = arith.mulf %get3A_1047, %mul3A_1048 : vector<16xf32>
          %add3A_1050 = arith.addf %add3A_1042, %mul3A_1049 : vector<16xf32>
          %get3A_1051 = arith.constant 9 : i32
          %get3A_1052 = arith.index_cast %get3A_1051 : i32 to index
          %get3A_1053 = arith.constant 64 : index
          %get3A_1054 = tpu.vector_load %arg11[%get3A_1052, %get3A_1053] {strides = array<i32>} : memref<16x256xf32, #tpu.memory_space<vmem>>, vector<1x16xf32>,
          %get3A_1055 = vector.shape_cast %get3A_1054 : vector<1x16xf32> to vector<16xf32>
          %mul3A_1056 = vector.broadcast %squeeze3A_400 : f32 to vector<16xf32>
          %mul3A_1057 = arith.mulf %get3A_1055, %mul3A_1056 : vector<16xf32>
          %add3A_1058 = arith.addf %add3A_1050, %mul3A_1057 : vector<16xf32>
          %get3A_1059 = arith.constant 10 : i32
          %get3A_1060 = arith.index_cast %get3A_1059 : i32 to index
          %get3A_1061 = arith.constant 64 : index
          %get3A_1062 = tpu.vector_load %arg11[%get3A_1060, %get3A_1061] {strides = array<i32>} : memref<16x256xf32, #tpu.memory_space<vmem>>, vector<1x16xf32>,
          %get3A_1063 = vector.shape_cast %get3A_1062 : vector<1x16xf32> to vector<16xf32>
          %mul3A_1064 = vector.broadcast %squeeze3A_402 : f32 to vector<16xf32>
          %mul3A_1065 = arith.mulf %get3A_1063, %mul3A_1064 : vector<16xf32>
          %add3A_1066 = arith.addf %add3A_1058, %mul3A_1065 : vector<16xf32>
          %get3A_1067 = arith.constant 11 : i32
          %get3A_1068 = arith.index_cast %get3A_1067 : i32 to index
          %get3A_1069 = arith.constant 64 : index
          %get3A_1070 = tpu.vector_load %arg11[%get3A_1068, %get3A_1069] {strides = array<i32>} : memref<16x256xf32, #tpu.memory_space<vmem>>, vector<1x16xf32>,
          %get3A_1071 = vector.shape_cast %get3A_1070 : vector<1x16xf32> to vector<16xf32>
          %mul3A_1072 = vector.broadcast %squeeze3A_404 : f32 to vector<16xf32>
          %mul3A_1073 = arith.mulf %get3A_1071, %mul3A_1072 : vector<16xf32>
          %add3A_1074 = arith.addf %add3A_1066, %mul3A_1073 : vector<16xf32>
          %get3A_1075 = arith.constant 12 : i32
          %get3A_1076 = arith.index_cast %get3A_1075 : i32 to index
          %get3A_1077 = arith.constant 64 : index
          %get3A_1078 = tpu.vector_load %arg11[%get3A_1076, %get3A_1077] {strides = array<i32>} : memref<16x256xf32, #tpu.memory_space<vmem>>, vector<1x16xf32>,
          %get3A_1079 = vector.shape_cast %get3A_1078 : vector<1x16xf32> to vector<16xf32>
          %mul3A_1080 = vector.broadcast %squeeze3A_406 : f32 to vector<16xf32>
          %mul3A_1081 = arith.mulf %get3A_1079, %mul3A_1080 : vector<16xf32>
          %add3A_1082 = arith.addf %add3A_1074, %mul3A_1081 : vector<16xf32>
          %get3A_1083 = arith.constant 13 : i32
          %get3A_1084 = arith.index_cast %get3A_1083 : i32 to index
          %get3A_1085 = arith.constant 64 : index
          %get3A_1086 = tpu.vector_load %arg11[%get3A_1084, %get3A_1085] {strides = array<i32>} : memref<16x256xf32, #tpu.memory_space<vmem>>, vector<1x16xf32>,
          %get3A_1087 = vector.shape_cast %get3A_1086 : vector<1x16xf32> to vector<16xf32>
          %mul3A_1088 = vector.broadcast %squeeze3A_408 : f32 to vector<16xf32>
          %mul3A_1089 = arith.mulf %get3A_1087, %mul3A_1088 : vector<16xf32>
          %add3A_1090 = arith.addf %add3A_1082, %mul3A_1089 : vector<16xf32>
          %get3A_1091 = arith.constant 14 : i32
          %get3A_1092 = arith.index_cast %get3A_1091 : i32 to index
          %get3A_1093 = arith.constant 64 : index
          %get3A_1094 = tpu.vector_load %arg11[%get3A_1092, %get3A_1093] {strides = array<i32>} : memref<16x256xf32, #tpu.memory_space<vmem>>, vector<1x16xf32>,
          %get3A_1095 = vector.shape_cast %get3A_1094 : vector<1x16xf32> to vector<16xf32>
          %mul3A_1096 = vector.broadcast %squeeze3A_410 : f32 to vector<16xf32>
          %mul3A_1097 = arith.mulf %get3A_1095, %mul3A_1096 : vector<16xf32>
          %add3A_1098 = arith.addf %add3A_1090, %mul3A_1097 : vector<16xf32>
          %get3A_1099 = arith.constant 15 : i32
          %get3A_1100 = arith.index_cast %get3A_1099 : i32 to index
          %get3A_1101 = arith.constant 64 : index
          %get3A_1102 = tpu.vector_load %arg11[%get3A_1100, %get3A_1101] {strides = array<i32>} : memref<16x256xf32, #tpu.memory_space<vmem>>, vector<1x16xf32>,
          %get3A_1103 = vector.shape_cast %get3A_1102 : vector<1x16xf32> to vector<16xf32>
          %mul3A_1104 = vector.broadcast %squeeze3A_412 : f32 to vector<16xf32>
          %mul3A_1105 = arith.mulf %get3A_1103, %mul3A_1104 : vector<16xf32>
          %add3A_1106 = arith.addf %add3A_1098, %mul3A_1105 : vector<16xf32>
          %swap3A_1107 = arith.constant 64 : index
          %swap3A_1108 = tpu.vector_load %arg12[%swap3A_1107] {strides = array<i32>} : memref<272xf32, #tpu.memory_space<vmem>>, vector<16xf32>,
          %swap3A_1109 = vector.shape_cast %swap3A_1108 : vector<16xf32> to vector<16xf32>
          %swap3A_1110 = vector.shape_cast %add3A_1106 : vector<16xf32> to vector<16xf32>
          tpu.vector_store %arg12[%swap3A_1107], %swap3A_1110 {strides = array<i32>} : memref<272xf32, #tpu.memory_space<vmem>>, vector<16xf32>,
          %get3A_1111 = arith.constant 80 : index
          %get3A_1112 = tpu.vector_load %arg12[%get3A_1111] {strides = array<i32>} : memref<272xf32, #tpu.memory_space<vmem>>, vector<16xf32>,
          %get3A_1113 = vector.shape_cast %get3A_1112 : vector<16xf32> to vector<16xf32>
          %get3A_1114 = arith.constant 0 : i32
          %get3A_1115 = arith.index_cast %get3A_1114 : i32 to index
          %get3A_1116 = arith.constant 80 : index
          %get3A_1117 = tpu.vector_load %arg11[%get3A_1115, %get3A_1116] {strides = array<i32>} : memref<16x256xf32, #tpu.memory_space<vmem>>, vector<1x16xf32>,
          %get3A_1118 = vector.shape_cast %get3A_1117 : vector<1x16xf32> to vector<16xf32>
          %mul3A_1119 = vector.broadcast %squeeze3A_382 : f32 to vector<16xf32>
          %mul3A_1120 = arith.mulf %get3A_1118, %mul3A_1119 : vector<16xf32>
          %add3A_1121 = arith.addf %get3A_1113, %mul3A_1120 : vector<16xf32>
          %get3A_1122 = arith.constant 1 : i32
          %get3A_1123 = arith.index_cast %get3A_1122 : i32 to index
          %get3A_1124 = arith.constant 80 : index
          %get3A_1125 = tpu.vector_load %arg11[%get3A_1123, %get3A_1124] {strides = array<i32>} : memref<16x256xf32, #tpu.memory_space<vmem>>, vector<1x16xf32>,
          %get3A_1126 = vector.shape_cast %get3A_1125 : vector<1x16xf32> to vector<16xf32>
          %mul3A_1127 = vector.broadcast %squeeze3A_384 : f32 to vector<16xf32>
          %mul3A_1128 = arith.mulf %get3A_1126, %mul3A_1127 : vector<16xf32>
          %add3A_1129 = arith.addf %add3A_1121, %mul3A_1128 : vector<16xf32>
          %get3A_1130 = arith.constant 2 : i32
          %get3A_1131 = arith.index_cast %get3A_1130 : i32 to index
          %get3A_1132 = arith.constant 80 : index
          %get3A_1133 = tpu.vector_load %arg11[%get3A_1131, %get3A_1132] {strides = array<i32>} : memref<16x256xf32, #tpu.memory_space<vmem>>, vector<1x16xf32>,
          %get3A_1134 = vector.shape_cast %get3A_1133 : vector<1x16xf32> to vector<16xf32>
          %mul3A_1135 = vector.broadcast %squeeze3A_386 : f32 to vector<16xf32>
          %mul3A_1136 = arith.mulf %get3A_1134, %mul3A_1135 : vector<16xf32>
          %add3A_1137 = arith.addf %add3A_1129, %mul3A_1136 : vector<16xf32>
          %get3A_1138 = arith.constant 3 : i32
          %get3A_1139 = arith.index_cast %get3A_1138 : i32 to index
          %get3A_1140 = arith.constant 80 : index
          %get3A_1141 = tpu.vector_load %arg11[%get3A_1139, %get3A_1140] {strides = array<i32>} : memref<16x256xf32, #tpu.memory_space<vmem>>, vector<1x16xf32>,
          %get3A_1142 = vector.shape_cast %get3A_1141 : vector<1x16xf32> to vector<16xf32>
          %mul3A_1143 = vector.broadcast %squeeze3A_388 : f32 to vector<16xf32>
          %mul3A_1144 = arith.mulf %get3A_1142, %mul3A_1143 : vector<16xf32>
          %add3A_1145 = arith.addf %add3A_1137, %mul3A_1144 : vector<16xf32>
          %get3A_1146 = arith.constant 4 : i32
          %get3A_1147 = arith.index_cast %get3A_1146 : i32 to index
          %get3A_1148 = arith.constant 80 : index
          %get3A_1149 = tpu.vector_load %arg11[%get3A_1147, %get3A_1148] {strides = array<i32>} : memref<16x256xf32, #tpu.memory_space<vmem>>, vector<1x16xf32>,
          %get3A_1150 = vector.shape_cast %get3A_1149 : vector<1x16xf32> to vector<16xf32>
          %mul3A_1151 = vector.broadcast %squeeze3A_390 : f32 to vector<16xf32>
          %mul3A_1152 = arith.mulf %get3A_1150, %mul3A_1151 : vector<16xf32>
          %add3A_1153 = arith.addf %add3A_1145, %mul3A_1152 : vector<16xf32>
          %get3A_1154 = arith.constant 5 : i32
          %get3A_1155 = arith.index_cast %get3A_1154 : i32 to index
          %get3A_1156 = arith.constant 80 : index
          %get3A_1157 = tpu.vector_load %arg11[%get3A_1155, %get3A_1156] {strides = array<i32>} : memref<16x256xf32, #tpu.memory_space<vmem>>, vector<1x16xf32>,
          %get3A_1158 = vector.shape_cast %get3A_1157 : vector<1x16xf32> to vector<16xf32>
          %mul3A_1159 = vector.broadcast %squeeze3A_392 : f32 to vector<16xf32>
          %mul3A_1160 = arith.mulf %get3A_1158, %mul3A_1159 : vector<16xf32>
          %add3A_1161 = arith.addf %add3A_1153, %mul3A_1160 : vector<16xf32>
          %get3A_1162 = arith.constant 6 : i32
          %get3A_1163 = arith.index_cast %get3A_1162 : i32 to index
          %get3A_1164 = arith.constant 80 : index
          %get3A_1165 = tpu.vector_load %arg11[%get3A_1163, %get3A_1164] {strides = array<i32>} : memref<16x256xf32, #tpu.memory_space<vmem>>, vector<1x16xf32>,
          %get3A_1166 = vector.shape_cast %get3A_1165 : vector<1x16xf32> to vector<16xf32>
          %mul3A_1167 = vector.broadcast %squeeze3A_394 : f32 to vector<16xf32>
          %mul3A_1168 = arith.mulf %get3A_1166, %mul3A_1167 : vector<16xf32>
          %add3A_1169 = arith.addf %add3A_1161, %mul3A_1168 : vector<16xf32>
          %get3A_1170 = arith.constant 7 : i32
          %get3A_1171 = arith.index_cast %get3A_1170 : i32 to index
          %get3A_1172 = arith.constant 80 : index
          %get3A_1173 = tpu.vector_load %arg11[%get3A_1171, %get3A_1172] {strides = array<i32>} : memref<16x256xf32, #tpu.memory_space<vmem>>, vector<1x16xf32>,
          %get3A_1174 = vector.shape_cast %get3A_1173 : vector<1x16xf32> to vector<16xf32>
          %mul3A_1175 = vector.broadcast %squeeze3A_396 : f32 to vector<16xf32>
          %mul3A_1176 = arith.mulf %get3A_1174, %mul3A_1175 : vector<16xf32>
          %add3A_1177 = arith.addf %add3A_1169, %mul3A_1176 : vector<16xf32>
          %get3A_1178 = arith.constant 8 : i32
          %get3A_1179 = arith.index_cast %get3A_1178 : i32 to index
          %get3A_1180 = arith.constant 80 : index
          %get3A_1181 = tpu.vector_load %arg11[%get3A_1179, %get3A_1180] {strides = array<i32>} : memref<16x256xf32, #tpu.memory_space<vmem>>, vector<1x16xf32>,
          %get3A_1182 = vector.shape_cast %get3A_1181 : vector<1x16xf32> to vector<16xf32>
          %mul3A_1183 = vector.broadcast %squeeze3A_398 : f32 to vector<16xf32>
          %mul3A_1184 = arith.mulf %get3A_1182, %mul3A_1183 : vector<16xf32>
          %add3A_1185 = arith.addf %add3A_1177, %mul3A_1184 : vector<16xf32>
          %get3A_1186 = arith.constant 9 : i32
          %get3A_1187 = arith.index_cast %get3A_1186 : i32 to index
          %get3A_1188 = arith.constant 80 : index
          %get3A_1189 = tpu.vector_load %arg11[%get3A_1187, %get3A_1188] {strides = array<i32>} : memref<16x256xf32, #tpu.memory_space<vmem>>, vector<1x16xf32>,
          %get3A_1190 = vector.shape_cast %get3A_1189 : vector<1x16xf32> to vector<16xf32>
          %mul3A_1191 = vector.broadcast %squeeze3A_400 : f32 to vector<16xf32>
          %mul3A_1192 = arith.mulf %get3A_1190, %mul3A_1191 : vector<16xf32>
          %add3A_1193 = arith.addf %add3A_1185, %mul3A_1192 : vector<16xf32>
          %get3A_1194 = arith.constant 10 : i32
          %get3A_1195 = arith.index_cast %get3A_1194 : i32 to index
          %get3A_1196 = arith.constant 80 : index
          %get3A_1197 = tpu.vector_load %arg11[%get3A_1195, %get3A_1196] {strides = array<i32>} : memref<16x256xf32, #tpu.memory_space<vmem>>, vector<1x16xf32>,
          %get3A_1198 = vector.shape_cast %get3A_1197 : vector<1x16xf32> to vector<16xf32>
          %mul3A_1199 = vector.broadcast %squeeze3A_402 : f32 to vector<16xf32>
          %mul3A_1200 = arith.mulf %get3A_1198, %mul3A_1199 : vector<16xf32>
          %add3A_1201 = arith.addf %add3A_1193, %mul3A_1200 : vector<16xf32>
          %get3A_1202 = arith.constant 11 : i32
          %get3A_1203 = arith.index_cast %get3A_1202 : i32 to index
          %get3A_1204 = arith.constant 80 : index
          %get3A_1205 = tpu.vector_load %arg11[%get3A_1203, %get3A_1204] {strides = array<i32>} : memref<16x256xf32, #tpu.memory_space<vmem>>, vector<1x16xf32>,
          %get3A_1206 = vector.shape_cast %get3A_1205 : vector<1x16xf32> to vector<16xf32>
          %mul3A_1207 = vector.broadcast %squeeze3A_404 : f32 to vector<16xf32>
          %mul3A_1208 = arith.mulf %get3A_1206, %mul3A_1207 : vector<16xf32>
          %add3A_1209 = arith.addf %add3A_1201, %mul3A_1208 : vector<16xf32>
          %get3A_1210 = arith.constant 12 : i32
          %get3A_1211 = arith.index_cast %get3A_1210 : i32 to index
          %get3A_1212 = arith.constant 80 : index
          %get3A_1213 = tpu.vector_load %arg11[%get3A_1211, %get3A_1212] {strides = array<i32>} : memref<16x256xf32, #tpu.memory_space<vmem>>, vector<1x16xf32>,
          %get3A_1214 = vector.shape_cast %get3A_1213 : vector<1x16xf32> to vector<16xf32>
          %mul3A_1215 = vector.broadcast %squeeze3A_406 : f32 to vector<16xf32>
          %mul3A_1216 = arith.mulf %get3A_1214, %mul3A_1215 : vector<16xf32>
          %add3A_1217 = arith.addf %add3A_1209, %mul3A_1216 : vector<16xf32>
          %get3A_1218 = arith.constant 13 : i32
          %get3A_1219 = arith.index_cast %get3A_1218 : i32 to index
          %get3A_1220 = arith.constant 80 : index
          %get3A_1221 = tpu.vector_load %arg11[%get3A_1219, %get3A_1220] {strides = array<i32>} : memref<16x256xf32, #tpu.memory_space<vmem>>, vector<1x16xf32>,
          %get3A_1222 = vector.shape_cast %get3A_1221 : vector<1x16xf32> to vector<16xf32>
          %mul3A_1223 = vector.broadcast %squeeze3A_408 : f32 to vector<16xf32>
          %mul3A_1224 = arith.mulf %get3A_1222, %mul3A_1223 : vector<16xf32>
          %add3A_1225 = arith.addf %add3A_1217, %mul3A_1224 : vector<16xf32>
          %get3A_1226 = arith.constant 14 : i32
          %get3A_1227 = arith.index_cast %get3A_1226 : i32 to index
          %get3A_1228 = arith.constant 80 : index
          %get3A_1229 = tpu.vector_load %arg11[%get3A_1227, %get3A_1228] {strides = array<i32>} : memref<16x256xf32, #tpu.memory_space<vmem>>, vector<1x16xf32>,
          %get3A_1230 = vector.shape_cast %get3A_1229 : vector<1x16xf32> to vector<16xf32>
          %mul3A_1231 = vector.broadcast %squeeze3A_410 : f32 to vector<16xf32>
          %mul3A_1232 = arith.mulf %get3A_1230, %mul3A_1231 : vector<16xf32>
          %add3A_1233 = arith.addf %add3A_1225, %mul3A_1232 : vector<16xf32>
          %get3A_1234 = arith.constant 15 : i32
          %get3A_1235 = arith.index_cast %get3A_1234 : i32 to index
          %get3A_1236 = arith.constant 80 : index
          %get3A_1237 = tpu.vector_load %arg11[%get3A_1235, %get3A_1236] {strides = array<i32>} : memref<16x256xf32, #tpu.memory_space<vmem>>, vector<1x16xf32>,
          %get3A_1238 = vector.shape_cast %get3A_1237 : vector<1x16xf32> to vector<16xf32>
          %mul3A_1239 = vector.broadcast %squeeze3A_412 : f32 to vector<16xf32>
          %mul3A_1240 = arith.mulf %get3A_1238, %mul3A_1239 : vector<16xf32>
          %add3A_1241 = arith.addf %add3A_1233, %mul3A_1240 : vector<16xf32>
          %swap3A_1242 = arith.constant 80 : index
          %swap3A_1243 = tpu.vector_load %arg12[%swap3A_1242] {strides = array<i32>} : memref<272xf32, #tpu.memory_space<vmem>>, vector<16xf32>,
          %swap3A_1244 = vector.shape_cast %swap3A_1243 : vector<16xf32> to vector<16xf32>
          %swap3A_1245 = vector.shape_cast %add3A_1241 : vector<16xf32> to vector<16xf32>
          tpu.vector_store %arg12[%swap3A_1242], %swap3A_1245 {strides = array<i32>} : memref<272xf32, #tpu.memory_space<vmem>>, vector<16xf32>,
          %get3A_1246 = arith.constant 96 : index
          %get3A_1247 = tpu.vector_load %arg12[%get3A_1246] {strides = array<i32>} : memref<272xf32, #tpu.memory_space<vmem>>, vector<16xf32>,
          %get3A_1248 = vector.shape_cast %get3A_1247 : vector<16xf32> to vector<16xf32>
          %get3A_1249 = arith.constant 0 : i32
          %get3A_1250 = arith.index_cast %get3A_1249 : i32 to index
          %get3A_1251 = arith.constant 96 : index
          %get3A_1252 = tpu.vector_load %arg11[%get3A_1250, %get3A_1251] {strides = array<i32>} : memref<16x256xf32, #tpu.memory_space<vmem>>, vector<1x16xf32>,
          %get3A_1253 = vector.shape_cast %get3A_1252 : vector<1x16xf32> to vector<16xf32>
          %mul3A_1254 = vector.broadcast %squeeze3A_382 : f32 to vector<16xf32>
          %mul3A_1255 = arith.mulf %get3A_1253, %mul3A_1254 : vector<16xf32>
          %add3A_1256 = arith.addf %get3A_1248, %mul3A_1255 : vector<16xf32>
          %get3A_1257 = arith.constant 1 : i32
          %get3A_1258 = arith.index_cast %get3A_1257 : i32 to index
          %get3A_1259 = arith.constant 96 : index
          %get3A_1260 = tpu.vector_load %arg11[%get3A_1258, %get3A_1259] {strides = array<i32>} : memref<16x256xf32, #tpu.memory_space<vmem>>, vector<1x16xf32>,
          %get3A_1261 = vector.shape_cast %get3A_1260 : vector<1x16xf32> to vector<16xf32>
          %mul3A_1262 = vector.broadcast %squeeze3A_384 : f32 to vector<16xf32>
          %mul3A_1263 = arith.mulf %get3A_1261, %mul3A_1262 : vector<16xf32>
          %add3A_1264 = arith.addf %add3A_1256, %mul3A_1263 : vector<16xf32>
          %get3A_1265 = arith.constant 2 : i32
          %get3A_1266 = arith.index_cast %get3A_1265 : i32 to index
          %get3A_1267 = arith.constant 96 : index
          %get3A_1268 = tpu.vector_load %arg11[%get3A_1266, %get3A_1267] {strides = array<i32>} : memref<16x256xf32, #tpu.memory_space<vmem>>, vector<1x16xf32>,
          %get3A_1269 = vector.shape_cast %get3A_1268 : vector<1x16xf32> to vector<16xf32>
          %mul3A_1270 = vector.broadcast %squeeze3A_386 : f32 to vector<16xf32>
          %mul3A_1271 = arith.mulf %get3A_1269, %mul3A_1270 : vector<16xf32>
          %add3A_1272 = arith.addf %add3A_1264, %mul3A_1271 : vector<16xf32>
          %get3A_1273 = arith.constant 3 : i32
          %get3A_1274 = arith.index_cast %get3A_1273 : i32 to index
          %get3A_1275 = arith.constant 96 : index
          %get3A_1276 = tpu.vector_load %arg11[%get3A_1274, %get3A_1275] {strides = array<i32>} : memref<16x256xf32, #tpu.memory_space<vmem>>, vector<1x16xf32>,
          %get3A_1277 = vector.shape_cast %get3A_1276 : vector<1x16xf32> to vector<16xf32>
          %mul3A_1278 = vector.broadcast %squeeze3A_388 : f32 to vector<16xf32>
          %mul3A_1279 = arith.mulf %get3A_1277, %mul3A_1278 : vector<16xf32>
          %add3A_1280 = arith.addf %add3A_1272, %mul3A_1279 : vector<16xf32>
          %get3A_1281 = arith.constant 4 : i32
          %get3A_1282 = arith.index_cast %get3A_1281 : i32 to index
          %get3A_1283 = arith.constant 96 : index
          %get3A_1284 = tpu.vector_load %arg11[%get3A_1282, %get3A_1283] {strides = array<i32>} : memref<16x256xf32, #tpu.memory_space<vmem>>, vector<1x16xf32>,
          %get3A_1285 = vector.shape_cast %get3A_1284 : vector<1x16xf32> to vector<16xf32>
          %mul3A_1286 = vector.broadcast %squeeze3A_390 : f32 to vector<16xf32>
          %mul3A_1287 = arith.mulf %get3A_1285, %mul3A_1286 : vector<16xf32>
          %add3A_1288 = arith.addf %add3A_1280, %mul3A_1287 : vector<16xf32>
          %get3A_1289 = arith.constant 5 : i32
          %get3A_1290 = arith.index_cast %get3A_1289 : i32 to index
          %get3A_1291 = arith.constant 96 : index
          %get3A_1292 = tpu.vector_load %arg11[%get3A_1290, %get3A_1291] {strides = array<i32>} : memref<16x256xf32, #tpu.memory_space<vmem>>, vector<1x16xf32>,
          %get3A_1293 = vector.shape_cast %get3A_1292 : vector<1x16xf32> to vector<16xf32>
          %mul3A_1294 = vector.broadcast %squeeze3A_392 : f32 to vector<16xf32>
          %mul3A_1295 = arith.mulf %get3A_1293, %mul3A_1294 : vector<16xf32>
          %add3A_1296 = arith.addf %add3A_1288, %mul3A_1295 : vector<16xf32>
          %get3A_1297 = arith.constant 6 : i32
          %get3A_1298 = arith.index_cast %get3A_1297 : i32 to index
          %get3A_1299 = arith.constant 96 : index
          %get3A_1300 = tpu.vector_load %arg11[%get3A_1298, %get3A_1299] {strides = array<i32>} : memref<16x256xf32, #tpu.memory_space<vmem>>, vector<1x16xf32>,
          %get3A_1301 = vector.shape_cast %get3A_1300 : vector<1x16xf32> to vector<16xf32>
          %mul3A_1302 = vector.broadcast %squeeze3A_394 : f32 to vector<16xf32>
          %mul3A_1303 = arith.mulf %get3A_1301, %mul3A_1302 : vector<16xf32>
          %add3A_1304 = arith.addf %add3A_1296, %mul3A_1303 : vector<16xf32>
          %get3A_1305 = arith.constant 7 : i32
          %get3A_1306 = arith.index_cast %get3A_1305 : i32 to index
          %get3A_1307 = arith.constant 96 : index
          %get3A_1308 = tpu.vector_load %arg11[%get3A_1306, %get3A_1307] {strides = array<i32>} : memref<16x256xf32, #tpu.memory_space<vmem>>, vector<1x16xf32>,
          %get3A_1309 = vector.shape_cast %get3A_1308 : vector<1x16xf32> to vector<16xf32>
          %mul3A_1310 = vector.broadcast %squeeze3A_396 : f32 to vector<16xf32>
          %mul3A_1311 = arith.mulf %get3A_1309, %mul3A_1310 : vector<16xf32>
          %add3A_1312 = arith.addf %add3A_1304, %mul3A_1311 : vector<16xf32>
          %get3A_1313 = arith.constant 8 : i32
          %get3A_1314 = arith.index_cast %get3A_1313 : i32 to index
          %get3A_1315 = arith.constant 96 : index
          %get3A_1316 = tpu.vector_load %arg11[%get3A_1314, %get3A_1315] {strides = array<i32>} : memref<16x256xf32, #tpu.memory_space<vmem>>, vector<1x16xf32>,
          %get3A_1317 = vector.shape_cast %get3A_1316 : vector<1x16xf32> to vector<16xf32>
          %mul3A_1318 = vector.broadcast %squeeze3A_398 : f32 to vector<16xf32>
          %mul3A_1319 = arith.mulf %get3A_1317, %mul3A_1318 : vector<16xf32>
          %add3A_1320 = arith.addf %add3A_1312, %mul3A_1319 : vector<16xf32>
          %get3A_1321 = arith.constant 9 : i32
          %get3A_1322 = arith.index_cast %get3A_1321 : i32 to index
          %get3A_1323 = arith.constant 96 : index
          %get3A_1324 = tpu.vector_load %arg11[%get3A_1322, %get3A_1323] {strides = array<i32>} : memref<16x256xf32, #tpu.memory_space<vmem>>, vector<1x16xf32>,
          %get3A_1325 = vector.shape_cast %get3A_1324 : vector<1x16xf32> to vector<16xf32>
          %mul3A_1326 = vector.broadcast %squeeze3A_400 : f32 to vector<16xf32>
          %mul3A_1327 = arith.mulf %get3A_1325, %mul3A_1326 : vector<16xf32>
          %add3A_1328 = arith.addf %add3A_1320, %mul3A_1327 : vector<16xf32>
          %get3A_1329 = arith.constant 10 : i32
          %get3A_1330 = arith.index_cast %get3A_1329 : i32 to index
          %get3A_1331 = arith.constant 96 : index
          %get3A_1332 = tpu.vector_load %arg11[%get3A_1330, %get3A_1331] {strides = array<i32>} : memref<16x256xf32, #tpu.memory_space<vmem>>, vector<1x16xf32>,
          %get3A_1333 = vector.shape_cast %get3A_1332 : vector<1x16xf32> to vector<16xf32>
          %mul3A_1334 = vector.broadcast %squeeze3A_402 : f32 to vector<16xf32>
          %mul3A_1335 = arith.mulf %get3A_1333, %mul3A_1334 : vector<16xf32>
          %add3A_1336 = arith.addf %add3A_1328, %mul3A_1335 : vector<16xf32>
          %get3A_1337 = arith.constant 11 : i32
          %get3A_1338 = arith.index_cast %get3A_1337 : i32 to index
          %get3A_1339 = arith.constant 96 : index
          %get3A_1340 = tpu.vector_load %arg11[%get3A_1338, %get3A_1339] {strides = array<i32>} : memref<16x256xf32, #tpu.memory_space<vmem>>, vector<1x16xf32>,
          %get3A_1341 = vector.shape_cast %get3A_1340 : vector<1x16xf32> to vector<16xf32>
          %mul3A_1342 = vector.broadcast %squeeze3A_404 : f32 to vector<16xf32>
          %mul3A_1343 = arith.mulf %get3A_1341, %mul3A_1342 : vector<16xf32>
          %add3A_1344 = arith.addf %add3A_1336, %mul3A_1343 : vector<16xf32>
          %get3A_1345 = arith.constant 12 : i32
          %get3A_1346 = arith.index_cast %get3A_1345 : i32 to index
          %get3A_1347 = arith.constant 96 : index
          %get3A_1348 = tpu.vector_load %arg11[%get3A_1346, %get3A_1347] {strides = array<i32>} : memref<16x256xf32, #tpu.memory_space<vmem>>, vector<1x16xf32>,
          %get3A_1349 = vector.shape_cast %get3A_1348 : vector<1x16xf32> to vector<16xf32>
          %mul3A_1350 = vector.broadcast %squeeze3A_406 : f32 to vector<16xf32>
          %mul3A_1351 = arith.mulf %get3A_1349, %mul3A_1350 : vector<16xf32>
          %add3A_1352 = arith.addf %add3A_1344, %mul3A_1351 : vector<16xf32>
          %get3A_1353 = arith.constant 13 : i32
          %get3A_1354 = arith.index_cast %get3A_1353 : i32 to index
          %get3A_1355 = arith.constant 96 : index
          %get3A_1356 = tpu.vector_load %arg11[%get3A_1354, %get3A_1355] {strides = array<i32>} : memref<16x256xf32, #tpu.memory_space<vmem>>, vector<1x16xf32>,
          %get3A_1357 = vector.shape_cast %get3A_1356 : vector<1x16xf32> to vector<16xf32>
          %mul3A_1358 = vector.broadcast %squeeze3A_408 : f32 to vector<16xf32>
          %mul3A_1359 = arith.mulf %get3A_1357, %mul3A_1358 : vector<16xf32>
          %add3A_1360 = arith.addf %add3A_1352, %mul3A_1359 : vector<16xf32>
          %get3A_1361 = arith.constant 14 : i32
          %get3A_1362 = arith.index_cast %get3A_1361 : i32 to index
          %get3A_1363 = arith.constant 96 : index
          %get3A_1364 = tpu.vector_load %arg11[%get3A_1362, %get3A_1363] {strides = array<i32>} : memref<16x256xf32, #tpu.memory_space<vmem>>, vector<1x16xf32>,
          %get3A_1365 = vector.shape_cast %get3A_1364 : vector<1x16xf32> to vector<16xf32>
          %mul3A_1366 = vector.broadcast %squeeze3A_410 : f32 to vector<16xf32>
          %mul3A_1367 = arith.mulf %get3A_1365, %mul3A_1366 : vector<16xf32>
          %add3A_1368 = arith.addf %add3A_1360, %mul3A_1367 : vector<16xf32>
          %get3A_1369 = arith.constant 15 : i32
          %get3A_1370 = arith.index_cast %get3A_1369 : i32 to index
          %get3A_1371 = arith.constant 96 : index
          %get3A_1372 = tpu.vector_load %arg11[%get3A_1370, %get3A_1371] {strides = array<i32>} : memref<16x256xf32, #tpu.memory_space<vmem>>, vector<1x16xf32>,
          %get3A_1373 = vector.shape_cast %get3A_1372 : vector<1x16xf32> to vector<16xf32>
          %mul3A_1374 = vector.broadcast %squeeze3A_412 : f32 to vector<16xf32>
          %mul3A_1375 = arith.mulf %get3A_1373, %mul3A_1374 : vector<16xf32>
          %add3A_1376 = arith.addf %add3A_1368, %mul3A_1375 : vector<16xf32>
          %swap3A_1377 = arith.constant 96 : index
          %swap3A_1378 = tpu.vector_load %arg12[%swap3A_1377] {strides = array<i32>} : memref<272xf32, #tpu.memory_space<vmem>>, vector<16xf32>,
          %swap3A_1379 = vector.shape_cast %swap3A_1378 : vector<16xf32> to vector<16xf32>
          %swap3A_1380 = vector.shape_cast %add3A_1376 : vector<16xf32> to vector<16xf32>
          tpu.vector_store %arg12[%swap3A_1377], %swap3A_1380 {strides = array<i32>} : memref<272xf32, #tpu.memory_space<vmem>>, vector<16xf32>,
          %get3A_1381 = arith.constant 112 : index
          %get3A_1382 = tpu.vector_load %arg12[%get3A_1381] {strides = array<i32>} : memref<272xf32, #tpu.memory_space<vmem>>, vector<16xf32>,
          %get3A_1383 = vector.shape_cast %get3A_1382 : vector<16xf32> to vector<16xf32>
          %get3A_1384 = arith.constant 0 : i32
          %get3A_1385 = arith.index_cast %get3A_1384 : i32 to index
          %get3A_1386 = arith.constant 112 : index
          %get3A_1387 = tpu.vector_load %arg11[%get3A_1385, %get3A_1386] {strides = array<i32>} : memref<16x256xf32, #tpu.memory_space<vmem>>, vector<1x16xf32>,
          %get3A_1388 = vector.shape_cast %get3A_1387 : vector<1x16xf32> to vector<16xf32>
          %mul3A_1389 = vector.broadcast %squeeze3A_382 : f32 to vector<16xf32>
          %mul3A_1390 = arith.mulf %get3A_1388, %mul3A_1389 : vector<16xf32>
          %add3A_1391 = arith.addf %get3A_1383, %mul3A_1390 : vector<16xf32>
          %get3A_1392 = arith.constant 1 : i32
          %get3A_1393 = arith.index_cast %get3A_1392 : i32 to index
          %get3A_1394 = arith.constant 112 : index
          %get3A_1395 = tpu.vector_load %arg11[%get3A_1393, %get3A_1394] {strides = array<i32>} : memref<16x256xf32, #tpu.memory_space<vmem>>, vector<1x16xf32>,
          %get3A_1396 = vector.shape_cast %get3A_1395 : vector<1x16xf32> to vector<16xf32>
          %mul3A_1397 = vector.broadcast %squeeze3A_384 : f32 to vector<16xf32>
          %mul3A_1398 = arith.mulf %get3A_1396, %mul3A_1397 : vector<16xf32>
          %add3A_1399 = arith.addf %add3A_1391, %mul3A_1398 : vector<16xf32>
          %get3A_1400 = arith.constant 2 : i32
          %get3A_1401 = arith.index_cast %get3A_1400 : i32 to index
          %get3A_1402 = arith.constant 112 : index
          %get3A_1403 = tpu.vector_load %arg11[%get3A_1401, %get3A_1402] {strides = array<i32>} : memref<16x256xf32, #tpu.memory_space<vmem>>, vector<1x16xf32>,
          %get3A_1404 = vector.shape_cast %get3A_1403 : vector<1x16xf32> to vector<16xf32>
          %mul3A_1405 = vector.broadcast %squeeze3A_386 : f32 to vector<16xf32>
          %mul3A_1406 = arith.mulf %get3A_1404, %mul3A_1405 : vector<16xf32>
          %add3A_1407 = arith.addf %add3A_1399, %mul3A_1406 : vector<16xf32>
          %get3A_1408 = arith.constant 3 : i32
          %get3A_1409 = arith.index_cast %get3A_1408 : i32 to index
          %get3A_1410 = arith.constant 112 : index
          %get3A_1411 = tpu.vector_load %arg11[%get3A_1409, %get3A_1410] {strides = array<i32>} : memref<16x256xf32, #tpu.memory_space<vmem>>, vector<1x16xf32>,
          %get3A_1412 = vector.shape_cast %get3A_1411 : vector<1x16xf32> to vector<16xf32>
          %mul3A_1413 = vector.broadcast %squeeze3A_388 : f32 to vector<16xf32>
          %mul3A_1414 = arith.mulf %get3A_1412, %mul3A_1413 : vector<16xf32>
          %add3A_1415 = arith.addf %add3A_1407, %mul3A_1414 : vector<16xf32>
          %get3A_1416 = arith.constant 4 : i32
          %get3A_1417 = arith.index_cast %get3A_1416 : i32 to index
          %get3A_1418 = arith.constant 112 : index
          %get3A_1419 = tpu.vector_load %arg11[%get3A_1417, %get3A_1418] {strides = array<i32>} : memref<16x256xf32, #tpu.memory_space<vmem>>, vector<1x16xf32>,
          %get3A_1420 = vector.shape_cast %get3A_1419 : vector<1x16xf32> to vector<16xf32>
          %mul3A_1421 = vector.broadcast %squeeze3A_390 : f32 to vector<16xf32>
          %mul3A_1422 = arith.mulf %get3A_1420, %mul3A_1421 : vector<16xf32>
          %add3A_1423 = arith.addf %add3A_1415, %mul3A_1422 : vector<16xf32>
          %get3A_1424 = arith.constant 5 : i32
          %get3A_1425 = arith.index_cast %get3A_1424 : i32 to index
          %get3A_1426 = arith.constant 112 : index
          %get3A_1427 = tpu.vector_load %arg11[%get3A_1425, %get3A_1426] {strides = array<i32>} : memref<16x256xf32, #tpu.memory_space<vmem>>, vector<1x16xf32>,
          %get3A_1428 = vector.shape_cast %get3A_1427 : vector<1x16xf32> to vector<16xf32>
          %mul3A_1429 = vector.broadcast %squeeze3A_392 : f32 to vector<16xf32>
          %mul3A_1430 = arith.mulf %get3A_1428, %mul3A_1429 : vector<16xf32>
          %add3A_1431 = arith.addf %add3A_1423, %mul3A_1430 : vector<16xf32>
          %get3A_1432 = arith.constant 6 : i32
          %get3A_1433 = arith.index_cast %get3A_1432 : i32 to index
          %get3A_1434 = arith.constant 112 : index
          %get3A_1435 = tpu.vector_load %arg11[%get3A_1433, %get3A_1434] {strides = array<i32>} : memref<16x256xf32, #tpu.memory_space<vmem>>, vector<1x16xf32>,
          %get3A_1436 = vector.shape_cast %get3A_1435 : vector<1x16xf32> to vector<16xf32>
          %mul3A_1437 = vector.broadcast %squeeze3A_394 : f32 to vector<16xf32>
          %mul3A_1438 = arith.mulf %get3A_1436, %mul3A_1437 : vector<16xf32>
          %add3A_1439 = arith.addf %add3A_1431, %mul3A_1438 : vector<16xf32>
          %get3A_1440 = arith.constant 7 : i32
          %get3A_1441 = arith.index_cast %get3A_1440 : i32 to index
          %get3A_1442 = arith.constant 112 : index
          %get3A_1443 = tpu.vector_load %arg11[%get3A_1441, %get3A_1442] {strides = array<i32>} : memref<16x256xf32, #tpu.memory_space<vmem>>, vector<1x16xf32>,
          %get3A_1444 = vector.shape_cast %get3A_1443 : vector<1x16xf32> to vector<16xf32>
          %mul3A_1445 = vector.broadcast %squeeze3A_396 : f32 to vector<16xf32>
          %mul3A_1446 = arith.mulf %get3A_1444, %mul3A_1445 : vector<16xf32>
          %add3A_1447 = arith.addf %add3A_1439, %mul3A_1446 : vector<16xf32>
          %get3A_1448 = arith.constant 8 : i32
          %get3A_1449 = arith.index_cast %get3A_1448 : i32 to index
          %get3A_1450 = arith.constant 112 : index
          %get3A_1451 = tpu.vector_load %arg11[%get3A_1449, %get3A_1450] {strides = array<i32>} : memref<16x256xf32, #tpu.memory_space<vmem>>, vector<1x16xf32>,
          %get3A_1452 = vector.shape_cast %get3A_1451 : vector<1x16xf32> to vector<16xf32>
          %mul3A_1453 = vector.broadcast %squeeze3A_398 : f32 to vector<16xf32>
          %mul3A_1454 = arith.mulf %get3A_1452, %mul3A_1453 : vector<16xf32>
          %add3A_1455 = arith.addf %add3A_1447, %mul3A_1454 : vector<16xf32>
          %get3A_1456 = arith.constant 9 : i32
          %get3A_1457 = arith.index_cast %get3A_1456 : i32 to index
          %get3A_1458 = arith.constant 112 : index
          %get3A_1459 = tpu.vector_load %arg11[%get3A_1457, %get3A_1458] {strides = array<i32>} : memref<16x256xf32, #tpu.memory_space<vmem>>, vector<1x16xf32>,
          %get3A_1460 = vector.shape_cast %get3A_1459 : vector<1x16xf32> to vector<16xf32>
          %mul3A_1461 = vector.broadcast %squeeze3A_400 : f32 to vector<16xf32>
          %mul3A_1462 = arith.mulf %get3A_1460, %mul3A_1461 : vector<16xf32>
          %add3A_1463 = arith.addf %add3A_1455, %mul3A_1462 : vector<16xf32>
          %get3A_1464 = arith.constant 10 : i32
          %get3A_1465 = arith.index_cast %get3A_1464 : i32 to index
          %get3A_1466 = arith.constant 112 : index
          %get3A_1467 = tpu.vector_load %arg11[%get3A_1465, %get3A_1466] {strides = array<i32>} : memref<16x256xf32, #tpu.memory_space<vmem>>, vector<1x16xf32>,
          %get3A_1468 = vector.shape_cast %get3A_1467 : vector<1x16xf32> to vector<16xf32>
          %mul3A_1469 = vector.broadcast %squeeze3A_402 : f32 to vector<16xf32>
          %mul3A_1470 = arith.mulf %get3A_1468, %mul3A_1469 : vector<16xf32>
          %add3A_1471 = arith.addf %add3A_1463, %mul3A_1470 : vector<16xf32>
          %get3A_1472 = arith.constant 11 : i32
          %get3A_1473 = arith.index_cast %get3A_1472 : i32 to index
          %get3A_1474 = arith.constant 112 : index
          %get3A_1475 = tpu.vector_load %arg11[%get3A_1473, %get3A_1474] {strides = array<i32>} : memref<16x256xf32, #tpu.memory_space<vmem>>, vector<1x16xf32>,
          %get3A_1476 = vector.shape_cast %get3A_1475 : vector<1x16xf32> to vector<16xf32>
          %mul3A_1477 = vector.broadcast %squeeze3A_404 : f32 to vector<16xf32>
          %mul3A_1478 = arith.mulf %get3A_1476, %mul3A_1477 : vector<16xf32>
          %add3A_1479 = arith.addf %add3A_1471, %mul3A_1478 : vector<16xf32>
          %get3A_1480 = arith.constant 12 : i32
          %get3A_1481 = arith.index_cast %get3A_1480 : i32 to index
          %get3A_1482 = arith.constant 112 : index
          %get3A_1483 = tpu.vector_load %arg11[%get3A_1481, %get3A_1482] {strides = array<i32>} : memref<16x256xf32, #tpu.memory_space<vmem>>, vector<1x16xf32>,
          %get3A_1484 = vector.shape_cast %get3A_1483 : vector<1x16xf32> to vector<16xf32>
          %mul3A_1485 = vector.broadcast %squeeze3A_406 : f32 to vector<16xf32>
          %mul3A_1486 = arith.mulf %get3A_1484, %mul3A_1485 : vector<16xf32>
          %add3A_1487 = arith.addf %add3A_1479, %mul3A_1486 : vector<16xf32>
          %get3A_1488 = arith.constant 13 : i32
          %get3A_1489 = arith.index_cast %get3A_1488 : i32 to index
          %get3A_1490 = arith.constant 112 : index
          %get3A_1491 = tpu.vector_load %arg11[%get3A_1489, %get3A_1490] {strides = array<i32>} : memref<16x256xf32, #tpu.memory_space<vmem>>, vector<1x16xf32>,
          %get3A_1492 = vector.shape_cast %get3A_1491 : vector<1x16xf32> to vector<16xf32>
          %mul3A_1493 = vector.broadcast %squeeze3A_408 : f32 to vector<16xf32>
          %mul3A_1494 = arith.mulf %get3A_1492, %mul3A_1493 : vector<16xf32>
          %add3A_1495 = arith.addf %add3A_1487, %mul3A_1494 : vector<16xf32>
          %get3A_1496 = arith.constant 14 : i32
          %get3A_1497 = arith.index_cast %get3A_1496 : i32 to index
          %get3A_1498 = arith.constant 112 : index
          %get3A_1499 = tpu.vector_load %arg11[%get3A_1497, %get3A_1498] {strides = array<i32>} : memref<16x256xf32, #tpu.memory_space<vmem>>, vector<1x16xf32>,
          %get3A_1500 = vector.shape_cast %get3A_1499 : vector<1x16xf32> to vector<16xf32>
          %mul3A_1501 = vector.broadcast %squeeze3A_410 : f32 to vector<16xf32>
          %mul3A_1502 = arith.mulf %get3A_1500, %mul3A_1501 : vector<16xf32>
          %add3A_1503 = arith.addf %add3A_1495, %mul3A_1502 : vector<16xf32>
          %get3A_1504 = arith.constant 15 : i32
          %get3A_1505 = arith.index_cast %get3A_1504 : i32 to index
          %get3A_1506 = arith.constant 112 : index
          %get3A_1507 = tpu.vector_load %arg11[%get3A_1505, %get3A_1506] {strides = array<i32>} : memref<16x256xf32, #tpu.memory_space<vmem>>, vector<1x16xf32>,
          %get3A_1508 = vector.shape_cast %get3A_1507 : vector<1x16xf32> to vector<16xf32>
          %mul3A_1509 = vector.broadcast %squeeze3A_412 : f32 to vector<16xf32>
          %mul3A_1510 = arith.mulf %get3A_1508, %mul3A_1509 : vector<16xf32>
          %add3A_1511 = arith.addf %add3A_1503, %mul3A_1510 : vector<16xf32>
          %swap3A_1512 = arith.constant 112 : index
          %swap3A_1513 = tpu.vector_load %arg12[%swap3A_1512] {strides = array<i32>} : memref<272xf32, #tpu.memory_space<vmem>>, vector<16xf32>,
          %swap3A_1514 = vector.shape_cast %swap3A_1513 : vector<16xf32> to vector<16xf32>
          %swap3A_1515 = vector.shape_cast %add3A_1511 : vector<16xf32> to vector<16xf32>
          tpu.vector_store %arg12[%swap3A_1512], %swap3A_1515 {strides = array<i32>} : memref<272xf32, #tpu.memory_space<vmem>>, vector<16xf32>,
          %get3A_1516 = arith.constant 128 : index
          %get3A_1517 = tpu.vector_load %arg12[%get3A_1516] {strides = array<i32>} : memref<272xf32, #tpu.memory_space<vmem>>, vector<16xf32>,
          %get3A_1518 = vector.shape_cast %get3A_1517 : vector<16xf32> to vector<16xf32>
          %get3A_1519 = arith.constant 0 : i32
          %get3A_1520 = arith.index_cast %get3A_1519 : i32 to index
          %get3A_1521 = arith.constant 128 : index
          %get3A_1522 = tpu.vector_load %arg11[%get3A_1520, %get3A_1521] {strides = array<i32>} : memref<16x256xf32, #tpu.memory_space<vmem>>, vector<1x16xf32>,
          %get3A_1523 = vector.shape_cast %get3A_1522 : vector<1x16xf32> to vector<16xf32>
          %mul3A_1524 = vector.broadcast %squeeze3A_382 : f32 to vector<16xf32>
          %mul3A_1525 = arith.mulf %get3A_1523, %mul3A_1524 : vector<16xf32>
          %add3A_1526 = arith.addf %get3A_1518, %mul3A_1525 : vector<16xf32>
          %get3A_1527 = arith.constant 1 : i32
          %get3A_1528 = arith.index_cast %get3A_1527 : i32 to index
          %get3A_1529 = arith.constant 128 : index
          %get3A_1530 = tpu.vector_load %arg11[%get3A_1528, %get3A_1529] {strides = array<i32>} : memref<16x256xf32, #tpu.memory_space<vmem>>, vector<1x16xf32>,
          %get3A_1531 = vector.shape_cast %get3A_1530 : vector<1x16xf32> to vector<16xf32>
          %mul3A_1532 = vector.broadcast %squeeze3A_384 : f32 to vector<16xf32>
          %mul3A_1533 = arith.mulf %get3A_1531, %mul3A_1532 : vector<16xf32>
          %add3A_1534 = arith.addf %add3A_1526, %mul3A_1533 : vector<16xf32>
          %get3A_1535 = arith.constant 2 : i32
          %get3A_1536 = arith.index_cast %get3A_1535 : i32 to index
          %get3A_1537 = arith.constant 128 : index
          %get3A_1538 = tpu.vector_load %arg11[%get3A_1536, %get3A_1537] {strides = array<i32>} : memref<16x256xf32, #tpu.memory_space<vmem>>, vector<1x16xf32>,
          %get3A_1539 = vector.shape_cast %get3A_1538 : vector<1x16xf32> to vector<16xf32>
          %mul3A_1540 = vector.broadcast %squeeze3A_386 : f32 to vector<16xf32>
          %mul3A_1541 = arith.mulf %get3A_1539, %mul3A_1540 : vector<16xf32>
          %add3A_1542 = arith.addf %add3A_1534, %mul3A_1541 : vector<16xf32>
          %get3A_1543 = arith.constant 3 : i32
          %get3A_1544 = arith.index_cast %get3A_1543 : i32 to index
          %get3A_1545 = arith.constant 128 : index
          %get3A_1546 = tpu.vector_load %arg11[%get3A_1544, %get3A_1545] {strides = array<i32>} : memref<16x256xf32, #tpu.memory_space<vmem>>, vector<1x16xf32>,
          %get3A_1547 = vector.shape_cast %get3A_1546 : vector<1x16xf32> to vector<16xf32>
          %mul3A_1548 = vector.broadcast %squeeze3A_388 : f32 to vector<16xf32>
          %mul3A_1549 = arith.mulf %get3A_1547, %mul3A_1548 : vector<16xf32>
          %add3A_1550 = arith.addf %add3A_1542, %mul3A_1549 : vector<16xf32>
          %get3A_1551 = arith.constant 4 : i32
          %get3A_1552 = arith.index_cast %get3A_1551 : i32 to index
          %get3A_1553 = arith.constant 128 : index
          %get3A_1554 = tpu.vector_load %arg11[%get3A_1552, %get3A_1553] {strides = array<i32>} : memref<16x256xf32, #tpu.memory_space<vmem>>, vector<1x16xf32>,
          %get3A_1555 = vector.shape_cast %get3A_1554 : vector<1x16xf32> to vector<16xf32>
          %mul3A_1556 = vector.broadcast %squeeze3A_390 : f32 to vector<16xf32>
          %mul3A_1557 = arith.mulf %get3A_1555, %mul3A_1556 : vector<16xf32>
          %add3A_1558 = arith.addf %add3A_1550, %mul3A_1557 : vector<16xf32>
          %get3A_1559 = arith.constant 5 : i32
          %get3A_1560 = arith.index_cast %get3A_1559 : i32 to index
          %get3A_1561 = arith.constant 128 : index
          %get3A_1562 = tpu.vector_load %arg11[%get3A_1560, %get3A_1561] {strides = array<i32>} : memref<16x256xf32, #tpu.memory_space<vmem>>, vector<1x16xf32>,
          %get3A_1563 = vector.shape_cast %get3A_1562 : vector<1x16xf32> to vector<16xf32>
          %mul3A_1564 = vector.broadcast %squeeze3A_392 : f32 to vector<16xf32>
          %mul3A_1565 = arith.mulf %get3A_1563, %mul3A_1564 : vector<16xf32>
          %add3A_1566 = arith.addf %add3A_1558, %mul3A_1565 : vector<16xf32>
          %get3A_1567 = arith.constant 6 : i32
          %get3A_1568 = arith.index_cast %get3A_1567 : i32 to index
          %get3A_1569 = arith.constant 128 : index
          %get3A_1570 = tpu.vector_load %arg11[%get3A_1568, %get3A_1569] {strides = array<i32>} : memref<16x256xf32, #tpu.memory_space<vmem>>, vector<1x16xf32>,
          %get3A_1571 = vector.shape_cast %get3A_1570 : vector<1x16xf32> to vector<16xf32>
          %mul3A_1572 = vector.broadcast %squeeze3A_394 : f32 to vector<16xf32>
          %mul3A_1573 = arith.mulf %get3A_1571, %mul3A_1572 : vector<16xf32>
          %add3A_1574 = arith.addf %add3A_1566, %mul3A_1573 : vector<16xf32>
          %get3A_1575 = arith.constant 7 : i32
          %get3A_1576 = arith.index_cast %get3A_1575 : i32 to index
          %get3A_1577 = arith.constant 128 : index
          %get3A_1578 = tpu.vector_load %arg11[%get3A_1576, %get3A_1577] {strides = array<i32>} : memref<16x256xf32, #tpu.memory_space<vmem>>, vector<1x16xf32>,
          %get3A_1579 = vector.shape_cast %get3A_1578 : vector<1x16xf32> to vector<16xf32>
          %mul3A_1580 = vector.broadcast %squeeze3A_396 : f32 to vector<16xf32>
          %mul3A_1581 = arith.mulf %get3A_1579, %mul3A_1580 : vector<16xf32>
          %add3A_1582 = arith.addf %add3A_1574, %mul3A_1581 : vector<16xf32>
          %get3A_1583 = arith.constant 8 : i32
          %get3A_1584 = arith.index_cast %get3A_1583 : i32 to index
          %get3A_1585 = arith.constant 128 : index
          %get3A_1586 = tpu.vector_load %arg11[%get3A_1584, %get3A_1585] {strides = array<i32>} : memref<16x256xf32, #tpu.memory_space<vmem>>, vector<1x16xf32>,
          %get3A_1587 = vector.shape_cast %get3A_1586 : vector<1x16xf32> to vector<16xf32>
          %mul3A_1588 = vector.broadcast %squeeze3A_398 : f32 to vector<16xf32>
          %mul3A_1589 = arith.mulf %get3A_1587, %mul3A_1588 : vector<16xf32>
          %add3A_1590 = arith.addf %add3A_1582, %mul3A_1589 : vector<16xf32>
          %get3A_1591 = arith.constant 9 : i32
          %get3A_1592 = arith.index_cast %get3A_1591 : i32 to index
          %get3A_1593 = arith.constant 128 : index
          %get3A_1594 = tpu.vector_load %arg11[%get3A_1592, %get3A_1593] {strides = array<i32>} : memref<16x256xf32, #tpu.memory_space<vmem>>, vector<1x16xf32>,
          %get3A_1595 = vector.shape_cast %get3A_1594 : vector<1x16xf32> to vector<16xf32>
          %mul3A_1596 = vector.broadcast %squeeze3A_400 : f32 to vector<16xf32>
          %mul3A_1597 = arith.mulf %get3A_1595, %mul3A_1596 : vector<16xf32>
          %add3A_1598 = arith.addf %add3A_1590, %mul3A_1597 : vector<16xf32>
          %get3A_1599 = arith.constant 10 : i32
          %get3A_1600 = arith.index_cast %get3A_1599 : i32 to index
          %get3A_1601 = arith.constant 128 : index
          %get3A_1602 = tpu.vector_load %arg11[%get3A_1600, %get3A_1601] {strides = array<i32>} : memref<16x256xf32, #tpu.memory_space<vmem>>, vector<1x16xf32>,
          %get3A_1603 = vector.shape_cast %get3A_1602 : vector<1x16xf32> to vector<16xf32>
          %mul3A_1604 = vector.broadcast %squeeze3A_402 : f32 to vector<16xf32>
          %mul3A_1605 = arith.mulf %get3A_1603, %mul3A_1604 : vector<16xf32>
          %add3A_1606 = arith.addf %add3A_1598, %mul3A_1605 : vector<16xf32>
          %get3A_1607 = arith.constant 11 : i32
          %get3A_1608 = arith.index_cast %get3A_1607 : i32 to index
          %get3A_1609 = arith.constant 128 : index
          %get3A_1610 = tpu.vector_load %arg11[%get3A_1608, %get3A_1609] {strides = array<i32>} : memref<16x256xf32, #tpu.memory_space<vmem>>, vector<1x16xf32>,
          %get3A_1611 = vector.shape_cast %get3A_1610 : vector<1x16xf32> to vector<16xf32>
          %mul3A_1612 = vector.broadcast %squeeze3A_404 : f32 to vector<16xf32>
          %mul3A_1613 = arith.mulf %get3A_1611, %mul3A_1612 : vector<16xf32>
          %add3A_1614 = arith.addf %add3A_1606, %mul3A_1613 : vector<16xf32>
          %get3A_1615 = arith.constant 12 : i32
          %get3A_1616 = arith.index_cast %get3A_1615 : i32 to index
          %get3A_1617 = arith.constant 128 : index
          %get3A_1618 = tpu.vector_load %arg11[%get3A_1616, %get3A_1617] {strides = array<i32>} : memref<16x256xf32, #tpu.memory_space<vmem>>, vector<1x16xf32>,
          %get3A_1619 = vector.shape_cast %get3A_1618 : vector<1x16xf32> to vector<16xf32>
          %mul3A_1620 = vector.broadcast %squeeze3A_406 : f32 to vector<16xf32>
          %mul3A_1621 = arith.mulf %get3A_1619, %mul3A_1620 : vector<16xf32>
          %add3A_1622 = arith.addf %add3A_1614, %mul3A_1621 : vector<16xf32>
          %get3A_1623 = arith.constant 13 : i32
          %get3A_1624 = arith.index_cast %get3A_1623 : i32 to index
          %get3A_1625 = arith.constant 128 : index
          %get3A_1626 = tpu.vector_load %arg11[%get3A_1624, %get3A_1625] {strides = array<i32>} : memref<16x256xf32, #tpu.memory_space<vmem>>, vector<1x16xf32>,
          %get3A_1627 = vector.shape_cast %get3A_1626 : vector<1x16xf32> to vector<16xf32>
          %mul3A_1628 = vector.broadcast %squeeze3A_408 : f32 to vector<16xf32>
          %mul3A_1629 = arith.mulf %get3A_1627, %mul3A_1628 : vector<16xf32>
          %add3A_1630 = arith.addf %add3A_1622, %mul3A_1629 : vector<16xf32>
          %get3A_1631 = arith.constant 14 : i32
          %get3A_1632 = arith.index_cast %get3A_1631 : i32 to index
          %get3A_1633 = arith.constant 128 : index
          %get3A_1634 = tpu.vector_load %arg11[%get3A_1632, %get3A_1633] {strides = array<i32>} : memref<16x256xf32, #tpu.memory_space<vmem>>, vector<1x16xf32>,
          %get3A_1635 = vector.shape_cast %get3A_1634 : vector<1x16xf32> to vector<16xf32>
          %mul3A_1636 = vector.broadcast %squeeze3A_410 : f32 to vector<16xf32>
          %mul3A_1637 = arith.mulf %get3A_1635, %mul3A_1636 : vector<16xf32>
          %add3A_1638 = arith.addf %add3A_1630, %mul3A_1637 : vector<16xf32>
          %get3A_1639 = arith.constant 15 : i32
          %get3A_1640 = arith.index_cast %get3A_1639 : i32 to index
          %get3A_1641 = arith.constant 128 : index
          %get3A_1642 = tpu.vector_load %arg11[%get3A_1640, %get3A_1641] {strides = array<i32>} : memref<16x256xf32, #tpu.memory_space<vmem>>, vector<1x16xf32>,
          %get3A_1643 = vector.shape_cast %get3A_1642 : vector<1x16xf32> to vector<16xf32>
          %mul3A_1644 = vector.broadcast %squeeze3A_412 : f32 to vector<16xf32>
          %mul3A_1645 = arith.mulf %get3A_1643, %mul3A_1644 : vector<16xf32>
          %add3A_1646 = arith.addf %add3A_1638, %mul3A_1645 : vector<16xf32>
          %swap3A_1647 = arith.constant 128 : index
          %swap3A_1648 = tpu.vector_load %arg12[%swap3A_1647] {strides = array<i32>} : memref<272xf32, #tpu.memory_space<vmem>>, vector<16xf32>,
          %swap3A_1649 = vector.shape_cast %swap3A_1648 : vector<16xf32> to vector<16xf32>
          %swap3A_1650 = vector.shape_cast %add3A_1646 : vector<16xf32> to vector<16xf32>
          tpu.vector_store %arg12[%swap3A_1647], %swap3A_1650 {strides = array<i32>} : memref<272xf32, #tpu.memory_space<vmem>>, vector<16xf32>,
          %get3A_1651 = arith.constant 144 : index
          %get3A_1652 = tpu.vector_load %arg12[%get3A_1651] {strides = array<i32>} : memref<272xf32, #tpu.memory_space<vmem>>, vector<16xf32>,
          %get3A_1653 = vector.shape_cast %get3A_1652 : vector<16xf32> to vector<16xf32>
          %get3A_1654 = arith.constant 0 : i32
          %get3A_1655 = arith.index_cast %get3A_1654 : i32 to index
          %get3A_1656 = arith.constant 144 : index
          %get3A_1657 = tpu.vector_load %arg11[%get3A_1655, %get3A_1656] {strides = array<i32>} : memref<16x256xf32, #tpu.memory_space<vmem>>, vector<1x16xf32>,
          %get3A_1658 = vector.shape_cast %get3A_1657 : vector<1x16xf32> to vector<16xf32>
          %mul3A_1659 = vector.broadcast %squeeze3A_382 : f32 to vector<16xf32>
          %mul3A_1660 = arith.mulf %get3A_1658, %mul3A_1659 : vector<16xf32>
          %add3A_1661 = arith.addf %get3A_1653, %mul3A_1660 : vector<16xf32>
          %get3A_1662 = arith.constant 1 : i32
          %get3A_1663 = arith.index_cast %get3A_1662 : i32 to index
          %get3A_1664 = arith.constant 144 : index
          %get3A_1665 = tpu.vector_load %arg11[%get3A_1663, %get3A_1664] {strides = array<i32>} : memref<16x256xf32, #tpu.memory_space<vmem>>, vector<1x16xf32>,
          %get3A_1666 = vector.shape_cast %get3A_1665 : vector<1x16xf32> to vector<16xf32>
          %mul3A_1667 = vector.broadcast %squeeze3A_384 : f32 to vector<16xf32>
          %mul3A_1668 = arith.mulf %get3A_1666, %mul3A_1667 : vector<16xf32>
          %add3A_1669 = arith.addf %add3A_1661, %mul3A_1668 : vector<16xf32>
          %get3A_1670 = arith.constant 2 : i32
          %get3A_1671 = arith.index_cast %get3A_1670 : i32 to index
          %get3A_1672 = arith.constant 144 : index
          %get3A_1673 = tpu.vector_load %arg11[%get3A_1671, %get3A_1672] {strides = array<i32>} : memref<16x256xf32, #tpu.memory_space<vmem>>, vector<1x16xf32>,
          %get3A_1674 = vector.shape_cast %get3A_1673 : vector<1x16xf32> to vector<16xf32>
          %mul3A_1675 = vector.broadcast %squeeze3A_386 : f32 to vector<16xf32>
          %mul3A_1676 = arith.mulf %get3A_1674, %mul3A_1675 : vector<16xf32>
          %add3A_1677 = arith.addf %add3A_1669, %mul3A_1676 : vector<16xf32>
          %get3A_1678 = arith.constant 3 : i32
          %get3A_1679 = arith.index_cast %get3A_1678 : i32 to index
          %get3A_1680 = arith.constant 144 : index
          %get3A_1681 = tpu.vector_load %arg11[%get3A_1679, %get3A_1680] {strides = array<i32>} : memref<16x256xf32, #tpu.memory_space<vmem>>, vector<1x16xf32>,
          %get3A_1682 = vector.shape_cast %get3A_1681 : vector<1x16xf32> to vector<16xf32>
          %mul3A_1683 = vector.broadcast %squeeze3A_388 : f32 to vector<16xf32>
          %mul3A_1684 = arith.mulf %get3A_1682, %mul3A_1683 : vector<16xf32>
          %add3A_1685 = arith.addf %add3A_1677, %mul3A_1684 : vector<16xf32>
          %get3A_1686 = arith.constant 4 : i32
          %get3A_1687 = arith.index_cast %get3A_1686 : i32 to index
          %get3A_1688 = arith.constant 144 : index
          %get3A_1689 = tpu.vector_load %arg11[%get3A_1687, %get3A_1688] {strides = array<i32>} : memref<16x256xf32, #tpu.memory_space<vmem>>, vector<1x16xf32>,
          %get3A_1690 = vector.shape_cast %get3A_1689 : vector<1x16xf32> to vector<16xf32>
          %mul3A_1691 = vector.broadcast %squeeze3A_390 : f32 to vector<16xf32>
          %mul3A_1692 = arith.mulf %get3A_1690, %mul3A_1691 : vector<16xf32>
          %add3A_1693 = arith.addf %add3A_1685, %mul3A_1692 : vector<16xf32>
          %get3A_1694 = arith.constant 5 : i32
          %get3A_1695 = arith.index_cast %get3A_1694 : i32 to index
          %get3A_1696 = arith.constant 144 : index
          %get3A_1697 = tpu.vector_load %arg11[%get3A_1695, %get3A_1696] {strides = array<i32>} : memref<16x256xf32, #tpu.memory_space<vmem>>, vector<1x16xf32>,
          %get3A_1698 = vector.shape_cast %get3A_1697 : vector<1x16xf32> to vector<16xf32>
          %mul3A_1699 = vector.broadcast %squeeze3A_392 : f32 to vector<16xf32>
          %mul3A_1700 = arith.mulf %get3A_1698, %mul3A_1699 : vector<16xf32>
          %add3A_1701 = arith.addf %add3A_1693, %mul3A_1700 : vector<16xf32>
          %get3A_1702 = arith.constant 6 : i32
          %get3A_1703 = arith.index_cast %get3A_1702 : i32 to index
          %get3A_1704 = arith.constant 144 : index
          %get3A_1705 = tpu.vector_load %arg11[%get3A_1703, %get3A_1704] {strides = array<i32>} : memref<16x256xf32, #tpu.memory_space<vmem>>, vector<1x16xf32>,
          %get3A_1706 = vector.shape_cast %get3A_1705 : vector<1x16xf32> to vector<16xf32>
          %mul3A_1707 = vector.broadcast %squeeze3A_394 : f32 to vector<16xf32>
          %mul3A_1708 = arith.mulf %get3A_1706, %mul3A_1707 : vector<16xf32>
          %add3A_1709 = arith.addf %add3A_1701, %mul3A_1708 : vector<16xf32>
          %get3A_1710 = arith.constant 7 : i32
          %get3A_1711 = arith.index_cast %get3A_1710 : i32 to index
          %get3A_1712 = arith.constant 144 : index
          %get3A_1713 = tpu.vector_load %arg11[%get3A_1711, %get3A_1712] {strides = array<i32>} : memref<16x256xf32, #tpu.memory_space<vmem>>, vector<1x16xf32>,
          %get3A_1714 = vector.shape_cast %get3A_1713 : vector<1x16xf32> to vector<16xf32>
          %mul3A_1715 = vector.broadcast %squeeze3A_396 : f32 to vector<16xf32>
          %mul3A_1716 = arith.mulf %get3A_1714, %mul3A_1715 : vector<16xf32>
          %add3A_1717 = arith.addf %add3A_1709, %mul3A_1716 : vector<16xf32>
          %get3A_1718 = arith.constant 8 : i32
          %get3A_1719 = arith.index_cast %get3A_1718 : i32 to index
          %get3A_1720 = arith.constant 144 : index
          %get3A_1721 = tpu.vector_load %arg11[%get3A_1719, %get3A_1720] {strides = array<i32>} : memref<16x256xf32, #tpu.memory_space<vmem>>, vector<1x16xf32>,
          %get3A_1722 = vector.shape_cast %get3A_1721 : vector<1x16xf32> to vector<16xf32>
          %mul3A_1723 = vector.broadcast %squeeze3A_398 : f32 to vector<16xf32>
          %mul3A_1724 = arith.mulf %get3A_1722, %mul3A_1723 : vector<16xf32>
          %add3A_1725 = arith.addf %add3A_1717, %mul3A_1724 : vector<16xf32>
          %get3A_1726 = arith.constant 9 : i32
          %get3A_1727 = arith.index_cast %get3A_1726 : i32 to index
          %get3A_1728 = arith.constant 144 : index
          %get3A_1729 = tpu.vector_load %arg11[%get3A_1727, %get3A_1728] {strides = array<i32>} : memref<16x256xf32, #tpu.memory_space<vmem>>, vector<1x16xf32>,
          %get3A_1730 = vector.shape_cast %get3A_1729 : vector<1x16xf32> to vector<16xf32>
          %mul3A_1731 = vector.broadcast %squeeze3A_400 : f32 to vector<16xf32>
          %mul3A_1732 = arith.mulf %get3A_1730, %mul3A_1731 : vector<16xf32>
          %add3A_1733 = arith.addf %add3A_1725, %mul3A_1732 : vector<16xf32>
          %get3A_1734 = arith.constant 10 : i32
          %get3A_1735 = arith.index_cast %get3A_1734 : i32 to index
          %get3A_1736 = arith.constant 144 : index
          %get3A_1737 = tpu.vector_load %arg11[%get3A_1735, %get3A_1736] {strides = array<i32>} : memref<16x256xf32, #tpu.memory_space<vmem>>, vector<1x16xf32>,
          %get3A_1738 = vector.shape_cast %get3A_1737 : vector<1x16xf32> to vector<16xf32>
          %mul3A_1739 = vector.broadcast %squeeze3A_402 : f32 to vector<16xf32>
          %mul3A_1740 = arith.mulf %get3A_1738, %mul3A_1739 : vector<16xf32>
          %add3A_1741 = arith.addf %add3A_1733, %mul3A_1740 : vector<16xf32>
          %get3A_1742 = arith.constant 11 : i32
          %get3A_1743 = arith.index_cast %get3A_1742 : i32 to index
          %get3A_1744 = arith.constant 144 : index
          %get3A_1745 = tpu.vector_load %arg11[%get3A_1743, %get3A_1744] {strides = array<i32>} : memref<16x256xf32, #tpu.memory_space<vmem>>, vector<1x16xf32>,
          %get3A_1746 = vector.shape_cast %get3A_1745 : vector<1x16xf32> to vector<16xf32>
          %mul3A_1747 = vector.broadcast %squeeze3A_404 : f32 to vector<16xf32>
          %mul3A_1748 = arith.mulf %get3A_1746, %mul3A_1747 : vector<16xf32>
          %add3A_1749 = arith.addf %add3A_1741, %mul3A_1748 : vector<16xf32>
          %get3A_1750 = arith.constant 12 : i32
          %get3A_1751 = arith.index_cast %get3A_1750 : i32 to index
          %get3A_1752 = arith.constant 144 : index
          %get3A_1753 = tpu.vector_load %arg11[%get3A_1751, %get3A_1752] {strides = array<i32>} : memref<16x256xf32, #tpu.memory_space<vmem>>, vector<1x16xf32>,
          %get3A_1754 = vector.shape_cast %get3A_1753 : vector<1x16xf32> to vector<16xf32>
          %mul3A_1755 = vector.broadcast %squeeze3A_406 : f32 to vector<16xf32>
          %mul3A_1756 = arith.mulf %get3A_1754, %mul3A_1755 : vector<16xf32>
          %add3A_1757 = arith.addf %add3A_1749, %mul3A_1756 : vector<16xf32>
          %get3A_1758 = arith.constant 13 : i32
          %get3A_1759 = arith.index_cast %get3A_1758 : i32 to index
          %get3A_1760 = arith.constant 144 : index
          %get3A_1761 = tpu.vector_load %arg11[%get3A_1759, %get3A_1760] {strides = array<i32>} : memref<16x256xf32, #tpu.memory_space<vmem>>, vector<1x16xf32>,
          %get3A_1762 = vector.shape_cast %get3A_1761 : vector<1x16xf32> to vector<16xf32>
          %mul3A_1763 = vector.broadcast %squeeze3A_408 : f32 to vector<16xf32>
          %mul3A_1764 = arith.mulf %get3A_1762, %mul3A_1763 : vector<16xf32>
          %add3A_1765 = arith.addf %add3A_1757, %mul3A_1764 : vector<16xf32>
          %get3A_1766 = arith.constant 14 : i32
          %get3A_1767 = arith.index_cast %get3A_1766 : i32 to index
          %get3A_1768 = arith.constant 144 : index
          %get3A_1769 = tpu.vector_load %arg11[%get3A_1767, %get3A_1768] {strides = array<i32>} : memref<16x256xf32, #tpu.memory_space<vmem>>, vector<1x16xf32>,
          %get3A_1770 = vector.shape_cast %get3A_1769 : vector<1x16xf32> to vector<16xf32>
          %mul3A_1771 = vector.broadcast %squeeze3A_410 : f32 to vector<16xf32>
          %mul3A_1772 = arith.mulf %get3A_1770, %mul3A_1771 : vector<16xf32>
          %add3A_1773 = arith.addf %add3A_1765, %mul3A_1772 : vector<16xf32>
          %get3A_1774 = arith.constant 15 : i32
          %get3A_1775 = arith.index_cast %get3A_1774 : i32 to index
          %get3A_1776 = arith.constant 144 : index
          %get3A_1777 = tpu.vector_load %arg11[%get3A_1775, %get3A_1776] {strides = array<i32>} : memref<16x256xf32, #tpu.memory_space<vmem>>, vector<1x16xf32>,
          %get3A_1778 = vector.shape_cast %get3A_1777 : vector<1x16xf32> to vector<16xf32>
          %mul3A_1779 = vector.broadcast %squeeze3A_412 : f32 to vector<16xf32>
          %mul3A_1780 = arith.mulf %get3A_1778, %mul3A_1779 : vector<16xf32>
          %add3A_1781 = arith.addf %add3A_1773, %mul3A_1780 : vector<16xf32>
          %swap3A_1782 = arith.constant 144 : index
          %swap3A_1783 = tpu.vector_load %arg12[%swap3A_1782] {strides = array<i32>} : memref<272xf32, #tpu.memory_space<vmem>>, vector<16xf32>,
          %swap3A_1784 = vector.shape_cast %swap3A_1783 : vector<16xf32> to vector<16xf32>
          %swap3A_1785 = vector.shape_cast %add3A_1781 : vector<16xf32> to vector<16xf32>
          tpu.vector_store %arg12[%swap3A_1782], %swap3A_1785 {strides = array<i32>} : memref<272xf32, #tpu.memory_space<vmem>>, vector<16xf32>,
          %get3A_1786 = arith.constant 160 : index
          %get3A_1787 = tpu.vector_load %arg12[%get3A_1786] {strides = array<i32>} : memref<272xf32, #tpu.memory_space<vmem>>, vector<16xf32>,
          %get3A_1788 = vector.shape_cast %get3A_1787 : vector<16xf32> to vector<16xf32>
          %get3A_1789 = arith.constant 0 : i32
          %get3A_1790 = arith.index_cast %get3A_1789 : i32 to index
          %get3A_1791 = arith.constant 160 : index
          %get3A_1792 = tpu.vector_load %arg11[%get3A_1790, %get3A_1791] {strides = array<i32>} : memref<16x256xf32, #tpu.memory_space<vmem>>, vector<1x16xf32>,
          %get3A_1793 = vector.shape_cast %get3A_1792 : vector<1x16xf32> to vector<16xf32>
          %mul3A_1794 = vector.broadcast %squeeze3A_382 : f32 to vector<16xf32>
          %mul3A_1795 = arith.mulf %get3A_1793, %mul3A_1794 : vector<16xf32>
          %add3A_1796 = arith.addf %get3A_1788, %mul3A_1795 : vector<16xf32>
          %get3A_1797 = arith.constant 1 : i32
          %get3A_1798 = arith.index_cast %get3A_1797 : i32 to index
          %get3A_1799 = arith.constant 160 : index
          %get3A_1800 = tpu.vector_load %arg11[%get3A_1798, %get3A_1799] {strides = array<i32>} : memref<16x256xf32, #tpu.memory_space<vmem>>, vector<1x16xf32>,
          %get3A_1801 = vector.shape_cast %get3A_1800 : vector<1x16xf32> to vector<16xf32>
          %mul3A_1802 = vector.broadcast %squeeze3A_384 : f32 to vector<16xf32>
          %mul3A_1803 = arith.mulf %get3A_1801, %mul3A_1802 : vector<16xf32>
          %add3A_1804 = arith.addf %add3A_1796, %mul3A_1803 : vector<16xf32>
          %get3A_1805 = arith.constant 2 : i32
          %get3A_1806 = arith.index_cast %get3A_1805 : i32 to index
          %get3A_1807 = arith.constant 160 : index
          %get3A_1808 = tpu.vector_load %arg11[%get3A_1806, %get3A_1807] {strides = array<i32>} : memref<16x256xf32, #tpu.memory_space<vmem>>, vector<1x16xf32>,
          %get3A_1809 = vector.shape_cast %get3A_1808 : vector<1x16xf32> to vector<16xf32>
          %mul3A_1810 = vector.broadcast %squeeze3A_386 : f32 to vector<16xf32>
          %mul3A_1811 = arith.mulf %get3A_1809, %mul3A_1810 : vector<16xf32>
          %add3A_1812 = arith.addf %add3A_1804, %mul3A_1811 : vector<16xf32>
          %get3A_1813 = arith.constant 3 : i32
          %get3A_1814 = arith.index_cast %get3A_1813 : i32 to index
          %get3A_1815 = arith.constant 160 : index
          %get3A_1816 = tpu.vector_load %arg11[%get3A_1814, %get3A_1815] {strides = array<i32>} : memref<16x256xf32, #tpu.memory_space<vmem>>, vector<1x16xf32>,
          %get3A_1817 = vector.shape_cast %get3A_1816 : vector<1x16xf32> to vector<16xf32>
          %mul3A_1818 = vector.broadcast %squeeze3A_388 : f32 to vector<16xf32>
          %mul3A_1819 = arith.mulf %get3A_1817, %mul3A_1818 : vector<16xf32>
          %add3A_1820 = arith.addf %add3A_1812, %mul3A_1819 : vector<16xf32>
          %get3A_1821 = arith.constant 4 : i32
          %get3A_1822 = arith.index_cast %get3A_1821 : i32 to index
          %get3A_1823 = arith.constant 160 : index
          %get3A_1824 = tpu.vector_load %arg11[%get3A_1822, %get3A_1823] {strides = array<i32>} : memref<16x256xf32, #tpu.memory_space<vmem>>, vector<1x16xf32>,
          %get3A_1825 = vector.shape_cast %get3A_1824 : vector<1x16xf32> to vector<16xf32>
          %mul3A_1826 = vector.broadcast %squeeze3A_390 : f32 to vector<16xf32>
          %mul3A_1827 = arith.mulf %get3A_1825, %mul3A_1826 : vector<16xf32>
          %add3A_1828 = arith.addf %add3A_1820, %mul3A_1827 : vector<16xf32>
          %get3A_1829 = arith.constant 5 : i32
          %get3A_1830 = arith.index_cast %get3A_1829 : i32 to index
          %get3A_1831 = arith.constant 160 : index
          %get3A_1832 = tpu.vector_load %arg11[%get3A_1830, %get3A_1831] {strides = array<i32>} : memref<16x256xf32, #tpu.memory_space<vmem>>, vector<1x16xf32>,
          %get3A_1833 = vector.shape_cast %get3A_1832 : vector<1x16xf32> to vector<16xf32>
          %mul3A_1834 = vector.broadcast %squeeze3A_392 : f32 to vector<16xf32>
          %mul3A_1835 = arith.mulf %get3A_1833, %mul3A_1834 : vector<16xf32>
          %add3A_1836 = arith.addf %add3A_1828, %mul3A_1835 : vector<16xf32>
          %get3A_1837 = arith.constant 6 : i32
          %get3A_1838 = arith.index_cast %get3A_1837 : i32 to index
          %get3A_1839 = arith.constant 160 : index
          %get3A_1840 = tpu.vector_load %arg11[%get3A_1838, %get3A_1839] {strides = array<i32>} : memref<16x256xf32, #tpu.memory_space<vmem>>, vector<1x16xf32>,
          %get3A_1841 = vector.shape_cast %get3A_1840 : vector<1x16xf32> to vector<16xf32>
          %mul3A_1842 = vector.broadcast %squeeze3A_394 : f32 to vector<16xf32>
          %mul3A_1843 = arith.mulf %get3A_1841, %mul3A_1842 : vector<16xf32>
          %add3A_1844 = arith.addf %add3A_1836, %mul3A_1843 : vector<16xf32>
          %get3A_1845 = arith.constant 7 : i32
          %get3A_1846 = arith.index_cast %get3A_1845 : i32 to index
          %get3A_1847 = arith.constant 160 : index
          %get3A_1848 = tpu.vector_load %arg11[%get3A_1846, %get3A_1847] {strides = array<i32>} : memref<16x256xf32, #tpu.memory_space<vmem>>, vector<1x16xf32>,
          %get3A_1849 = vector.shape_cast %get3A_1848 : vector<1x16xf32> to vector<16xf32>
          %mul3A_1850 = vector.broadcast %squeeze3A_396 : f32 to vector<16xf32>
          %mul3A_1851 = arith.mulf %get3A_1849, %mul3A_1850 : vector<16xf32>
          %add3A_1852 = arith.addf %add3A_1844, %mul3A_1851 : vector<16xf32>
          %get3A_1853 = arith.constant 8 : i32
          %get3A_1854 = arith.index_cast %get3A_1853 : i32 to index
          %get3A_1855 = arith.constant 160 : index
          %get3A_1856 = tpu.vector_load %arg11[%get3A_1854, %get3A_1855] {strides = array<i32>} : memref<16x256xf32, #tpu.memory_space<vmem>>, vector<1x16xf32>,
          %get3A_1857 = vector.shape_cast %get3A_1856 : vector<1x16xf32> to vector<16xf32>
          %mul3A_1858 = vector.broadcast %squeeze3A_398 : f32 to vector<16xf32>
          %mul3A_1859 = arith.mulf %get3A_1857, %mul3A_1858 : vector<16xf32>
          %add3A_1860 = arith.addf %add3A_1852, %mul3A_1859 : vector<16xf32>
          %get3A_1861 = arith.constant 9 : i32
          %get3A_1862 = arith.index_cast %get3A_1861 : i32 to index
          %get3A_1863 = arith.constant 160 : index
          %get3A_1864 = tpu.vector_load %arg11[%get3A_1862, %get3A_1863] {strides = array<i32>} : memref<16x256xf32, #tpu.memory_space<vmem>>, vector<1x16xf32>,
          %get3A_1865 = vector.shape_cast %get3A_1864 : vector<1x16xf32> to vector<16xf32>
          %mul3A_1866 = vector.broadcast %squeeze3A_400 : f32 to vector<16xf32>
          %mul3A_1867 = arith.mulf %get3A_1865, %mul3A_1866 : vector<16xf32>
          %add3A_1868 = arith.addf %add3A_1860, %mul3A_1867 : vector<16xf32>
          %get3A_1869 = arith.constant 10 : i32
          %get3A_1870 = arith.index_cast %get3A_1869 : i32 to index
          %get3A_1871 = arith.constant 160 : index
          %get3A_1872 = tpu.vector_load %arg11[%get3A_1870, %get3A_1871] {strides = array<i32>} : memref<16x256xf32, #tpu.memory_space<vmem>>, vector<1x16xf32>,
          %get3A_1873 = vector.shape_cast %get3A_1872 : vector<1x16xf32> to vector<16xf32>
          %mul3A_1874 = vector.broadcast %squeeze3A_402 : f32 to vector<16xf32>
          %mul3A_1875 = arith.mulf %get3A_1873, %mul3A_1874 : vector<16xf32>
          %add3A_1876 = arith.addf %add3A_1868, %mul3A_1875 : vector<16xf32>
          %get3A_1877 = arith.constant 11 : i32
          %get3A_1878 = arith.index_cast %get3A_1877 : i32 to index
          %get3A_1879 = arith.constant 160 : index
          %get3A_1880 = tpu.vector_load %arg11[%get3A_1878, %get3A_1879] {strides = array<i32>} : memref<16x256xf32, #tpu.memory_space<vmem>>, vector<1x16xf32>,
          %get3A_1881 = vector.shape_cast %get3A_1880 : vector<1x16xf32> to vector<16xf32>
          %mul3A_1882 = vector.broadcast %squeeze3A_404 : f32 to vector<16xf32>
          %mul3A_1883 = arith.mulf %get3A_1881, %mul3A_1882 : vector<16xf32>
          %add3A_1884 = arith.addf %add3A_1876, %mul3A_1883 : vector<16xf32>
          %get3A_1885 = arith.constant 12 : i32
          %get3A_1886 = arith.index_cast %get3A_1885 : i32 to index
          %get3A_1887 = arith.constant 160 : index
          %get3A_1888 = tpu.vector_load %arg11[%get3A_1886, %get3A_1887] {strides = array<i32>} : memref<16x256xf32, #tpu.memory_space<vmem>>, vector<1x16xf32>,
          %get3A_1889 = vector.shape_cast %get3A_1888 : vector<1x16xf32> to vector<16xf32>
          %mul3A_1890 = vector.broadcast %squeeze3A_406 : f32 to vector<16xf32>
          %mul3A_1891 = arith.mulf %get3A_1889, %mul3A_1890 : vector<16xf32>
          %add3A_1892 = arith.addf %add3A_1884, %mul3A_1891 : vector<16xf32>
          %get3A_1893 = arith.constant 13 : i32
          %get3A_1894 = arith.index_cast %get3A_1893 : i32 to index
          %get3A_1895 = arith.constant 160 : index
          %get3A_1896 = tpu.vector_load %arg11[%get3A_1894, %get3A_1895] {strides = array<i32>} : memref<16x256xf32, #tpu.memory_space<vmem>>, vector<1x16xf32>,
          %get3A_1897 = vector.shape_cast %get3A_1896 : vector<1x16xf32> to vector<16xf32>
          %mul3A_1898 = vector.broadcast %squeeze3A_408 : f32 to vector<16xf32>
          %mul3A_1899 = arith.mulf %get3A_1897, %mul3A_1898 : vector<16xf32>
          %add3A_1900 = arith.addf %add3A_1892, %mul3A_1899 : vector<16xf32>
          %get3A_1901 = arith.constant 14 : i32
          %get3A_1902 = arith.index_cast %get3A_1901 : i32 to index
          %get3A_1903 = arith.constant 160 : index
          %get3A_1904 = tpu.vector_load %arg11[%get3A_1902, %get3A_1903] {strides = array<i32>} : memref<16x256xf32, #tpu.memory_space<vmem>>, vector<1x16xf32>,
          %get3A_1905 = vector.shape_cast %get3A_1904 : vector<1x16xf32> to vector<16xf32>
          %mul3A_1906 = vector.broadcast %squeeze3A_410 : f32 to vector<16xf32>
          %mul3A_1907 = arith.mulf %get3A_1905, %mul3A_1906 : vector<16xf32>
          %add3A_1908 = arith.addf %add3A_1900, %mul3A_1907 : vector<16xf32>
          %get3A_1909 = arith.constant 15 : i32
          %get3A_1910 = arith.index_cast %get3A_1909 : i32 to index
          %get3A_1911 = arith.constant 160 : index
          %get3A_1912 = tpu.vector_load %arg11[%get3A_1910, %get3A_1911] {strides = array<i32>} : memref<16x256xf32, #tpu.memory_space<vmem>>, vector<1x16xf32>,
          %get3A_1913 = vector.shape_cast %get3A_1912 : vector<1x16xf32> to vector<16xf32>
          %mul3A_1914 = vector.broadcast %squeeze3A_412 : f32 to vector<16xf32>
          %mul3A_1915 = arith.mulf %get3A_1913, %mul3A_1914 : vector<16xf32>
          %add3A_1916 = arith.addf %add3A_1908, %mul3A_1915 : vector<16xf32>
          %swap3A_1917 = arith.constant 160 : index
          %swap3A_1918 = tpu.vector_load %arg12[%swap3A_1917] {strides = array<i32>} : memref<272xf32, #tpu.memory_space<vmem>>, vector<16xf32>,
          %swap3A_1919 = vector.shape_cast %swap3A_1918 : vector<16xf32> to vector<16xf32>
          %swap3A_1920 = vector.shape_cast %add3A_1916 : vector<16xf32> to vector<16xf32>
          tpu.vector_store %arg12[%swap3A_1917], %swap3A_1920 {strides = array<i32>} : memref<272xf32, #tpu.memory_space<vmem>>, vector<16xf32>,
          %get3A_1921 = arith.constant 176 : index
          %get3A_1922 = tpu.vector_load %arg12[%get3A_1921] {strides = array<i32>} : memref<272xf32, #tpu.memory_space<vmem>>, vector<16xf32>,
          %get3A_1923 = vector.shape_cast %get3A_1922 : vector<16xf32> to vector<16xf32>
          %get3A_1924 = arith.constant 0 : i32
          %get3A_1925 = arith.index_cast %get3A_1924 : i32 to index
          %get3A_1926 = arith.constant 176 : index
          %get3A_1927 = tpu.vector_load %arg11[%get3A_1925, %get3A_1926] {strides = array<i32>} : memref<16x256xf32, #tpu.memory_space<vmem>>, vector<1x16xf32>,
          %get3A_1928 = vector.shape_cast %get3A_1927 : vector<1x16xf32> to vector<16xf32>
          %mul3A_1929 = vector.broadcast %squeeze3A_382 : f32 to vector<16xf32>
          %mul3A_1930 = arith.mulf %get3A_1928, %mul3A_1929 : vector<16xf32>
          %add3A_1931 = arith.addf %get3A_1923, %mul3A_1930 : vector<16xf32>
          %get3A_1932 = arith.constant 1 : i32
          %get3A_1933 = arith.index_cast %get3A_1932 : i32 to index
          %get3A_1934 = arith.constant 176 : index
          %get3A_1935 = tpu.vector_load %arg11[%get3A_1933, %get3A_1934] {strides = array<i32>} : memref<16x256xf32, #tpu.memory_space<vmem>>, vector<1x16xf32>,
          %get3A_1936 = vector.shape_cast %get3A_1935 : vector<1x16xf32> to vector<16xf32>
          %mul3A_1937 = vector.broadcast %squeeze3A_384 : f32 to vector<16xf32>
          %mul3A_1938 = arith.mulf %get3A_1936, %mul3A_1937 : vector<16xf32>
          %add3A_1939 = arith.addf %add3A_1931, %mul3A_1938 : vector<16xf32>
          %get3A_1940 = arith.constant 2 : i32
          %get3A_1941 = arith.index_cast %get3A_1940 : i32 to index
          %get3A_1942 = arith.constant 176 : index
          %get3A_1943 = tpu.vector_load %arg11[%get3A_1941, %get3A_1942] {strides = array<i32>} : memref<16x256xf32, #tpu.memory_space<vmem>>, vector<1x16xf32>,
          %get3A_1944 = vector.shape_cast %get3A_1943 : vector<1x16xf32> to vector<16xf32>
          %mul3A_1945 = vector.broadcast %squeeze3A_386 : f32 to vector<16xf32>
          %mul3A_1946 = arith.mulf %get3A_1944, %mul3A_1945 : vector<16xf32>
          %add3A_1947 = arith.addf %add3A_1939, %mul3A_1946 : vector<16xf32>
          %get3A_1948 = arith.constant 3 : i32
          %get3A_1949 = arith.index_cast %get3A_1948 : i32 to index
          %get3A_1950 = arith.constant 176 : index
          %get3A_1951 = tpu.vector_load %arg11[%get3A_1949, %get3A_1950] {strides = array<i32>} : memref<16x256xf32, #tpu.memory_space<vmem>>, vector<1x16xf32>,
          %get3A_1952 = vector.shape_cast %get3A_1951 : vector<1x16xf32> to vector<16xf32>
          %mul3A_1953 = vector.broadcast %squeeze3A_388 : f32 to vector<16xf32>
          %mul3A_1954 = arith.mulf %get3A_1952, %mul3A_1953 : vector<16xf32>
          %add3A_1955 = arith.addf %add3A_1947, %mul3A_1954 : vector<16xf32>
          %get3A_1956 = arith.constant 4 : i32
          %get3A_1957 = arith.index_cast %get3A_1956 : i32 to index
          %get3A_1958 = arith.constant 176 : index
          %get3A_1959 = tpu.vector_load %arg11[%get3A_1957, %get3A_1958] {strides = array<i32>} : memref<16x256xf32, #tpu.memory_space<vmem>>, vector<1x16xf32>,
          %get3A_1960 = vector.shape_cast %get3A_1959 : vector<1x16xf32> to vector<16xf32>
          %mul3A_1961 = vector.broadcast %squeeze3A_390 : f32 to vector<16xf32>
          %mul3A_1962 = arith.mulf %get3A_1960, %mul3A_1961 : vector<16xf32>
          %add3A_1963 = arith.addf %add3A_1955, %mul3A_1962 : vector<16xf32>
          %get3A_1964 = arith.constant 5 : i32
          %get3A_1965 = arith.index_cast %get3A_1964 : i32 to index
          %get3A_1966 = arith.constant 176 : index
          %get3A_1967 = tpu.vector_load %arg11[%get3A_1965, %get3A_1966] {strides = array<i32>} : memref<16x256xf32, #tpu.memory_space<vmem>>, vector<1x16xf32>,
          %get3A_1968 = vector.shape_cast %get3A_1967 : vector<1x16xf32> to vector<16xf32>
          %mul3A_1969 = vector.broadcast %squeeze3A_392 : f32 to vector<16xf32>
          %mul3A_1970 = arith.mulf %get3A_1968, %mul3A_1969 : vector<16xf32>
          %add3A_1971 = arith.addf %add3A_1963, %mul3A_1970 : vector<16xf32>
          %get3A_1972 = arith.constant 6 : i32
          %get3A_1973 = arith.index_cast %get3A_1972 : i32 to index
          %get3A_1974 = arith.constant 176 : index
          %get3A_1975 = tpu.vector_load %arg11[%get3A_1973, %get3A_1974] {strides = array<i32>} : memref<16x256xf32, #tpu.memory_space<vmem>>, vector<1x16xf32>,
          %get3A_1976 = vector.shape_cast %get3A_1975 : vector<1x16xf32> to vector<16xf32>
          %mul3A_1977 = vector.broadcast %squeeze3A_394 : f32 to vector<16xf32>
          %mul3A_1978 = arith.mulf %get3A_1976, %mul3A_1977 : vector<16xf32>
          %add3A_1979 = arith.addf %add3A_1971, %mul3A_1978 : vector<16xf32>
          %get3A_1980 = arith.constant 7 : i32
          %get3A_1981 = arith.index_cast %get3A_1980 : i32 to index
          %get3A_1982 = arith.constant 176 : index
          %get3A_1983 = tpu.vector_load %arg11[%get3A_1981, %get3A_1982] {strides = array<i32>} : memref<16x256xf32, #tpu.memory_space<vmem>>, vector<1x16xf32>,
          %get3A_1984 = vector.shape_cast %get3A_1983 : vector<1x16xf32> to vector<16xf32>
          %mul3A_1985 = vector.broadcast %squeeze3A_396 : f32 to vector<16xf32>
          %mul3A_1986 = arith.mulf %get3A_1984, %mul3A_1985 : vector<16xf32>
          %add3A_1987 = arith.addf %add3A_1979, %mul3A_1986 : vector<16xf32>
          %get3A_1988 = arith.constant 8 : i32
          %get3A_1989 = arith.index_cast %get3A_1988 : i32 to index
          %get3A_1990 = arith.constant 176 : index
          %get3A_1991 = tpu.vector_load %arg11[%get3A_1989, %get3A_1990] {strides = array<i32>} : memref<16x256xf32, #tpu.memory_space<vmem>>, vector<1x16xf32>,
          %get3A_1992 = vector.shape_cast %get3A_1991 : vector<1x16xf32> to vector<16xf32>
          %mul3A_1993 = vector.broadcast %squeeze3A_398 : f32 to vector<16xf32>
          %mul3A_1994 = arith.mulf %get3A_1992, %mul3A_1993 : vector<16xf32>
          %add3A_1995 = arith.addf %add3A_1987, %mul3A_1994 : vector<16xf32>
          %get3A_1996 = arith.constant 9 : i32
          %get3A_1997 = arith.index_cast %get3A_1996 : i32 to index
          %get3A_1998 = arith.constant 176 : index
          %get3A_1999 = tpu.vector_load %arg11[%get3A_1997, %get3A_1998] {strides = array<i32>} : memref<16x256xf32, #tpu.memory_space<vmem>>, vector<1x16xf32>,
          %get3A_2000 = vector.shape_cast %get3A_1999 : vector<1x16xf32> to vector<16xf32>
          %mul3A_2001 = vector.broadcast %squeeze3A_400 : f32 to vector<16xf32>
          %mul3A_2002 = arith.mulf %get3A_2000, %mul3A_2001 : vector<16xf32>
          %add3A_2003 = arith.addf %add3A_1995, %mul3A_2002 : vector<16xf32>
          %get3A_2004 = arith.constant 10 : i32
          %get3A_2005 = arith.index_cast %get3A_2004 : i32 to index
          %get3A_2006 = arith.constant 176 : index
          %get3A_2007 = tpu.vector_load %arg11[%get3A_2005, %get3A_2006] {strides = array<i32>} : memref<16x256xf32, #tpu.memory_space<vmem>>, vector<1x16xf32>,
          %get3A_2008 = vector.shape_cast %get3A_2007 : vector<1x16xf32> to vector<16xf32>
          %mul3A_2009 = vector.broadcast %squeeze3A_402 : f32 to vector<16xf32>
          %mul3A_2010 = arith.mulf %get3A_2008, %mul3A_2009 : vector<16xf32>
          %add3A_2011 = arith.addf %add3A_2003, %mul3A_2010 : vector<16xf32>
          %get3A_2012 = arith.constant 11 : i32
          %get3A_2013 = arith.index_cast %get3A_2012 : i32 to index
          %get3A_2014 = arith.constant 176 : index
          %get3A_2015 = tpu.vector_load %arg11[%get3A_2013, %get3A_2014] {strides = array<i32>} : memref<16x256xf32, #tpu.memory_space<vmem>>, vector<1x16xf32>,
          %get3A_2016 = vector.shape_cast %get3A_2015 : vector<1x16xf32> to vector<16xf32>
          %mul3A_2017 = vector.broadcast %squeeze3A_404 : f32 to vector<16xf32>
          %mul3A_2018 = arith.mulf %get3A_2016, %mul3A_2017 : vector<16xf32>
          %add3A_2019 = arith.addf %add3A_2011, %mul3A_2018 : vector<16xf32>
          %get3A_2020 = arith.constant 12 : i32
          %get3A_2021 = arith.index_cast %get3A_2020 : i32 to index
          %get3A_2022 = arith.constant 176 : index
          %get3A_2023 = tpu.vector_load %arg11[%get3A_2021, %get3A_2022] {strides = array<i32>} : memref<16x256xf32, #tpu.memory_space<vmem>>, vector<1x16xf32>,
          %get3A_2024 = vector.shape_cast %get3A_2023 : vector<1x16xf32> to vector<16xf32>
          %mul3A_2025 = vector.broadcast %squeeze3A_406 : f32 to vector<16xf32>
          %mul3A_2026 = arith.mulf %get3A_2024, %mul3A_2025 : vector<16xf32>
          %add3A_2027 = arith.addf %add3A_2019, %mul3A_2026 : vector<16xf32>
          %get3A_2028 = arith.constant 13 : i32
          %get3A_2029 = arith.index_cast %get3A_2028 : i32 to index
          %get3A_2030 = arith.constant 176 : index
          %get3A_2031 = tpu.vector_load %arg11[%get3A_2029, %get3A_2030] {strides = array<i32>} : memref<16x256xf32, #tpu.memory_space<vmem>>, vector<1x16xf32>,
          %get3A_2032 = vector.shape_cast %get3A_2031 : vector<1x16xf32> to vector<16xf32>
          %mul3A_2033 = vector.broadcast %squeeze3A_408 : f32 to vector<16xf32>
          %mul3A_2034 = arith.mulf %get3A_2032, %mul3A_2033 : vector<16xf32>
          %add3A_2035 = arith.addf %add3A_2027, %mul3A_2034 : vector<16xf32>
          %get3A_2036 = arith.constant 14 : i32
          %get3A_2037 = arith.index_cast %get3A_2036 : i32 to index
          %get3A_2038 = arith.constant 176 : index
          %get3A_2039 = tpu.vector_load %arg11[%get3A_2037, %get3A_2038] {strides = array<i32>} : memref<16x256xf32, #tpu.memory_space<vmem>>, vector<1x16xf32>,
          %get3A_2040 = vector.shape_cast %get3A_2039 : vector<1x16xf32> to vector<16xf32>
          %mul3A_2041 = vector.broadcast %squeeze3A_410 : f32 to vector<16xf32>
          %mul3A_2042 = arith.mulf %get3A_2040, %mul3A_2041 : vector<16xf32>
          %add3A_2043 = arith.addf %add3A_2035, %mul3A_2042 : vector<16xf32>
          %get3A_2044 = arith.constant 15 : i32
          %get3A_2045 = arith.index_cast %get3A_2044 : i32 to index
          %get3A_2046 = arith.constant 176 : index
          %get3A_2047 = tpu.vector_load %arg11[%get3A_2045, %get3A_2046] {strides = array<i32>} : memref<16x256xf32, #tpu.memory_space<vmem>>, vector<1x16xf32>,
          %get3A_2048 = vector.shape_cast %get3A_2047 : vector<1x16xf32> to vector<16xf32>
          %mul3A_2049 = vector.broadcast %squeeze3A_412 : f32 to vector<16xf32>
          %mul3A_2050 = arith.mulf %get3A_2048, %mul3A_2049 : vector<16xf32>
          %add3A_2051 = arith.addf %add3A_2043, %mul3A_2050 : vector<16xf32>
          %swap3A_2052 = arith.constant 176 : index
          %swap3A_2053 = tpu.vector_load %arg12[%swap3A_2052] {strides = array<i32>} : memref<272xf32, #tpu.memory_space<vmem>>, vector<16xf32>,
          %swap3A_2054 = vector.shape_cast %swap3A_2053 : vector<16xf32> to vector<16xf32>
          %swap3A_2055 = vector.shape_cast %add3A_2051 : vector<16xf32> to vector<16xf32>
          tpu.vector_store %arg12[%swap3A_2052], %swap3A_2055 {strides = array<i32>} : memref<272xf32, #tpu.memory_space<vmem>>, vector<16xf32>,
          %get3A_2056 = arith.constant 192 : index
          %get3A_2057 = tpu.vector_load %arg12[%get3A_2056] {strides = array<i32>} : memref<272xf32, #tpu.memory_space<vmem>>, vector<16xf32>,
          %get3A_2058 = vector.shape_cast %get3A_2057 : vector<16xf32> to vector<16xf32>
          %get3A_2059 = arith.constant 0 : i32
          %get3A_2060 = arith.index_cast %get3A_2059 : i32 to index
          %get3A_2061 = arith.constant 192 : index
          %get3A_2062 = tpu.vector_load %arg11[%get3A_2060, %get3A_2061] {strides = array<i32>} : memref<16x256xf32, #tpu.memory_space<vmem>>, vector<1x16xf32>,
          %get3A_2063 = vector.shape_cast %get3A_2062 : vector<1x16xf32> to vector<16xf32>
          %mul3A_2064 = vector.broadcast %squeeze3A_382 : f32 to vector<16xf32>
          %mul3A_2065 = arith.mulf %get3A_2063, %mul3A_2064 : vector<16xf32>
          %add3A_2066 = arith.addf %get3A_2058, %mul3A_2065 : vector<16xf32>
          %get3A_2067 = arith.constant 1 : i32
          %get3A_2068 = arith.index_cast %get3A_2067 : i32 to index
          %get3A_2069 = arith.constant 192 : index
          %get3A_2070 = tpu.vector_load %arg11[%get3A_2068, %get3A_2069] {strides = array<i32>} : memref<16x256xf32, #tpu.memory_space<vmem>>, vector<1x16xf32>,
          %get3A_2071 = vector.shape_cast %get3A_2070 : vector<1x16xf32> to vector<16xf32>
          %mul3A_2072 = vector.broadcast %squeeze3A_384 : f32 to vector<16xf32>
          %mul3A_2073 = arith.mulf %get3A_2071, %mul3A_2072 : vector<16xf32>
          %add3A_2074 = arith.addf %add3A_2066, %mul3A_2073 : vector<16xf32>
          %get3A_2075 = arith.constant 2 : i32
          %get3A_2076 = arith.index_cast %get3A_2075 : i32 to index
          %get3A_2077 = arith.constant 192 : index
          %get3A_2078 = tpu.vector_load %arg11[%get3A_2076, %get3A_2077] {strides = array<i32>} : memref<16x256xf32, #tpu.memory_space<vmem>>, vector<1x16xf32>,
          %get3A_2079 = vector.shape_cast %get3A_2078 : vector<1x16xf32> to vector<16xf32>
          %mul3A_2080 = vector.broadcast %squeeze3A_386 : f32 to vector<16xf32>
          %mul3A_2081 = arith.mulf %get3A_2079, %mul3A_2080 : vector<16xf32>
          %add3A_2082 = arith.addf %add3A_2074, %mul3A_2081 : vector<16xf32>
          %get3A_2083 = arith.constant 3 : i32
          %get3A_2084 = arith.index_cast %get3A_2083 : i32 to index
          %get3A_2085 = arith.constant 192 : index
          %get3A_2086 = tpu.vector_load %arg11[%get3A_2084, %get3A_2085] {strides = array<i32>} : memref<16x256xf32, #tpu.memory_space<vmem>>, vector<1x16xf32>,
          %get3A_2087 = vector.shape_cast %get3A_2086 : vector<1x16xf32> to vector<16xf32>
          %mul3A_2088 = vector.broadcast %squeeze3A_388 : f32 to vector<16xf32>
          %mul3A_2089 = arith.mulf %get3A_2087, %mul3A_2088 : vector<16xf32>
          %add3A_2090 = arith.addf %add3A_2082, %mul3A_2089 : vector<16xf32>
          %get3A_2091 = arith.constant 4 : i32
          %get3A_2092 = arith.index_cast %get3A_2091 : i32 to index
          %get3A_2093 = arith.constant 192 : index
          %get3A_2094 = tpu.vector_load %arg11[%get3A_2092, %get3A_2093] {strides = array<i32>} : memref<16x256xf32, #tpu.memory_space<vmem>>, vector<1x16xf32>,
          %get3A_2095 = vector.shape_cast %get3A_2094 : vector<1x16xf32> to vector<16xf32>
          %mul3A_2096 = vector.broadcast %squeeze3A_390 : f32 to vector<16xf32>
          %mul3A_2097 = arith.mulf %get3A_2095, %mul3A_2096 : vector<16xf32>
          %add3A_2098 = arith.addf %add3A_2090, %mul3A_2097 : vector<16xf32>
          %get3A_2099 = arith.constant 5 : i32
          %get3A_2100 = arith.index_cast %get3A_2099 : i32 to index
          %get3A_2101 = arith.constant 192 : index
          %get3A_2102 = tpu.vector_load %arg11[%get3A_2100, %get3A_2101] {strides = array<i32>} : memref<16x256xf32, #tpu.memory_space<vmem>>, vector<1x16xf32>,
          %get3A_2103 = vector.shape_cast %get3A_2102 : vector<1x16xf32> to vector<16xf32>
          %mul3A_2104 = vector.broadcast %squeeze3A_392 : f32 to vector<16xf32>
          %mul3A_2105 = arith.mulf %get3A_2103, %mul3A_2104 : vector<16xf32>
          %add3A_2106 = arith.addf %add3A_2098, %mul3A_2105 : vector<16xf32>
          %get3A_2107 = arith.constant 6 : i32
          %get3A_2108 = arith.index_cast %get3A_2107 : i32 to index
          %get3A_2109 = arith.constant 192 : index
          %get3A_2110 = tpu.vector_load %arg11[%get3A_2108, %get3A_2109] {strides = array<i32>} : memref<16x256xf32, #tpu.memory_space<vmem>>, vector<1x16xf32>,
          %get3A_2111 = vector.shape_cast %get3A_2110 : vector<1x16xf32> to vector<16xf32>
          %mul3A_2112 = vector.broadcast %squeeze3A_394 : f32 to vector<16xf32>
          %mul3A_2113 = arith.mulf %get3A_2111, %mul3A_2112 : vector<16xf32>
          %add3A_2114 = arith.addf %add3A_2106, %mul3A_2113 : vector<16xf32>
          %get3A_2115 = arith.constant 7 : i32
          %get3A_2116 = arith.index_cast %get3A_2115 : i32 to index
          %get3A_2117 = arith.constant 192 : index
          %get3A_2118 = tpu.vector_load %arg11[%get3A_2116, %get3A_2117] {strides = array<i32>} : memref<16x256xf32, #tpu.memory_space<vmem>>, vector<1x16xf32>,
          %get3A_2119 = vector.shape_cast %get3A_2118 : vector<1x16xf32> to vector<16xf32>
          %mul3A_2120 = vector.broadcast %squeeze3A_396 : f32 to vector<16xf32>
          %mul3A_2121 = arith.mulf %get3A_2119, %mul3A_2120 : vector<16xf32>
          %add3A_2122 = arith.addf %add3A_2114, %mul3A_2121 : vector<16xf32>
          %get3A_2123 = arith.constant 8 : i32
          %get3A_2124 = arith.index_cast %get3A_2123 : i32 to index
          %get3A_2125 = arith.constant 192 : index
          %get3A_2126 = tpu.vector_load %arg11[%get3A_2124, %get3A_2125] {strides = array<i32>} : memref<16x256xf32, #tpu.memory_space<vmem>>, vector<1x16xf32>,
          %get3A_2127 = vector.shape_cast %get3A_2126 : vector<1x16xf32> to vector<16xf32>
          %mul3A_2128 = vector.broadcast %squeeze3A_398 : f32 to vector<16xf32>
          %mul3A_2129 = arith.mulf %get3A_2127, %mul3A_2128 : vector<16xf32>
          %add3A_2130 = arith.addf %add3A_2122, %mul3A_2129 : vector<16xf32>
          %get3A_2131 = arith.constant 9 : i32
          %get3A_2132 = arith.index_cast %get3A_2131 : i32 to index
          %get3A_2133 = arith.constant 192 : index
          %get3A_2134 = tpu.vector_load %arg11[%get3A_2132, %get3A_2133] {strides = array<i32>} : memref<16x256xf32, #tpu.memory_space<vmem>>, vector<1x16xf32>,
          %get3A_2135 = vector.shape_cast %get3A_2134 : vector<1x16xf32> to vector<16xf32>
          %mul3A_2136 = vector.broadcast %squeeze3A_400 : f32 to vector<16xf32>
          %mul3A_2137 = arith.mulf %get3A_2135, %mul3A_2136 : vector<16xf32>
          %add3A_2138 = arith.addf %add3A_2130, %mul3A_2137 : vector<16xf32>
          %get3A_2139 = arith.constant 10 : i32
          %get3A_2140 = arith.index_cast %get3A_2139 : i32 to index
          %get3A_2141 = arith.constant 192 : index
          %get3A_2142 = tpu.vector_load %arg11[%get3A_2140, %get3A_2141] {strides = array<i32>} : memref<16x256xf32, #tpu.memory_space<vmem>>, vector<1x16xf32>,
          %get3A_2143 = vector.shape_cast %get3A_2142 : vector<1x16xf32> to vector<16xf32>
          %mul3A_2144 = vector.broadcast %squeeze3A_402 : f32 to vector<16xf32>
          %mul3A_2145 = arith.mulf %get3A_2143, %mul3A_2144 : vector<16xf32>
          %add3A_2146 = arith.addf %add3A_2138, %mul3A_2145 : vector<16xf32>
          %get3A_2147 = arith.constant 11 : i32
          %get3A_2148 = arith.index_cast %get3A_2147 : i32 to index
          %get3A_2149 = arith.constant 192 : index
          %get3A_2150 = tpu.vector_load %arg11[%get3A_2148, %get3A_2149] {strides = array<i32>} : memref<16x256xf32, #tpu.memory_space<vmem>>, vector<1x16xf32>,
          %get3A_2151 = vector.shape_cast %get3A_2150 : vector<1x16xf32> to vector<16xf32>
          %mul3A_2152 = vector.broadcast %squeeze3A_404 : f32 to vector<16xf32>
          %mul3A_2153 = arith.mulf %get3A_2151, %mul3A_2152 : vector<16xf32>
          %add3A_2154 = arith.addf %add3A_2146, %mul3A_2153 : vector<16xf32>
          %get3A_2155 = arith.constant 12 : i32
          %get3A_2156 = arith.index_cast %get3A_2155 : i32 to index
          %get3A_2157 = arith.constant 192 : index
          %get3A_2158 = tpu.vector_load %arg11[%get3A_2156, %get3A_2157] {strides = array<i32>} : memref<16x256xf32, #tpu.memory_space<vmem>>, vector<1x16xf32>,
          %get3A_2159 = vector.shape_cast %get3A_2158 : vector<1x16xf32> to vector<16xf32>
          %mul3A_2160 = vector.broadcast %squeeze3A_406 : f32 to vector<16xf32>
          %mul3A_2161 = arith.mulf %get3A_2159, %mul3A_2160 : vector<16xf32>
          %add3A_2162 = arith.addf %add3A_2154, %mul3A_2161 : vector<16xf32>
          %get3A_2163 = arith.constant 13 : i32
          %get3A_2164 = arith.index_cast %get3A_2163 : i32 to index
          %get3A_2165 = arith.constant 192 : index
          %get3A_2166 = tpu.vector_load %arg11[%get3A_2164, %get3A_2165] {strides = array<i32>} : memref<16x256xf32, #tpu.memory_space<vmem>>, vector<1x16xf32>,
          %get3A_2167 = vector.shape_cast %get3A_2166 : vector<1x16xf32> to vector<16xf32>
          %mul3A_2168 = vector.broadcast %squeeze3A_408 : f32 to vector<16xf32>
          %mul3A_2169 = arith.mulf %get3A_2167, %mul3A_2168 : vector<16xf32>
          %add3A_2170 = arith.addf %add3A_2162, %mul3A_2169 : vector<16xf32>
          %get3A_2171 = arith.constant 14 : i32
          %get3A_2172 = arith.index_cast %get3A_2171 : i32 to index
          %get3A_2173 = arith.constant 192 : index
          %get3A_2174 = tpu.vector_load %arg11[%get3A_2172, %get3A_2173] {strides = array<i32>} : memref<16x256xf32, #tpu.memory_space<vmem>>, vector<1x16xf32>,
          %get3A_2175 = vector.shape_cast %get3A_2174 : vector<1x16xf32> to vector<16xf32>
          %mul3A_2176 = vector.broadcast %squeeze3A_410 : f32 to vector<16xf32>
          %mul3A_2177 = arith.mulf %get3A_2175, %mul3A_2176 : vector<16xf32>
          %add3A_2178 = arith.addf %add3A_2170, %mul3A_2177 : vector<16xf32>
          %get3A_2179 = arith.constant 15 : i32
          %get3A_2180 = arith.index_cast %get3A_2179 : i32 to index
          %get3A_2181 = arith.constant 192 : index
          %get3A_2182 = tpu.vector_load %arg11[%get3A_2180, %get3A_2181] {strides = array<i32>} : memref<16x256xf32, #tpu.memory_space<vmem>>, vector<1x16xf32>,
          %get3A_2183 = vector.shape_cast %get3A_2182 : vector<1x16xf32> to vector<16xf32>
          %mul3A_2184 = vector.broadcast %squeeze3A_412 : f32 to vector<16xf32>
          %mul3A_2185 = arith.mulf %get3A_2183, %mul3A_2184 : vector<16xf32>
          %add3A_2186 = arith.addf %add3A_2178, %mul3A_2185 : vector<16xf32>
          %swap3A_2187 = arith.constant 192 : index
          %swap3A_2188 = tpu.vector_load %arg12[%swap3A_2187] {strides = array<i32>} : memref<272xf32, #tpu.memory_space<vmem>>, vector<16xf32>,
          %swap3A_2189 = vector.shape_cast %swap3A_2188 : vector<16xf32> to vector<16xf32>
          %swap3A_2190 = vector.shape_cast %add3A_2186 : vector<16xf32> to vector<16xf32>
          tpu.vector_store %arg12[%swap3A_2187], %swap3A_2190 {strides = array<i32>} : memref<272xf32, #tpu.memory_space<vmem>>, vector<16xf32>,
          %get3A_2191 = arith.constant 208 : index
          %get3A_2192 = tpu.vector_load %arg12[%get3A_2191] {strides = array<i32>} : memref<272xf32, #tpu.memory_space<vmem>>, vector<16xf32>,
          %get3A_2193 = vector.shape_cast %get3A_2192 : vector<16xf32> to vector<16xf32>
          %get3A_2194 = arith.constant 0 : i32
          %get3A_2195 = arith.index_cast %get3A_2194 : i32 to index
          %get3A_2196 = arith.constant 208 : index
          %get3A_2197 = tpu.vector_load %arg11[%get3A_2195, %get3A_2196] {strides = array<i32>} : memref<16x256xf32, #tpu.memory_space<vmem>>, vector<1x16xf32>,
          %get3A_2198 = vector.shape_cast %get3A_2197 : vector<1x16xf32> to vector<16xf32>
          %mul3A_2199 = vector.broadcast %squeeze3A_382 : f32 to vector<16xf32>
          %mul3A_2200 = arith.mulf %get3A_2198, %mul3A_2199 : vector<16xf32>
          %add3A_2201 = arith.addf %get3A_2193, %mul3A_2200 : vector<16xf32>
          %get3A_2202 = arith.constant 1 : i32
          %get3A_2203 = arith.index_cast %get3A_2202 : i32 to index
          %get3A_2204 = arith.constant 208 : index
          %get3A_2205 = tpu.vector_load %arg11[%get3A_2203, %get3A_2204] {strides = array<i32>} : memref<16x256xf32, #tpu.memory_space<vmem>>, vector<1x16xf32>,
          %get3A_2206 = vector.shape_cast %get3A_2205 : vector<1x16xf32> to vector<16xf32>
          %mul3A_2207 = vector.broadcast %squeeze3A_384 : f32 to vector<16xf32>
          %mul3A_2208 = arith.mulf %get3A_2206, %mul3A_2207 : vector<16xf32>
          %add3A_2209 = arith.addf %add3A_2201, %mul3A_2208 : vector<16xf32>
          %get3A_2210 = arith.constant 2 : i32
          %get3A_2211 = arith.index_cast %get3A_2210 : i32 to index
          %get3A_2212 = arith.constant 208 : index
          %get3A_2213 = tpu.vector_load %arg11[%get3A_2211, %get3A_2212] {strides = array<i32>} : memref<16x256xf32, #tpu.memory_space<vmem>>, vector<1x16xf32>,
          %get3A_2214 = vector.shape_cast %get3A_2213 : vector<1x16xf32> to vector<16xf32>
          %mul3A_2215 = vector.broadcast %squeeze3A_386 : f32 to vector<16xf32>
          %mul3A_2216 = arith.mulf %get3A_2214, %mul3A_2215 : vector<16xf32>
          %add3A_2217 = arith.addf %add3A_2209, %mul3A_2216 : vector<16xf32>
          %get3A_2218 = arith.constant 3 : i32
          %get3A_2219 = arith.index_cast %get3A_2218 : i32 to index
          %get3A_2220 = arith.constant 208 : index
          %get3A_2221 = tpu.vector_load %arg11[%get3A_2219, %get3A_2220] {strides = array<i32>} : memref<16x256xf32, #tpu.memory_space<vmem>>, vector<1x16xf32>,
          %get3A_2222 = vector.shape_cast %get3A_2221 : vector<1x16xf32> to vector<16xf32>
          %mul3A_2223 = vector.broadcast %squeeze3A_388 : f32 to vector<16xf32>
          %mul3A_2224 = arith.mulf %get3A_2222, %mul3A_2223 : vector<16xf32>
          %add3A_2225 = arith.addf %add3A_2217, %mul3A_2224 : vector<16xf32>
          %get3A_2226 = arith.constant 4 : i32
          %get3A_2227 = arith.index_cast %get3A_2226 : i32 to index
          %get3A_2228 = arith.constant 208 : index
          %get3A_2229 = tpu.vector_load %arg11[%get3A_2227, %get3A_2228] {strides = array<i32>} : memref<16x256xf32, #tpu.memory_space<vmem>>, vector<1x16xf32>,
          %get3A_2230 = vector.shape_cast %get3A_2229 : vector<1x16xf32> to vector<16xf32>
          %mul3A_2231 = vector.broadcast %squeeze3A_390 : f32 to vector<16xf32>
          %mul3A_2232 = arith.mulf %get3A_2230, %mul3A_2231 : vector<16xf32>
          %add3A_2233 = arith.addf %add3A_2225, %mul3A_2232 : vector<16xf32>
          %get3A_2234 = arith.constant 5 : i32
          %get3A_2235 = arith.index_cast %get3A_2234 : i32 to index
          %get3A_2236 = arith.constant 208 : index
          %get3A_2237 = tpu.vector_load %arg11[%get3A_2235, %get3A_2236] {strides = array<i32>} : memref<16x256xf32, #tpu.memory_space<vmem>>, vector<1x16xf32>,
          %get3A_2238 = vector.shape_cast %get3A_2237 : vector<1x16xf32> to vector<16xf32>
          %mul3A_2239 = vector.broadcast %squeeze3A_392 : f32 to vector<16xf32>
          %mul3A_2240 = arith.mulf %get3A_2238, %mul3A_2239 : vector<16xf32>
          %add3A_2241 = arith.addf %add3A_2233, %mul3A_2240 : vector<16xf32>
          %get3A_2242 = arith.constant 6 : i32
          %get3A_2243 = arith.index_cast %get3A_2242 : i32 to index
          %get3A_2244 = arith.constant 208 : index
          %get3A_2245 = tpu.vector_load %arg11[%get3A_2243, %get3A_2244] {strides = array<i32>} : memref<16x256xf32, #tpu.memory_space<vmem>>, vector<1x16xf32>,
          %get3A_2246 = vector.shape_cast %get3A_2245 : vector<1x16xf32> to vector<16xf32>
          %mul3A_2247 = vector.broadcast %squeeze3A_394 : f32 to vector<16xf32>
          %mul3A_2248 = arith.mulf %get3A_2246, %mul3A_2247 : vector<16xf32>
          %add3A_2249 = arith.addf %add3A_2241, %mul3A_2248 : vector<16xf32>
          %get3A_2250 = arith.constant 7 : i32
          %get3A_2251 = arith.index_cast %get3A_2250 : i32 to index
          %get3A_2252 = arith.constant 208 : index
          %get3A_2253 = tpu.vector_load %arg11[%get3A_2251, %get3A_2252] {strides = array<i32>} : memref<16x256xf32, #tpu.memory_space<vmem>>, vector<1x16xf32>,
          %get3A_2254 = vector.shape_cast %get3A_2253 : vector<1x16xf32> to vector<16xf32>
          %mul3A_2255 = vector.broadcast %squeeze3A_396 : f32 to vector<16xf32>
          %mul3A_2256 = arith.mulf %get3A_2254, %mul3A_2255 : vector<16xf32>
          %add3A_2257 = arith.addf %add3A_2249, %mul3A_2256 : vector<16xf32>
          %get3A_2258 = arith.constant 8 : i32
          %get3A_2259 = arith.index_cast %get3A_2258 : i32 to index
          %get3A_2260 = arith.constant 208 : index
          %get3A_2261 = tpu.vector_load %arg11[%get3A_2259, %get3A_2260] {strides = array<i32>} : memref<16x256xf32, #tpu.memory_space<vmem>>, vector<1x16xf32>,
          %get3A_2262 = vector.shape_cast %get3A_2261 : vector<1x16xf32> to vector<16xf32>
          %mul3A_2263 = vector.broadcast %squeeze3A_398 : f32 to vector<16xf32>
          %mul3A_2264 = arith.mulf %get3A_2262, %mul3A_2263 : vector<16xf32>
          %add3A_2265 = arith.addf %add3A_2257, %mul3A_2264 : vector<16xf32>
          %get3A_2266 = arith.constant 9 : i32
          %get3A_2267 = arith.index_cast %get3A_2266 : i32 to index
          %get3A_2268 = arith.constant 208 : index
          %get3A_2269 = tpu.vector_load %arg11[%get3A_2267, %get3A_2268] {strides = array<i32>} : memref<16x256xf32, #tpu.memory_space<vmem>>, vector<1x16xf32>,
          %get3A_2270 = vector.shape_cast %get3A_2269 : vector<1x16xf32> to vector<16xf32>
          %mul3A_2271 = vector.broadcast %squeeze3A_400 : f32 to vector<16xf32>
          %mul3A_2272 = arith.mulf %get3A_2270, %mul3A_2271 : vector<16xf32>
          %add3A_2273 = arith.addf %add3A_2265, %mul3A_2272 : vector<16xf32>
          %get3A_2274 = arith.constant 10 : i32
          %get3A_2275 = arith.index_cast %get3A_2274 : i32 to index
          %get3A_2276 = arith.constant 208 : index
          %get3A_2277 = tpu.vector_load %arg11[%get3A_2275, %get3A_2276] {strides = array<i32>} : memref<16x256xf32, #tpu.memory_space<vmem>>, vector<1x16xf32>,
          %get3A_2278 = vector.shape_cast %get3A_2277 : vector<1x16xf32> to vector<16xf32>
          %mul3A_2279 = vector.broadcast %squeeze3A_402 : f32 to vector<16xf32>
          %mul3A_2280 = arith.mulf %get3A_2278, %mul3A_2279 : vector<16xf32>
          %add3A_2281 = arith.addf %add3A_2273, %mul3A_2280 : vector<16xf32>
          %get3A_2282 = arith.constant 11 : i32
          %get3A_2283 = arith.index_cast %get3A_2282 : i32 to index
          %get3A_2284 = arith.constant 208 : index
          %get3A_2285 = tpu.vector_load %arg11[%get3A_2283, %get3A_2284] {strides = array<i32>} : memref<16x256xf32, #tpu.memory_space<vmem>>, vector<1x16xf32>,
          %get3A_2286 = vector.shape_cast %get3A_2285 : vector<1x16xf32> to vector<16xf32>
          %mul3A_2287 = vector.broadcast %squeeze3A_404 : f32 to vector<16xf32>
          %mul3A_2288 = arith.mulf %get3A_2286, %mul3A_2287 : vector<16xf32>
          %add3A_2289 = arith.addf %add3A_2281, %mul3A_2288 : vector<16xf32>
          %get3A_2290 = arith.constant 12 : i32
          %get3A_2291 = arith.index_cast %get3A_2290 : i32 to index
          %get3A_2292 = arith.constant 208 : index
          %get3A_2293 = tpu.vector_load %arg11[%get3A_2291, %get3A_2292] {strides = array<i32>} : memref<16x256xf32, #tpu.memory_space<vmem>>, vector<1x16xf32>,
          %get3A_2294 = vector.shape_cast %get3A_2293 : vector<1x16xf32> to vector<16xf32>
          %mul3A_2295 = vector.broadcast %squeeze3A_406 : f32 to vector<16xf32>
          %mul3A_2296 = arith.mulf %get3A_2294, %mul3A_2295 : vector<16xf32>
          %add3A_2297 = arith.addf %add3A_2289, %mul3A_2296 : vector<16xf32>
          %get3A_2298 = arith.constant 13 : i32
          %get3A_2299 = arith.index_cast %get3A_2298 : i32 to index
          %get3A_2300 = arith.constant 208 : index
          %get3A_2301 = tpu.vector_load %arg11[%get3A_2299, %get3A_2300] {strides = array<i32>} : memref<16x256xf32, #tpu.memory_space<vmem>>, vector<1x16xf32>,
          %get3A_2302 = vector.shape_cast %get3A_2301 : vector<1x16xf32> to vector<16xf32>
          %mul3A_2303 = vector.broadcast %squeeze3A_408 : f32 to vector<16xf32>
          %mul3A_2304 = arith.mulf %get3A_2302, %mul3A_2303 : vector<16xf32>
          %add3A_2305 = arith.addf %add3A_2297, %mul3A_2304 : vector<16xf32>
          %get3A_2306 = arith.constant 14 : i32
          %get3A_2307 = arith.index_cast %get3A_2306 : i32 to index
          %get3A_2308 = arith.constant 208 : index
          %get3A_2309 = tpu.vector_load %arg11[%get3A_2307, %get3A_2308] {strides = array<i32>} : memref<16x256xf32, #tpu.memory_space<vmem>>, vector<1x16xf32>,
          %get3A_2310 = vector.shape_cast %get3A_2309 : vector<1x16xf32> to vector<16xf32>
          %mul3A_2311 = vector.broadcast %squeeze3A_410 : f32 to vector<16xf32>
          %mul3A_2312 = arith.mulf %get3A_2310, %mul3A_2311 : vector<16xf32>
          %add3A_2313 = arith.addf %add3A_2305, %mul3A_2312 : vector<16xf32>
          %get3A_2314 = arith.constant 15 : i32
          %get3A_2315 = arith.index_cast %get3A_2314 : i32 to index
          %get3A_2316 = arith.constant 208 : index
          %get3A_2317 = tpu.vector_load %arg11[%get3A_2315, %get3A_2316] {strides = array<i32>} : memref<16x256xf32, #tpu.memory_space<vmem>>, vector<1x16xf32>,
          %get3A_2318 = vector.shape_cast %get3A_2317 : vector<1x16xf32> to vector<16xf32>
          %mul3A_2319 = vector.broadcast %squeeze3A_412 : f32 to vector<16xf32>
          %mul3A_2320 = arith.mulf %get3A_2318, %mul3A_2319 : vector<16xf32>
          %add3A_2321 = arith.addf %add3A_2313, %mul3A_2320 : vector<16xf32>
          %swap3A_2322 = arith.constant 208 : index
          %swap3A_2323 = tpu.vector_load %arg12[%swap3A_2322] {strides = array<i32>} : memref<272xf32, #tpu.memory_space<vmem>>, vector<16xf32>,
          %swap3A_2324 = vector.shape_cast %swap3A_2323 : vector<16xf32> to vector<16xf32>
          %swap3A_2325 = vector.shape_cast %add3A_2321 : vector<16xf32> to vector<16xf32>
          tpu.vector_store %arg12[%swap3A_2322], %swap3A_2325 {strides = array<i32>} : memref<272xf32, #tpu.memory_space<vmem>>, vector<16xf32>,
          %get3A_2326 = arith.constant 224 : index
          %get3A_2327 = tpu.vector_load %arg12[%get3A_2326] {strides = array<i32>} : memref<272xf32, #tpu.memory_space<vmem>>, vector<16xf32>,
          %get3A_2328 = vector.shape_cast %get3A_2327 : vector<16xf32> to vector<16xf32>
          %get3A_2329 = arith.constant 0 : i32
          %get3A_2330 = arith.index_cast %get3A_2329 : i32 to index
          %get3A_2331 = arith.constant 224 : index
          %get3A_2332 = tpu.vector_load %arg11[%get3A_2330, %get3A_2331] {strides = array<i32>} : memref<16x256xf32, #tpu.memory_space<vmem>>, vector<1x16xf32>,
          %get3A_2333 = vector.shape_cast %get3A_2332 : vector<1x16xf32> to vector<16xf32>
          %mul3A_2334 = vector.broadcast %squeeze3A_382 : f32 to vector<16xf32>
          %mul3A_2335 = arith.mulf %get3A_2333, %mul3A_2334 : vector<16xf32>
          %add3A_2336 = arith.addf %get3A_2328, %mul3A_2335 : vector<16xf32>
          %get3A_2337 = arith.constant 1 : i32
          %get3A_2338 = arith.index_cast %get3A_2337 : i32 to index
          %get3A_2339 = arith.constant 224 : index
          %get3A_2340 = tpu.vector_load %arg11[%get3A_2338, %get3A_2339] {strides = array<i32>} : memref<16x256xf32, #tpu.memory_space<vmem>>, vector<1x16xf32>,
          %get3A_2341 = vector.shape_cast %get3A_2340 : vector<1x16xf32> to vector<16xf32>
          %mul3A_2342 = vector.broadcast %squeeze3A_384 : f32 to vector<16xf32>
          %mul3A_2343 = arith.mulf %get3A_2341, %mul3A_2342 : vector<16xf32>
          %add3A_2344 = arith.addf %add3A_2336, %mul3A_2343 : vector<16xf32>
          %get3A_2345 = arith.constant 2 : i32
          %get3A_2346 = arith.index_cast %get3A_2345 : i32 to index
          %get3A_2347 = arith.constant 224 : index
          %get3A_2348 = tpu.vector_load %arg11[%get3A_2346, %get3A_2347] {strides = array<i32>} : memref<16x256xf32, #tpu.memory_space<vmem>>, vector<1x16xf32>,
          %get3A_2349 = vector.shape_cast %get3A_2348 : vector<1x16xf32> to vector<16xf32>
          %mul3A_2350 = vector.broadcast %squeeze3A_386 : f32 to vector<16xf32>
          %mul3A_2351 = arith.mulf %get3A_2349, %mul3A_2350 : vector<16xf32>
          %add3A_2352 = arith.addf %add3A_2344, %mul3A_2351 : vector<16xf32>
          %get3A_2353 = arith.constant 3 : i32
          %get3A_2354 = arith.index_cast %get3A_2353 : i32 to index
          %get3A_2355 = arith.constant 224 : index
          %get3A_2356 = tpu.vector_load %arg11[%get3A_2354, %get3A_2355] {strides = array<i32>} : memref<16x256xf32, #tpu.memory_space<vmem>>, vector<1x16xf32>,
          %get3A_2357 = vector.shape_cast %get3A_2356 : vector<1x16xf32> to vector<16xf32>
          %mul3A_2358 = vector.broadcast %squeeze3A_388 : f32 to vector<16xf32>
          %mul3A_2359 = arith.mulf %get3A_2357, %mul3A_2358 : vector<16xf32>
          %add3A_2360 = arith.addf %add3A_2352, %mul3A_2359 : vector<16xf32>
          %get3A_2361 = arith.constant 4 : i32
          %get3A_2362 = arith.index_cast %get3A_2361 : i32 to index
          %get3A_2363 = arith.constant 224 : index
          %get3A_2364 = tpu.vector_load %arg11[%get3A_2362, %get3A_2363] {strides = array<i32>} : memref<16x256xf32, #tpu.memory_space<vmem>>, vector<1x16xf32>,
          %get3A_2365 = vector.shape_cast %get3A_2364 : vector<1x16xf32> to vector<16xf32>
          %mul3A_2366 = vector.broadcast %squeeze3A_390 : f32 to vector<16xf32>
          %mul3A_2367 = arith.mulf %get3A_2365, %mul3A_2366 : vector<16xf32>
          %add3A_2368 = arith.addf %add3A_2360, %mul3A_2367 : vector<16xf32>
          %get3A_2369 = arith.constant 5 : i32
          %get3A_2370 = arith.index_cast %get3A_2369 : i32 to index
          %get3A_2371 = arith.constant 224 : index
          %get3A_2372 = tpu.vector_load %arg11[%get3A_2370, %get3A_2371] {strides = array<i32>} : memref<16x256xf32, #tpu.memory_space<vmem>>, vector<1x16xf32>,
          %get3A_2373 = vector.shape_cast %get3A_2372 : vector<1x16xf32> to vector<16xf32>
          %mul3A_2374 = vector.broadcast %squeeze3A_392 : f32 to vector<16xf32>
          %mul3A_2375 = arith.mulf %get3A_2373, %mul3A_2374 : vector<16xf32>
          %add3A_2376 = arith.addf %add3A_2368, %mul3A_2375 : vector<16xf32>
          %get3A_2377 = arith.constant 6 : i32
          %get3A_2378 = arith.index_cast %get3A_2377 : i32 to index
          %get3A_2379 = arith.constant 224 : index
          %get3A_2380 = tpu.vector_load %arg11[%get3A_2378, %get3A_2379] {strides = array<i32>} : memref<16x256xf32, #tpu.memory_space<vmem>>, vector<1x16xf32>,
          %get3A_2381 = vector.shape_cast %get3A_2380 : vector<1x16xf32> to vector<16xf32>
          %mul3A_2382 = vector.broadcast %squeeze3A_394 : f32 to vector<16xf32>
          %mul3A_2383 = arith.mulf %get3A_2381, %mul3A_2382 : vector<16xf32>
          %add3A_2384 = arith.addf %add3A_2376, %mul3A_2383 : vector<16xf32>
          %get3A_2385 = arith.constant 7 : i32
          %get3A_2386 = arith.index_cast %get3A_2385 : i32 to index
          %get3A_2387 = arith.constant 224 : index
          %get3A_2388 = tpu.vector_load %arg11[%get3A_2386, %get3A_2387] {strides = array<i32>} : memref<16x256xf32, #tpu.memory_space<vmem>>, vector<1x16xf32>,
          %get3A_2389 = vector.shape_cast %get3A_2388 : vector<1x16xf32> to vector<16xf32>
          %mul3A_2390 = vector.broadcast %squeeze3A_396 : f32 to vector<16xf32>
          %mul3A_2391 = arith.mulf %get3A_2389, %mul3A_2390 : vector<16xf32>
          %add3A_2392 = arith.addf %add3A_2384, %mul3A_2391 : vector<16xf32>
          %get3A_2393 = arith.constant 8 : i32
          %get3A_2394 = arith.index_cast %get3A_2393 : i32 to index
          %get3A_2395 = arith.constant 224 : index
          %get3A_2396 = tpu.vector_load %arg11[%get3A_2394, %get3A_2395] {strides = array<i32>} : memref<16x256xf32, #tpu.memory_space<vmem>>, vector<1x16xf32>,
          %get3A_2397 = vector.shape_cast %get3A_2396 : vector<1x16xf32> to vector<16xf32>
          %mul3A_2398 = vector.broadcast %squeeze3A_398 : f32 to vector<16xf32>
          %mul3A_2399 = arith.mulf %get3A_2397, %mul3A_2398 : vector<16xf32>
          %add3A_2400 = arith.addf %add3A_2392, %mul3A_2399 : vector<16xf32>
          %get3A_2401 = arith.constant 9 : i32
          %get3A_2402 = arith.index_cast %get3A_2401 : i32 to index
          %get3A_2403 = arith.constant 224 : index
          %get3A_2404 = tpu.vector_load %arg11[%get3A_2402, %get3A_2403] {strides = array<i32>} : memref<16x256xf32, #tpu.memory_space<vmem>>, vector<1x16xf32>,
          %get3A_2405 = vector.shape_cast %get3A_2404 : vector<1x16xf32> to vector<16xf32>
          %mul3A_2406 = vector.broadcast %squeeze3A_400 : f32 to vector<16xf32>
          %mul3A_2407 = arith.mulf %get3A_2405, %mul3A_2406 : vector<16xf32>
          %add3A_2408 = arith.addf %add3A_2400, %mul3A_2407 : vector<16xf32>
          %get3A_2409 = arith.constant 10 : i32
          %get3A_2410 = arith.index_cast %get3A_2409 : i32 to index
          %get3A_2411 = arith.constant 224 : index
          %get3A_2412 = tpu.vector_load %arg11[%get3A_2410, %get3A_2411] {strides = array<i32>} : memref<16x256xf32, #tpu.memory_space<vmem>>, vector<1x16xf32>,
          %get3A_2413 = vector.shape_cast %get3A_2412 : vector<1x16xf32> to vector<16xf32>
          %mul3A_2414 = vector.broadcast %squeeze3A_402 : f32 to vector<16xf32>
          %mul3A_2415 = arith.mulf %get3A_2413, %mul3A_2414 : vector<16xf32>
          %add3A_2416 = arith.addf %add3A_2408, %mul3A_2415 : vector<16xf32>
          %get3A_2417 = arith.constant 11 : i32
          %get3A_2418 = arith.index_cast %get3A_2417 : i32 to index
          %get3A_2419 = arith.constant 224 : index
          %get3A_2420 = tpu.vector_load %arg11[%get3A_2418, %get3A_2419] {strides = array<i32>} : memref<16x256xf32, #tpu.memory_space<vmem>>, vector<1x16xf32>,
          %get3A_2421 = vector.shape_cast %get3A_2420 : vector<1x16xf32> to vector<16xf32>
          %mul3A_2422 = vector.broadcast %squeeze3A_404 : f32 to vector<16xf32>
          %mul3A_2423 = arith.mulf %get3A_2421, %mul3A_2422 : vector<16xf32>
          %add3A_2424 = arith.addf %add3A_2416, %mul3A_2423 : vector<16xf32>
          %get3A_2425 = arith.constant 12 : i32
          %get3A_2426 = arith.index_cast %get3A_2425 : i32 to index
          %get3A_2427 = arith.constant 224 : index
          %get3A_2428 = tpu.vector_load %arg11[%get3A_2426, %get3A_2427] {strides = array<i32>} : memref<16x256xf32, #tpu.memory_space<vmem>>, vector<1x16xf32>,
          %get3A_2429 = vector.shape_cast %get3A_2428 : vector<1x16xf32> to vector<16xf32>
          %mul3A_2430 = vector.broadcast %squeeze3A_406 : f32 to vector<16xf32>
          %mul3A_2431 = arith.mulf %get3A_2429, %mul3A_2430 : vector<16xf32>
          %add3A_2432 = arith.addf %add3A_2424, %mul3A_2431 : vector<16xf32>
          %get3A_2433 = arith.constant 13 : i32
          %get3A_2434 = arith.index_cast %get3A_2433 : i32 to index
          %get3A_2435 = arith.constant 224 : index
          %get3A_2436 = tpu.vector_load %arg11[%get3A_2434, %get3A_2435] {strides = array<i32>} : memref<16x256xf32, #tpu.memory_space<vmem>>, vector<1x16xf32>,
          %get3A_2437 = vector.shape_cast %get3A_2436 : vector<1x16xf32> to vector<16xf32>
          %mul3A_2438 = vector.broadcast %squeeze3A_408 : f32 to vector<16xf32>
          %mul3A_2439 = arith.mulf %get3A_2437, %mul3A_2438 : vector<16xf32>
          %add3A_2440 = arith.addf %add3A_2432, %mul3A_2439 : vector<16xf32>
          %get3A_2441 = arith.constant 14 : i32
          %get3A_2442 = arith.index_cast %get3A_2441 : i32 to index
          %get3A_2443 = arith.constant 224 : index
          %get3A_2444 = tpu.vector_load %arg11[%get3A_2442, %get3A_2443] {strides = array<i32>} : memref<16x256xf32, #tpu.memory_space<vmem>>, vector<1x16xf32>,
          %get3A_2445 = vector.shape_cast %get3A_2444 : vector<1x16xf32> to vector<16xf32>
          %mul3A_2446 = vector.broadcast %squeeze3A_410 : f32 to vector<16xf32>
          %mul3A_2447 = arith.mulf %get3A_2445, %mul3A_2446 : vector<16xf32>
          %add3A_2448 = arith.addf %add3A_2440, %mul3A_2447 : vector<16xf32>
          %get3A_2449 = arith.constant 15 : i32
          %get3A_2450 = arith.index_cast %get3A_2449 : i32 to index
          %get3A_2451 = arith.constant 224 : index
          %get3A_2452 = tpu.vector_load %arg11[%get3A_2450, %get3A_2451] {strides = array<i32>} : memref<16x256xf32, #tpu.memory_space<vmem>>, vector<1x16xf32>,
          %get3A_2453 = vector.shape_cast %get3A_2452 : vector<1x16xf32> to vector<16xf32>
          %mul3A_2454 = vector.broadcast %squeeze3A_412 : f32 to vector<16xf32>
          %mul3A_2455 = arith.mulf %get3A_2453, %mul3A_2454 : vector<16xf32>
          %add3A_2456 = arith.addf %add3A_2448, %mul3A_2455 : vector<16xf32>
          %swap3A_2457 = arith.constant 224 : index
          %swap3A_2458 = tpu.vector_load %arg12[%swap3A_2457] {strides = array<i32>} : memref<272xf32, #tpu.memory_space<vmem>>, vector<16xf32>,
          %swap3A_2459 = vector.shape_cast %swap3A_2458 : vector<16xf32> to vector<16xf32>
          %swap3A_2460 = vector.shape_cast %add3A_2456 : vector<16xf32> to vector<16xf32>
          tpu.vector_store %arg12[%swap3A_2457], %swap3A_2460 {strides = array<i32>} : memref<272xf32, #tpu.memory_space<vmem>>, vector<16xf32>,
          %get3A_2461 = arith.constant 240 : index
          %get3A_2462 = tpu.vector_load %arg12[%get3A_2461] {strides = array<i32>} : memref<272xf32, #tpu.memory_space<vmem>>, vector<16xf32>,
          %get3A_2463 = vector.shape_cast %get3A_2462 : vector<16xf32> to vector<16xf32>
          %get3A_2464 = arith.constant 0 : i32
          %get3A_2465 = arith.index_cast %get3A_2464 : i32 to index
          %get3A_2466 = arith.constant 240 : index
          %get3A_2467 = tpu.vector_load %arg11[%get3A_2465, %get3A_2466] {strides = array<i32>} : memref<16x256xf32, #tpu.memory_space<vmem>>, vector<1x16xf32>,
          %get3A_2468 = vector.shape_cast %get3A_2467 : vector<1x16xf32> to vector<16xf32>
          %mul3A_2469 = vector.broadcast %squeeze3A_382 : f32 to vector<16xf32>
          %mul3A_2470 = arith.mulf %get3A_2468, %mul3A_2469 : vector<16xf32>
          %add3A_2471 = arith.addf %get3A_2463, %mul3A_2470 : vector<16xf32>
          %get3A_2472 = arith.constant 1 : i32
          %get3A_2473 = arith.index_cast %get3A_2472 : i32 to index
          %get3A_2474 = arith.constant 240 : index
          %get3A_2475 = tpu.vector_load %arg11[%get3A_2473, %get3A_2474] {strides = array<i32>} : memref<16x256xf32, #tpu.memory_space<vmem>>, vector<1x16xf32>,
          %get3A_2476 = vector.shape_cast %get3A_2475 : vector<1x16xf32> to vector<16xf32>
          %mul3A_2477 = vector.broadcast %squeeze3A_384 : f32 to vector<16xf32>
          %mul3A_2478 = arith.mulf %get3A_2476, %mul3A_2477 : vector<16xf32>
          %add3A_2479 = arith.addf %add3A_2471, %mul3A_2478 : vector<16xf32>
          %get3A_2480 = arith.constant 2 : i32
          %get3A_2481 = arith.index_cast %get3A_2480 : i32 to index
          %get3A_2482 = arith.constant 240 : index
          %get3A_2483 = tpu.vector_load %arg11[%get3A_2481, %get3A_2482] {strides = array<i32>} : memref<16x256xf32, #tpu.memory_space<vmem>>, vector<1x16xf32>,
          %get3A_2484 = vector.shape_cast %get3A_2483 : vector<1x16xf32> to vector<16xf32>
          %mul3A_2485 = vector.broadcast %squeeze3A_386 : f32 to vector<16xf32>
          %mul3A_2486 = arith.mulf %get3A_2484, %mul3A_2485 : vector<16xf32>
          %add3A_2487 = arith.addf %add3A_2479, %mul3A_2486 : vector<16xf32>
          %get3A_2488 = arith.constant 3 : i32
          %get3A_2489 = arith.index_cast %get3A_2488 : i32 to index
          %get3A_2490 = arith.constant 240 : index
          %get3A_2491 = tpu.vector_load %arg11[%get3A_2489, %get3A_2490] {strides = array<i32>} : memref<16x256xf32, #tpu.memory_space<vmem>>, vector<1x16xf32>,
          %get3A_2492 = vector.shape_cast %get3A_2491 : vector<1x16xf32> to vector<16xf32>
          %mul3A_2493 = vector.broadcast %squeeze3A_388 : f32 to vector<16xf32>
          %mul3A_2494 = arith.mulf %get3A_2492, %mul3A_2493 : vector<16xf32>
          %add3A_2495 = arith.addf %add3A_2487, %mul3A_2494 : vector<16xf32>
          %get3A_2496 = arith.constant 4 : i32
          %get3A_2497 = arith.index_cast %get3A_2496 : i32 to index
          %get3A_2498 = arith.constant 240 : index
          %get3A_2499 = tpu.vector_load %arg11[%get3A_2497, %get3A_2498] {strides = array<i32>} : memref<16x256xf32, #tpu.memory_space<vmem>>, vector<1x16xf32>,
          %get3A_2500 = vector.shape_cast %get3A_2499 : vector<1x16xf32> to vector<16xf32>
          %mul3A_2501 = vector.broadcast %squeeze3A_390 : f32 to vector<16xf32>
          %mul3A_2502 = arith.mulf %get3A_2500, %mul3A_2501 : vector<16xf32>
          %add3A_2503 = arith.addf %add3A_2495, %mul3A_2502 : vector<16xf32>
          %get3A_2504 = arith.constant 5 : i32
          %get3A_2505 = arith.index_cast %get3A_2504 : i32 to index
          %get3A_2506 = arith.constant 240 : index
          %get3A_2507 = tpu.vector_load %arg11[%get3A_2505, %get3A_2506] {strides = array<i32>} : memref<16x256xf32, #tpu.memory_space<vmem>>, vector<1x16xf32>,
          %get3A_2508 = vector.shape_cast %get3A_2507 : vector<1x16xf32> to vector<16xf32>
          %mul3A_2509 = vector.broadcast %squeeze3A_392 : f32 to vector<16xf32>
          %mul3A_2510 = arith.mulf %get3A_2508, %mul3A_2509 : vector<16xf32>
          %add3A_2511 = arith.addf %add3A_2503, %mul3A_2510 : vector<16xf32>
          %get3A_2512 = arith.constant 6 : i32
          %get3A_2513 = arith.index_cast %get3A_2512 : i32 to index
          %get3A_2514 = arith.constant 240 : index
          %get3A_2515 = tpu.vector_load %arg11[%get3A_2513, %get3A_2514] {strides = array<i32>} : memref<16x256xf32, #tpu.memory_space<vmem>>, vector<1x16xf32>,
          %get3A_2516 = vector.shape_cast %get3A_2515 : vector<1x16xf32> to vector<16xf32>
          %mul3A_2517 = vector.broadcast %squeeze3A_394 : f32 to vector<16xf32>
          %mul3A_2518 = arith.mulf %get3A_2516, %mul3A_2517 : vector<16xf32>
          %add3A_2519 = arith.addf %add3A_2511, %mul3A_2518 : vector<16xf32>
          %get3A_2520 = arith.constant 7 : i32
          %get3A_2521 = arith.index_cast %get3A_2520 : i32 to index
          %get3A_2522 = arith.constant 240 : index
          %get3A_2523 = tpu.vector_load %arg11[%get3A_2521, %get3A_2522] {strides = array<i32>} : memref<16x256xf32, #tpu.memory_space<vmem>>, vector<1x16xf32>,
          %get3A_2524 = vector.shape_cast %get3A_2523 : vector<1x16xf32> to vector<16xf32>
          %mul3A_2525 = vector.broadcast %squeeze3A_396 : f32 to vector<16xf32>
          %mul3A_2526 = arith.mulf %get3A_2524, %mul3A_2525 : vector<16xf32>
          %add3A_2527 = arith.addf %add3A_2519, %mul3A_2526 : vector<16xf32>
          %get3A_2528 = arith.constant 8 : i32
          %get3A_2529 = arith.index_cast %get3A_2528 : i32 to index
          %get3A_2530 = arith.constant 240 : index
          %get3A_2531 = tpu.vector_load %arg11[%get3A_2529, %get3A_2530] {strides = array<i32>} : memref<16x256xf32, #tpu.memory_space<vmem>>, vector<1x16xf32>,
          %get3A_2532 = vector.shape_cast %get3A_2531 : vector<1x16xf32> to vector<16xf32>
          %mul3A_2533 = vector.broadcast %squeeze3A_398 : f32 to vector<16xf32>
          %mul3A_2534 = arith.mulf %get3A_2532, %mul3A_2533 : vector<16xf32>
          %add3A_2535 = arith.addf %add3A_2527, %mul3A_2534 : vector<16xf32>
          %get3A_2536 = arith.constant 9 : i32
          %get3A_2537 = arith.index_cast %get3A_2536 : i32 to index
          %get3A_2538 = arith.constant 240 : index
          %get3A_2539 = tpu.vector_load %arg11[%get3A_2537, %get3A_2538] {strides = array<i32>} : memref<16x256xf32, #tpu.memory_space<vmem>>, vector<1x16xf32>,
          %get3A_2540 = vector.shape_cast %get3A_2539 : vector<1x16xf32> to vector<16xf32>
          %mul3A_2541 = vector.broadcast %squeeze3A_400 : f32 to vector<16xf32>
          %mul3A_2542 = arith.mulf %get3A_2540, %mul3A_2541 : vector<16xf32>
          %add3A_2543 = arith.addf %add3A_2535, %mul3A_2542 : vector<16xf32>
          %get3A_2544 = arith.constant 10 : i32
          %get3A_2545 = arith.index_cast %get3A_2544 : i32 to index
          %get3A_2546 = arith.constant 240 : index
          %get3A_2547 = tpu.vector_load %arg11[%get3A_2545, %get3A_2546] {strides = array<i32>} : memref<16x256xf32, #tpu.memory_space<vmem>>, vector<1x16xf32>,
          %get3A_2548 = vector.shape_cast %get3A_2547 : vector<1x16xf32> to vector<16xf32>
          %mul3A_2549 = vector.broadcast %squeeze3A_402 : f32 to vector<16xf32>
          %mul3A_2550 = arith.mulf %get3A_2548, %mul3A_2549 : vector<16xf32>
          %add3A_2551 = arith.addf %add3A_2543, %mul3A_2550 : vector<16xf32>
          %get3A_2552 = arith.constant 11 : i32
          %get3A_2553 = arith.index_cast %get3A_2552 : i32 to index
          %get3A_2554 = arith.constant 240 : index
          %get3A_2555 = tpu.vector_load %arg11[%get3A_2553, %get3A_2554] {strides = array<i32>} : memref<16x256xf32, #tpu.memory_space<vmem>>, vector<1x16xf32>,
          %get3A_2556 = vector.shape_cast %get3A_2555 : vector<1x16xf32> to vector<16xf32>
          %mul3A_2557 = vector.broadcast %squeeze3A_404 : f32 to vector<16xf32>
          %mul3A_2558 = arith.mulf %get3A_2556, %mul3A_2557 : vector<16xf32>
          %add3A_2559 = arith.addf %add3A_2551, %mul3A_2558 : vector<16xf32>
          %get3A_2560 = arith.constant 12 : i32
          %get3A_2561 = arith.index_cast %get3A_2560 : i32 to index
          %get3A_2562 = arith.constant 240 : index
          %get3A_2563 = tpu.vector_load %arg11[%get3A_2561, %get3A_2562] {strides = array<i32>} : memref<16x256xf32, #tpu.memory_space<vmem>>, vector<1x16xf32>,
          %get3A_2564 = vector.shape_cast %get3A_2563 : vector<1x16xf32> to vector<16xf32>
          %mul3A_2565 = vector.broadcast %squeeze3A_406 : f32 to vector<16xf32>
          %mul3A_2566 = arith.mulf %get3A_2564, %mul3A_2565 : vector<16xf32>
          %add3A_2567 = arith.addf %add3A_2559, %mul3A_2566 : vector<16xf32>
          %get3A_2568 = arith.constant 13 : i32
          %get3A_2569 = arith.index_cast %get3A_2568 : i32 to index
          %get3A_2570 = arith.constant 240 : index
          %get3A_2571 = tpu.vector_load %arg11[%get3A_2569, %get3A_2570] {strides = array<i32>} : memref<16x256xf32, #tpu.memory_space<vmem>>, vector<1x16xf32>,
          %get3A_2572 = vector.shape_cast %get3A_2571 : vector<1x16xf32> to vector<16xf32>
          %mul3A_2573 = vector.broadcast %squeeze3A_408 : f32 to vector<16xf32>
          %mul3A_2574 = arith.mulf %get3A_2572, %mul3A_2573 : vector<16xf32>
          %add3A_2575 = arith.addf %add3A_2567, %mul3A_2574 : vector<16xf32>
          %get3A_2576 = arith.constant 14 : i32
          %get3A_2577 = arith.index_cast %get3A_2576 : i32 to index
          %get3A_2578 = arith.constant 240 : index
          %get3A_2579 = tpu.vector_load %arg11[%get3A_2577, %get3A_2578] {strides = array<i32>} : memref<16x256xf32, #tpu.memory_space<vmem>>, vector<1x16xf32>,
          %get3A_2580 = vector.shape_cast %get3A_2579 : vector<1x16xf32> to vector<16xf32>
          %mul3A_2581 = vector.broadcast %squeeze3A_410 : f32 to vector<16xf32>
          %mul3A_2582 = arith.mulf %get3A_2580, %mul3A_2581 : vector<16xf32>
          %add3A_2583 = arith.addf %add3A_2575, %mul3A_2582 : vector<16xf32>
          %get3A_2584 = arith.constant 15 : i32
          %get3A_2585 = arith.index_cast %get3A_2584 : i32 to index
          %get3A_2586 = arith.constant 240 : index
          %get3A_2587 = tpu.vector_load %arg11[%get3A_2585, %get3A_2586] {strides = array<i32>} : memref<16x256xf32, #tpu.memory_space<vmem>>, vector<1x16xf32>,
          %get3A_2588 = vector.shape_cast %get3A_2587 : vector<1x16xf32> to vector<16xf32>
          %mul3A_2589 = vector.broadcast %squeeze3A_412 : f32 to vector<16xf32>
          %mul3A_2590 = arith.mulf %get3A_2588, %mul3A_2589 : vector<16xf32>
          %add3A_2591 = arith.addf %add3A_2583, %mul3A_2590 : vector<16xf32>
          %swap3A_2592 = arith.constant 240 : index
          %swap3A_2593 = tpu.vector_load %arg12[%swap3A_2592] {strides = array<i32>} : memref<272xf32, #tpu.memory_space<vmem>>, vector<16xf32>,
          %swap3A_2594 = vector.shape_cast %swap3A_2593 : vector<16xf32> to vector<16xf32>
          %swap3A_2595 = vector.shape_cast %add3A_2591 : vector<16xf32> to vector<16xf32>
          tpu.vector_store %arg12[%swap3A_2592], %swap3A_2595 {strides = array<i32>} : memref<272xf32, #tpu.memory_space<vmem>>, vector<16xf32>,
        } else {
        }
      }
      %scan3A_368 = arith.constant 16 : i32
    } else {
    }
    "tpu.region"() ({
      %run_scoped3A = tpu.sem_alloc : memref<!tpu.dma_semaphore, #tpu.memory_space<semaphore_mem>>
      %dma_start3A_364 = arith.constant 0 : i32
      %dma_start3A_365 = tpu.memref_slice %arg7[%add3A, %dma_start3A_364] : memref<32x272xf32, #tpu.memory_space<hbm>> -> memref<1x272xf32, #tpu.memory_space<hbm>>
      %dma_start3A_366 = tpu.memref_squeeze %dma_start3A_365 : memref<1x272xf32, #tpu.memory_space<hbm>> -> memref<272xf32, #tpu.memory_space<hbm>>
      %dma_start3A_367 = arith.constant 0 : i32
      %dma_start3A_368 = tpu.memref_slice %arg7[%add3A, %dma_start3A_367] : memref<32x272xf32, #tpu.memory_space<hbm>> -> memref<1x272xf32, #tpu.memory_space<hbm>>
      %dma_start3A_369 = tpu.memref_squeeze %dma_start3A_368 : memref<1x272xf32, #tpu.memory_space<hbm>> -> memref<272xf32, #tpu.memory_space<hbm>>
      tpu.enqueue_dma source(%arg12 : memref<272xf32, #tpu.memory_space<vmem>>) target(%dma_start3A_369 : memref<272xf32, #tpu.memory_space<hbm>>) target_semaphore(%run_scoped3A : memref<!tpu.dma_semaphore, #tpu.memory_space<semaphore_mem>>)
      %dma_wait3A_370 = arith.constant 0 : i32
      %dma_wait3A_371 = tpu.memref_slice %arg7[%add3A, %dma_wait3A_370] : memref<32x272xf32, #tpu.memory_space<hbm>> -> memref<1x272xf32, #tpu.memory_space<hbm>>
      %dma_wait3A_372 = tpu.memref_squeeze %dma_wait3A_371 : memref<1x272xf32, #tpu.memory_space<hbm>> -> memref<272xf32, #tpu.memory_space<hbm>>
      %dma_wait3A_373 = arith.constant 0 : i32
      %dma_wait3A_374 = tpu.memref_slice %arg7[%add3A, %dma_wait3A_373] : memref<32x272xf32, #tpu.memory_space<hbm>> -> memref<1x272xf32, #tpu.memory_space<hbm>>
      %dma_wait3A_375 = tpu.memref_squeeze %dma_wait3A_374 : memref<1x272xf32, #tpu.memory_space<hbm>> -> memref<272xf32, #tpu.memory_space<hbm>>
      tpu.wait_dma2 semaphore(%run_scoped3A : memref<!tpu.dma_semaphore, #tpu.memory_space<semaphore_mem>>) src(%arg12 : memref<272xf32, #tpu.memory_space<vmem>>) dst(%dma_wait3A_375 : memref<272xf32, #tpu.memory_space<hbm>>)
      tpu.yield
    }) : () -> ()
    %dma_wait3A_355 = arith.constant 0 : i32
    %dma_wait3A_356 = tpu.memref_slice %arg6[%squeeze3A, %dma_wait3A_355] : memref<100000x256xf32, #tpu.memory_space<hbm>> -> memref<1x256xf32, #tpu.memory_space<hbm>>
    %dma_wait3A_357 = arith.constant 0 : i32
    %dma_wait3A_358 = tpu.memref_slice %arg6[%squeeze3A, %dma_wait3A_357] : memref<100000x256xf32, #tpu.memory_space<hbm>> -> memref<1x256xf32, #tpu.memory_space<hbm>>
    tpu.wait_dma2 semaphore(%arg15 : memref<!tpu.dma_semaphore, #tpu.memory_space<semaphore_mem>>) src(%dma_wait3A_358 : memref<1x256xf32, #tpu.memory_space<hbm>>) dst(%arg14 : memref<1x256xf32, #tpu.memory_space<vmem>>)
    %eq3A_359 = arith.constant 0 : i32
    %eq3A_360 = arith.cmpi eq, %add3A, %eq3A_359 : i32
    %convert_element_type3A_361 = arith.extui %eq3A_360 : i1 to i32
    %cond3A_362 = arith.constant 0 : i32
    %cond3A_363 = arith.cmpi ne, %convert_element_type3A_361, %cond3A_362 : i32
    scf.if %cond3A_363 {
      "tpu.region"() ({
        %run_scoped3A = tpu.sem_alloc : memref<!tpu.dma_semaphore, #tpu.memory_space<semaphore_mem>>
        tpu.enqueue_dma source(%arg14 : memref<1x256xf32, #tpu.memory_space<vmem>>) target(%arg8 : memref<1x256xf32, #tpu.memory_space<hbm>>) target_semaphore(%run_scoped3A : memref<!tpu.dma_semaphore, #tpu.memory_space<semaphore_mem>>)
        tpu.wait_dma2 semaphore(%run_scoped3A : memref<!tpu.dma_semaphore, #tpu.memory_space<semaphore_mem>>) src(%arg14 : memref<1x256xf32, #tpu.memory_space<vmem>>) dst(%arg8 : memref<1x256xf32, #tpu.memory_space<hbm>>)
        tpu.yield
      }) : () -> ()
    } else {
    }
    return
  }
}

module attributes {stable_mosaic.version = 14 : i64} {
  func.func @body(%arg0: memref<32x272xf32, #tpu.memory_space<vmem>>, %arg1: memref<1x256xf32, #tpu.memory_space<vmem>>, %arg2: memref<256x256xf32, #tpu.memory_space<vmem>>, %arg3: memref<256xf32, #tpu.memory_space<vmem>>, %arg4: memref<256xf32, #tpu.memory_space<vmem>>) attributes {dimension_semantics = [], scalar_prefetch = 0 : i64, scratch_operands = 0 : i64, tpu.core_type = #tpu.core_type<tc>} {
    %get3A = arith.constant 0 : index
    %get3A_0 = arith.constant 0 : index
    %get3A_1 = vector.load %arg0[%get3A, %get3A_0] : memref<32x272xf32, #tpu.memory_space<vmem>>, vector<32x256xf32>
    %reduce_sum3A = arith.constant dense<0.000000e+00> : vector<256xf32>
    %reduce_sum3A_2 = vector.multi_reduction <add>, %get3A_1, %reduce_sum3A [0] : vector<32x256xf32> to vector<256xf32>
    %get3A_3 = arith.constant 0 : index
    %get3A_4 = arith.constant 256 : index
    %get3A_5 = vector.load %arg0[%get3A_3, %get3A_4] : memref<32x272xf32, #tpu.memory_space<vmem>>, vector<32x16xf32>
    %reduce_sum3A_6 = vector.shape_cast %get3A_5 : vector<32x16xf32> to vector<1x32x16xf32>
    %reduce_sum3A_7 = arith.constant dense<0.000000e+00> : vector<1xf32>
    %reduce_sum3A_8 = vector.multi_reduction <add>, %reduce_sum3A_6, %reduce_sum3A_7 [1, 2] : vector<1x32x16xf32> to vector<1xf32>
    %reduce_sum3A_9 = vector.shape_cast %reduce_sum3A_8 : vector<1xf32> to vector<1x1x1xf32>
    %reduce_sum3A_10 = vector.extract %reduce_sum3A_9[0, 0, 0] : f32 from vector<1x1x1xf32>
    %max3A = arith.constant 1.000000e+00 : f32
    %max3A_11 = arith.maximumf %reduce_sum3A_10, %max3A : f32
    %div3A = vector.broadcast %max3A_11 : f32 to vector<256xf32>
    %div3A_12 = arith.divf %reduce_sum3A_2, %div3A : vector<256xf32>
    %broadcast_in_dim3A = vector.shape_cast %div3A_12 : vector<256xf32> to vector<1x256xf32>
    %get3A_13 = arith.constant 0 : index
    %get3A_14 = arith.constant 0 : index
    %get3A_15 = vector.load %arg2[%get3A_13, %get3A_14] : memref<256x256xf32, #tpu.memory_space<vmem>>, vector<256x256xf32>
    %dot_general3A = arith.constant dense<0.000000e+00> : vector<1x256xf32>
    %dot_general3A_16 = tpu.matmul %broadcast_in_dim3A, %get3A_15, %dot_general3A {dimension_numbers = #tpu.dot_dimension_numbers<[1], [1], [0], [0], [0, 0, 1, 0], [], []>, transpose_lhs_hint = false} : vector<1x256xf32>, vector<256x256xf32>, vector<1x256xf32> -> vector<1x256xf32>
    %squeeze3A = vector.shape_cast %dot_general3A_16 : vector<1x256xf32> to vector<256xf32>
    %get3A_17 = arith.constant 0 : index
    %get3A_18 = vector.load %arg3[%get3A_17] : memref<256xf32, #tpu.memory_space<vmem>>, vector<256xf32>
    %add3A = arith.addf %squeeze3A, %get3A_18 : vector<256xf32>
    %gt3A = arith.constant 0.000000e+00 : f32
    %gt3A_19 = arith.cmpf ogt, %reduce_sum3A_10, %gt3A : f32
    %get3A_20 = arith.constant 0 : index
    %get3A_21 = arith.constant 0 : index
    %get3A_22 = vector.load %arg1[%get3A_20, %get3A_21] : memref<1x256xf32, #tpu.memory_space<vmem>>, vector<1x256xf32>
    %get3A_23 = vector.shape_cast %get3A_22 : vector<1x256xf32> to vector<256xf32>
    %select_n3A = arith.select %gt3A_19, %add3A, %get3A_23 : vector<256xf32>
    %swap3A = arith.constant 0 : index
    %swap3A_24 = vector.load %arg4[%swap3A] : memref<256xf32, #tpu.memory_space<vmem>>, vector<256xf32>
    tpu.vector_store %arg4[%swap3A], %select_n3A {strides = array<i32>} : memref<256xf32, #tpu.memory_space<vmem>>, vector<256xf32>,
    return
  }
}

</mosaic_0001>

<sc_bundles>
// kernel: kernel.4.cloned.1.call-start
scs
__scs_entry_jumppad:
0x0: {  	(pc) =	sbr.rel $0x88, $3  }
0x1: {  	(tag) =	ssettag $0x0;
	lr =	simm.s32 $0x1  }
0x2: {  	[smem:$0x3F9A] =	sst lr;
	_ =	strace $0xD0000000  }
0x3: {  	_ = 	snop  }
0x4: {  	_ = 	snop  }
0x5: {  	_ = 	snop  }
0x6: {  	_ = 	snop  }
0x7: {  	_ = 	snop  }
__scs_overlays_trampoline_lowered:
0x8: {  	[smem:$0x3FA9] =	sst s0  }
0x9: {  	[smem:$0x3FAA] =	sst s1  }
0xa: {  	[smem:$0x3FAB] =	sst s2  }
0xb: {  	[smem:$0x3FAC] =	sst s3  }
0xc: {  	[smem:$0x3FAD] =	sst s4  }
0xd: {  	[smem:$0x3FAE] =	sst s5  }
0xe: {  	[smem:$0x3FAF] =	sst s6  }
0xf: {  	[smem:$0x3FB0] =	sst s7  }
0x10: {  	[smem:$0x3FB1] =	sst s8  }
0x11: {  	[smem:$0x3FB2] =	sst s9;
	s0 =	simm.s32 @!p0 $0x0  }
0x12: {  	s1 =	sld [smem:$0x3F98];
	s0 =	simm.s32 @p0 $0x1  }
0x13: {  	[smem:$0x3FB3] =	sst s0;
	s0 =	simm.s32 @!p1 $0x0  }
0x14: {  	s2 =	sld [smem:$0x3F97];
	s0 =	simm.s32 @p1 $0x1  }
0x15: {  	[smem:$0x3FB4] =	sst s0;
	s0 =	simm.s32 @!p2 $0x0  }
0x16: {  	s3 =	sld [smem:$0x3FDB];
	s0 =	simm.s32 @p2 $0x1  }
0x17: {  	s4 =	simm.s32 $0x1BF5;
	[smem:$0x3FB6] =	sst s0  }
0x18: {  	s0 =	sld [smem:$0x3F99];
	_ =	swait.ge [sflag:s4], $0x0  }
0x19: {  	s7 =	sld [smem:$0x3F9A]  }
0x1a: {  	s8 =	sadd.s32 $0xFFFFE003, lr  }
0x1b: {  	s9 =	sadd.s32 $0xFFFFFEF7, lr;
	s5 =	simm.s32 $0xFFFFFFFF;
	p2 =	slt.u32 s8, $0xFFFFF086  }
0x1c: {  	p1 =	slt.u32 s9, $0xF7A;
	s5 =	simm.s32 @!p2 $0x0  }
0x1d: {  	s5 =	simm.s32 @p1 $0x1;
	p0 =	seq.s32 s7, s2  }
0x1e: {  	s7 =	smul.u32 @!p0 $0xF7A, s2;
	p2 =	seq.s32 @!p0 s5, $0x0  }
0x1f: {  	s9 =	smul.u32 $0xF7A, s1;
	s8 =	simm.s32 @!p0 $0x1BF5;
	p2 =	por !p2, p0  }
0x20: {  	[sflag:s8] =	ssyncset.s32 @!p0 $0xFFFFF086;
	s6 =	sadd.s32 @!p0 s3, s7;
	s7 =	simm.s32 @!p0 $0x108  }
0x21: {  	s3 =	sadd.s32 s3, s9;
	s6 =	sadd.s32 @!p0 $0x88, s6;
	s7 =	simm.s32 @p2 $0x1082  }
0x22: {  	[simem:s7], [sflag:s8] =	dma.local @!p0 [hbm:s6], $0xF7A  }
0x23: {  	s9 =	sor.u32 $0xD0000000, s2;
	s6 =	simm.s32 $0x108;
	_ =	swait.ge @!p0 [sflag:s8], $0x0  }
0x24: {  	s3 =	sadd.s32 $0x88, s3;
	s6 =	simm.s32 @!p1 $0x1082;
	[sflag:s4] =	ssyncset.s32 $0xFFFFF086  }
0x25: {  	[simem:s6], [sflag:s4] =	dma.local [hbm:s3], $0xF7A  }
0x26: {  	[smem:$0x3F9A] =	sst s1;
	(tag) =	ssettag s2;
	_ =	strace s9  }
0x27: {  	s1 =	sld [smem:$0x3FAA]  }
0x28: {  	s2 =	sld [smem:$0x3FAB]  }
0x29: {  	s4 =	sld [smem:$0x3FAD]  }
0x2a: {  	p0 =	seq.s32 s5, $0x0;
	s5 =	sld [smem:$0x3FAE]  }
0x2b: {  	s6 =	sld [smem:$0x3FAF]  }
0x2c: {  	s7 =	sld [smem:$0x3FB0]  }
0x2d: {  	s3 =	simm.s32 $0x108;
	s8 =	sld [smem:$0x3FB1]  }
0x2e: {  	s3 =	simm.s32 @!p0 $0x1082;
	s9 =	sld [smem:$0x3FB2]  }
0x2f: {  	lr =	sadd.s32 s0, s3;
	s0 =	sld [smem:$0x3FA9]  }
0x30: {  	s3 =	sld [smem:$0x3FAC]  }
0x31: {  	[smem:$0x3FB5] =	sst s10  }
0x32: {  	s10 =	sld [smem:$0x3FB3];
	_ =	sdelay $0x3  }
0x33: {  	p0 =	seq.s32 s10, $0x1;
	s10 =	sld [smem:$0x3FB5];
	_ =	sdelay $0x3  }
0x34: {  	[smem:$0x3FB5] =	sst s10  }
0x35: {  	s10 =	sld [smem:$0x3FB4];
	_ =	sdelay $0x3  }
0x36: {  	p1 =	seq.s32 s10, $0x1;
	s10 =	sld [smem:$0x3FB5];
	_ =	sdelay $0x3  }
0x37: {  	[smem:$0x3FB5] =	sst s10  }
0x38: {  	s10 =	sld [smem:$0x3FB6]  }
0x39: {  	_ = 	snop;
	(pc) =	sbr.ind lr, $3  }
0x3a: {  	_ = 	snop  }
0x3b: {  	_ = 	snop  }
0x3c: {  	p2 =	seq.s32 s10, $0x1;
	s10 =	sld [smem:$0x3FB5]  }
0x3d: {  	_ =	shalt  }
0x3e: {  	_ =	shalt  }
0x3f: {  	_ =	shalt  }
0x40: {  	_ =	shalt  }
0x41: {  	_ =	shalt  }
0x42: {  	_ =	shalt  }
0x43: {  	_ =	shalt  }
0x44: {  	_ =	shalt  }
0x45: {  	_ =	shalt  }
0x46: {  	_ =	shalt  }
0x47: {  	_ =	shalt  }
0x48: {  	_ =	shalt  }
0x49: {  	_ =	shalt  }
0x4a: {  	_ =	shalt  }
0x4b: {  	_ =	shalt  }
0x4c: {  	_ =	shalt  }
0x4d: {  	_ =	shalt  }
0x4e: {  	_ =	shalt  }
0x4f: {  	_ =	shalt  }
0x50: {  	_ =	shalt  }
0x51: {  	_ =	shalt  }
0x52: {  	_ =	shalt  }
0x53: {  	_ =	shalt  }
0x54: {  	_ =	shalt  }
0x55: {  	_ =	shalt  }
0x56: {  	_ =	shalt  }
0x57: {  	_ =	shalt  }
0x58: {  	_ =	shalt  }
0x59: {  	_ =	shalt  }
0x5a: {  	_ =	shalt  }
0x5b: {  	_ =	shalt  }
0x5c: {  	_ =	shalt  }
0x5d: {  	_ =	shalt  }
0x5e: {  	_ =	shalt  }
0x5f: {  	_ =	shalt  }
0x60: {  	_ =	shalt  }
0x61: {  	_ =	shalt  }
0x62: {  	_ =	shalt  }
0x63: {  	_ =	shalt  }
0x64: {  	_ =	shalt  }
0x65: {  	_ =	shalt  }
0x66: {  	_ =	shalt  }
0x67: {  	_ =	shalt  }
0x68: {  	_ =	shalt  }
0x69: {  	_ =	shalt  }
0x6a: {  	_ =	shalt  }
0x6b: {  	_ =	shalt  }
0x6c: {  	_ =	shalt  }
0x6d: {  	_ =	shalt  }
0x6e: {  	_ =	shalt  }
0x6f: {  	_ =	shalt  }
0x70: {  	_ =	shalt  }
0x71: {  	_ =	shalt  }
0x72: {  	_ =	shalt  }
0x73: {  	_ =	shalt  }
0x74: {  	_ =	shalt  }
0x75: {  	_ =	shalt  }
0x76: {  	_ =	shalt  }
0x77: {  	_ =	shalt  }
0x78: {  	_ =	shalt  }
0x79: {  	_ =	shalt  }
0x7a: {  	_ =	shalt  }
0x7b: {  	_ =	shalt  }
0x7c: {  	_ =	shalt  }
0x7d: {  	_ =	shalt  }
0x7e: {  	_ =	shalt  }
0x7f: {  	_ =	shalt  }
0x80: {  	_ =	shalt  }
0x81: {  	_ =	shalt  }
0x82: {  	_ =	shalt  }
0x83: {  	_ =	shalt  }
0x84: {  	_ =	shalt  }
0x85: {  	_ =	shalt  }
0x86: {  	_ =	shalt  }
0x87: {  	_ =	shalt  }
.Lfunc_end0:
.L_simem_size_0:
called_computation_lowered:
.L_overlay_start_0:
0x88: {  	s2 =	sld [smem:$0x3FD9]  }
0x89: {  	s3 =	sld [smem:$0x3FFE];
	_ =	sdelay $0x1  }
0x8a: {  	s1 =	srdreg.scid  }
0x8b: {  	s0 =	sand.u32 $0x1, s1  }
0x8c: {  	s17 =	sshll.u32 s0, $0xA;
	s2 =	sadd.s32 s3, s2  }
0x8d: {  	s2 =	sadd.s32 s2, s17  }
0x8e: {  	[smem:$0x3FC1] =	sst s2  }
0x8f: {  	_ = 	snop  }
0x90: {  	s2 =	sld [smem:$0x3FC9]  }
0x91: {  	s18 =	sld [smem:$0x3FC8]  }
0x92: {  	s4 =	sld [smem:$0x3FC7]  }
0x93: {  	s5 =	sld [smem:$0x3FC6]  }
0x94: {  	s6 =	sld [smem:$0x3FD0];
	(tm) =	ssettm $0x1  }
0x95: {  	s7 =	sld [smem:$0x3FFB];
	_ =	sdelay $0x3  }
0x96: {  	_ =	strace s7  }
0x97: {  	s7 =	sld [smem:$0x3FFC];
	_ =	sdelay $0x3  }
0x98: {  	_ =	strace s7  }
0x99: {  	s7 =	sld [smem:$0x3FFD];
	_ =	sdelay $0x3  }
0x9a: {  	_ =	strace s7  }
0x9b: {  	_ =	strace $0x8FFFFFFF  }
0x9c: {  	s19 =	sld [smem:$0x3FDB];
	_ =	sdelay $0x1  }
0x9d: {  	s8 =	simm.s32 $_scs_section_size  }
0x9e: {  	s9 =	simm.s32 $_size__tile_overlayer_lowered;
	s10 =	simm.s32 $_tile_overlayer_lowered  }
0x9f: {  	s22 =	simm.s32 $0x1BFF;
	s21 =	sshll.u32 s10, $0x1;
	s7 =	sadd.s32 s8, s19  }
0xa0: {  	s11 =	simm.s32 $0x0;
	s20 =	sshll.u32 s9, $0x1;
	s9 =	sadd.s32 s21, s7  }
0xa1: {  	[timem:s11], [sflag:s22] =	dma.local [hbm:s9], s20  }
0xa2: {  	_ =	swait.ge [sflag:s22], s20  }
0xa3: {  	s8 =	ssub.s32 $0x0, s20;
	[sflag:s22] =	ssyncset.done $0x0  }
0xa4: {  	[sflag:s22] =	ssyncadd.s32 s8;
	_ =	sdelay $0x1  }
0xa5: {  	s23 =	simm.s32 $0x1B8B  }
0xa6: {  	_ =	swait.ge [sflag:s23], $0x1  }
0xa7: {  	[sflag:s23] =	ssyncset.done $0x0  }
0xa8: {  	s25 =	simm.s32 $0x1B8E;
	s24 =	sld [smem:$0x3FFE];
	[sflag:s23] =	ssyncadd.s32 $0xFFFFFFFF  }
0xa9: {  	s26 =	simm.s32 $execute0_lowered;
	[smem:$0x3FD2] =	sst s25  }
0xaa: {  	s9 =	sshll.u32 s26, $0x1;
	_ =	strace $0x80000046;
	[dreg:$0x1] =	wrdreg $0xFFFFFFFF  }
0xab: {  	s28 =	simm.s32 $_size_execute0_lowered;
	s7 =	sadd.s32 s7, s9;
	[dreg:$0x0] =	wrdreg $0x0  }
0xac: {  	s9 =	sshll.u32 s28, $0x1;
	[dreg:$0x2] =	wrdreg s7  }
0xad: {  	[dreg:$0x3] =	wrdreg s9  }
0xae: {  	[dreg:$0x4] =	wrdreg $0xC0  }
0xaf: {  	_ =	task [dreg:s11], $0x5FFFF  }
0xb0: {  	[dreg:$0x1] =	wrdreg $0xFFFFFFFF  }
0xb1: {  	[dreg:$0x0] =	wrdreg $0x60  }
0xb2: {  	[dreg:$0x2] =	wrdreg s4  }
0xb3: {  	[dreg:$0x3] =	wrdreg s5  }
0xb4: {  	[dreg:$0x4] =	wrdreg s18  }
0xb5: {  	[dreg:$0x5] =	wrdreg s24  }
0xb6: {  	[dreg:$0x6] =	wrdreg s2  }
0xb7: {  	[dreg:$0x7] =	wrdreg s6  }
0xb8: {  	[dreg:$0x8] =	wrdreg $0x9  }
0xb9: {  	_ =	task.clear_ibuf [dreg:s11], $0x9FFFF;
	_ =	strace $0x90000046  }
0xba: {  	s29 =	simm.s32 $0x9;
	_ =	strace $0x80000048  }
0xbb: {  	_ =	swait.ge [sflag:s29], $0x1  }
0xbc: {  	[sflag:s29] =	ssyncadd.s32 $0xFFFFFFFF  }
0xbd: {  	_ =	strace $0x90000048  }
0xbe: {  	_ =	sfence  }
0xbf: {  	s30 =	sld [smem:$0x0];
	_ =	sdelay $0x2  }
0xc0: {  	s31 =	sshll.u32 s1, $0xD;
	s1 =	sshrl.u32 s1, $0x2  }
0xc1: {  	s3 =	sand.u32 $0x4000, s31;
	s1 =	sadd.s32 s1, s30  }
0xc2: {  	s0 =	sor.u32 s3, s0;
	s1 =	sshll.u32 s1, $0x11  }
0xc3: {  	s0 =	sor.u32 s1, s0  }
0xc4: {  	s0 =	sadd.s32 $0x8F2B, s0  }
0xc5: {  	[sflag:s0] =	ssyncadd.remote.s32 $0x1  }
0xc6: {  	_ =	sfence.sel $0xFFFF  }
0xc7: {  	[dreg:$0x0] =	wrdreg $0xFFFFFFFF;
	(pc) =	sbr.abs _section_cstart, $3  }
0xc8: {  	[dreg:$0x1] =	wrdreg $0xFFFFFFFF  }
0xc9: {  	_ =	task.clear_ibuf [dreg:s11], $0x2FFFF;
	_ =	strace $0x9FFFFFFF  }
0xca: {  	(tm) =	ssettm $0x7FFFFFFF  }
0xcb: {  	_ =	shalt  }
tec
execute0_lowered:
.L_overlay_start_1:
0x0: {  	(tag) =	ssettag $0x1  }
0x1: {  	s0 =	rddreg [dreg:$0x0]  }
0x2: {  	s7 =	rddreg [dreg:$0x1]  }
0x3: {  	s10 =	rddreg [dreg:$0x2]  }
0x4: {  	s8 =	rddreg [dreg:$0x3]  }
0x5: {  	s3 =	rddreg [dreg:$0x4]  }
0x6: {  	s2 =	srdreg.scid;
	s1 =	stileid.u32  }
0x7: {  	s4 =	rddreg [dreg:$0x5];
	s14 =	simm.s32 $0x1;
	s15 =	simm.s32 $0x400  }
0x8: {  	s16 =	simm.s32 $0x1400;
	s17 =	simm.s32 $0x2;
	s18 =	simm.s32 $0x100  }
0x9: {  	s19 =	simm.s32 $0x180;
	s20 =	simm.s32 $0x200;
	s21 =	simm.s32 $0x3  }
0xa: {  	s23 =	simm.s32 $0x0;
	s11 =	sand.u32 $0x1, s2;
	s5 =	sshll.u32 s1, $0x1  }
0xb: {  	s2 =	rddreg [dreg:$0x6];
	s6 =	sshrl.u32 s1, $0x2;
	s31 =	sshll.u32 s1, $0xE  }
0xc: {  	s22 =	sor.u32 s11, s5;
	s5 =	simm.s32 $0x0;
	s9 =	smul.u32 $0xC00, s6  }
0xd: {  	s6 =	sadd.s32 $0x1000, s8;
	s29 =	ssub.s32 $0x2, s11;
	s11 =	sshll.u32 s11, $0xD  }
0xe: {  	s28 =	sshll.u32 s22, $0x7;
	[smem:$0x7FF] =	sst s5;
	s13 =	sshll.u32 s22, $0x5  }
0xf: {  	s30 =	sshrl.u32 s29, $0x1;
	p0 =	sne.s32 s22, $0x0;
	s22 =	simm.s32 $0x1200  }
.Ltmp0:
0x10: {  	s12 =	sand.u32 $0x380, s28;
	_ =	strace $0x80000047;
	(pc) =	sbr.rel .LBB2_1-.Ltmp0, $4  }
0x11: {  	s7 =	sadd.s32 s7, s13;
	s13 =	sadd.s32 s31, s10;
	s9 =	sor.u32 s9, s12  }
0x12: {  	s12 =	ssub.s32 s29, s30;
	s11 =	sadd.s32 s11, s13;
	s9 =	sshrl.u32 s9, $0x3  }
0x13: {  	s13 =	simm.s32 $0x80;
	s10 =	smax.u32 s12, $0x1;
	s9 =	sadd.s32 s9, s8  }
0x14: {  	v5 =	vimm.f32 $0.0e+00;
	s12 =	simm.s32 $0x1380;
	s8 =	sadd.s32 $0x10, s7;
	s9 =	sadd.s32 $0x1200, s9  }
.LBB2_5:
0x15: {  	[hbm4b:s9+s13] =	stream.strided.scatter [tilespmem:s22], [sflag:$0x3], $0x180, s15, s13, $0x38;
	[tilespmem:$0x1500] =	vst v63  }
0x16: {  	_ =	swait.ge [sflag:s21], $0x180  }
0x17: {  	[sflag:s21] =	ssyncset.done $0x0  }
0x18: {  	[sflag:s21] =	ssyncadd.s32 $0xFFFFFE80  }
0x19: {  	_ =	swait.ge [sflag:s14], $0x100  }
0x1a: {  	s24 =	simm.s32 @!p0 $0x0;
	s23 =	sadd.s32 $0x1, s23;
	[sflag:s14] =	ssyncset.done $0x0  }
0x1b: {  	s25 =	simm.s32 @!p0 $0x1400;
	p1 =	sne.s32 s23, s10;
	[sflag:s14] =	ssyncadd.s32 $0xFFFFFF00  }
0x1c: {  	[hbm4b:s4+s24] =	stream.linear.scatter @!p0 [tilespmem:s25], [sflag:$0x3], $0x100, $0x38;
	[tilespmem:$0x1500] =	vst v63  }
.Ltmp1:
0x1d: {  	_ = 	snop;
	(pc) =	sbr.rel @!p1 .LBB2_6-.Ltmp1, $4  }
0x1e: {  	s24 =	simm.s32 @!p0 $0x3  }
0x1f: {  	_ =	swait.ge @!p0 [sflag:s24], $0x100  }
0x20: {  	[sflag:s24] =	ssyncset.done @!p0 $0x0  }
0x21: {  	[sflag:s24] =	ssyncadd.s32 @!p0 $0xFFFFFF00  }
.LBB2_1:
0x22: {  	[tilespmem:s12], [sflag:$0x1] =	stream.linear.gather [hbm4b:s6+s5], $0x80, $0x38;
	[tilespmem:$0x1500] =	vst v63  }
0x23: {  	_ = 	snop  }
0x24: {  	[tilespmem:s5], [sflag:$0x2] =	stream.linear.gather [hbm4b:s7+s5], $0x80, $0x38;
	[tilespmem:$0x1500] =	vst v63  }
0x25: {  	_ = 	snop  }
0x26: {  	[tilespmem:s13], [sflag:$0x2] =	stream.linear.gather [hbm4b:s8+s5], $0x80, $0x38;
	[tilespmem:$0x1500] =	vst v63  }
0x27: {  	_ =	swait.ge [sflag:s14], $0x80  }
0x28: {  	[sflag:s14] =	ssyncset.done $0x0  }
0x29: {  	[sflag:s14] =	ssyncadd.s32 $0xFFFFFF80  }
0x2a: {  	v6 =	vld [tilespmem:$0x1380];
	_ =	sdelay $0x4  }
0x2b: {  	(v2sf) =	vpush v6, $0x0;
	_ =	sdelay $0xe  }
0x2c: {  	s24 =	spop (v2sf)  }
0x2d: {  	s25 =	sshll.u32 s24, $0x8;
	s24 =	sshll.u32 s24, $0x7  }
0x2e: {  	s25 =	sand.u32 $0xFFFFF800, s25;
	s24 =	sand.u32 $0x380, s24  }
0x2f: {  	s24 =	sor.u32 s24, s25  }
0x30: {  	s24 =	sshrl.u32 s24, $0x3  }
0x31: {  	s24 =	sadd.s32 s3, s24  }
0x32: {  	[tilespmem:s16], [sflag:$0x1] =	stream.strided.gather [hbm4b:s24+s13], $0x100, s15, s13, $0x38;
	[tilespmem:$0x1500] =	vst v63  }
0x33: {  	_ =	swait.ge [sflag:s17], $0x80  }
0x34: {  	[sflag:s17] =	ssyncset.done $0x0  }
0x35: {  	[sflag:s17] =	ssyncadd.s32 $0xFFFFFF80  }
0x36: {  	_ =	swait.ge [sflag:s17], $0x80  }
0x37: {  	[sflag:s17] =	ssyncset.done $0x0  }
0x38: {  	[sflag:s17] =	ssyncadd.s32 $0xFFFFFF80  }
0x39: {  	[tilespmem:s18], [sflag:$0x2] =	stream.indirect.gather [hbm4b:s0+s13], $0x1, s5, s13, $0xb8;
	[tilespmem:$0x1500] =	vst v63  }
0x3a: {  	_ = 	snop  }
0x3b: {  	[tilespmem:s19], [sflag:$0x2] =	stream.indirect.gather [hbm4b:s0+s13], $0x1, s13, s13, $0xb8;
	[tilespmem:$0x1500] =	vst v63  }
0x3c: {  	_ =	swait.ge [sflag:s17], $0x80  }
0x3d: {  	[sflag:s17] =	ssyncset.done $0x0  }
0x3e: {  	[sflag:s17] =	ssyncadd.s32 $0xFFFFFF80  }
0x3f: {  	_ =	swait.ge [sflag:s17], $0x80  }
0x40: {  	[sflag:s17] =	ssyncset.done $0x0  }
0x41: {  	[sflag:s17] =	ssyncadd.s32 $0xFFFFFF80  }
0x42: {  	v0 =	vld [tilespmem:$0x100]  }
0x43: {  	v1 =	vld [tilespmem:$0x110];
	_ =	sdelay $0x1  }
0x44: {  	v2 =	vld [tilespmem:$0x120];
	_ =	sdelay $0x1  }
0x45: {  	v3 =	vld [tilespmem:$0x130]  }
0x46: {  	vm0 =	veq.s32 v0, v6;
	vm1 =	veq.s32 v1, v6  }
0x47: {  	v4 =	vld [tilespmem:$0x140];
	v0 =	vsel vm0, $0x3F800000, v5;
	v1 =	vsel vm1, $0x3F800000, v5  }
0x48: {  	vm14 =	veq.s32 v2, v6;
	v0 =	vadd.f32 v1, v0  }
0x49: {  	v47 =	vld [tilespmem:$0x150];
	v46 =	vsel vm14, $0x3F800000, v5  }
0x4a: {  	vm15 =	veq.s32 v3, v6;
	v0 =	vadd.f32 v46, v0  }
0x4b: {  	v3 =	vld [tilespmem:$0x160];
	v48 =	vsel vm15, $0x3F800000, v5  }
0x4c: {  	vm4 =	veq.s32 v4, v6;
	v0 =	vadd.f32 v48, v0  }
0x4d: {  	v4 =	vld [tilespmem:$0x170];
	v49 =	vsel vm4, $0x3F800000, v5  }
0x4e: {  	vm5 =	veq.s32 v47, v6;
	v0 =	vadd.f32 v49, v0  }
0x4f: {  	v51 =	vld [tilespmem:$0x180];
	v50 =	vsel vm5, $0x3F800000, v5  }
0x50: {  	vm6 =	veq.s32 v3, v6;
	v0 =	vadd.f32 v50, v0  }
0x51: {  	v3 =	vld [tilespmem:$0x190];
	v52 =	vsel vm6, $0x3F800000, v5  }
0x52: {  	vm7 =	veq.s32 v4, v6;
	v0 =	vadd.f32 v52, v0  }
0x53: {  	v4 =	vld [tilespmem:$0x1A0];
	v53 =	vsel vm7, $0x3F800000, v5  }
0x54: {  	vm8 =	veq.s32 v51, v6;
	v0 =	vadd.f32 v53, v0  }
0x55: {  	v55 =	vld [tilespmem:$0x1B0];
	v54 =	vsel vm8, $0x3F800000, v5  }
0x56: {  	vm9 =	veq.s32 v3, v6;
	v0 =	vadd.f32 v54, v0  }
0x57: {  	v3 =	vld [tilespmem:$0x1C0];
	v56 =	vsel vm9, $0x3F800000, v5  }
0x58: {  	vm10 =	veq.s32 v4, v6;
	v0 =	vadd.f32 v56, v0  }
0x59: {  	v4 =	vld [tilespmem:$0x1D0];
	v57 =	vsel vm10, $0x3F800000, v5  }
0x5a: {  	vm11 =	veq.s32 v55, v6;
	v0 =	vadd.f32 v57, v0  }
0x5b: {  	v59 =	vld [tilespmem:$0x1E0];
	v58 =	vsel vm11, $0x3F800000, v5  }
0x5c: {  	vm12 =	veq.s32 v3, v6;
	v0 =	vadd.f32 v58, v0  }
0x5d: {  	v3 =	vld [tilespmem:$0x1F0];
	v60 =	vsel vm12, $0x3F800000, v5  }
0x5e: {  	vm13 =	veq.s32 v4, v6;
	v0 =	vadd.f32 v60, v0  }
0x5f: {  	v61 =	vsel vm13, $0x3F800000, v5  }
0x60: {  	vm14 =	veq.s32 v59, v6;
	v0 =	vadd.f32 v61, v0  }
0x61: {  	v62 =	vsel vm14, $0x3F800000, v5  }
0x62: {  	vm15 =	veq.s32 v3, v6;
	v0 =	vadd.f32 v62, v0  }
0x63: {  	v63 =	vsel vm15, $0x3F800000, v5  }
0x64: {  	v0 =	vadd.f32 v63, v0;
	_ =	sdelay $0x1  }
0x65: {  	(v2sf) =	vpush v0, $0x0  }
0x66: {  	(v2sf) =	vpush v0, $0x1;
	_ =	sdelay $0x1  }
0x67: {  	(v2sf) =	vpush v0, $0x2;
	_ =	sdelay $0x1  }
0x68: {  	(v2sf) =	vpush v0, $0x3;
	_ =	sdelay $0x1  }
0x69: {  	(v2sf) =	vpush v0, $0x4;
	_ =	sdelay $0x1  }
0x6a: {  	(v2sf) =	vpush v0, $0x5;
	_ =	sdelay $0x1  }
0x6b: {  	(v2sf) =	vpush v0, $0x6;
	_ =	sdelay $0x1  }
0x6c: {  	(v2sf) =	vpush v0, $0x7;
	_ =	sdelay $0x1  }
0x6d: {  	s25 =	spop (v2sf);
	(v2sf) =	vpush v0, $0x8  }
0x6e: {  	s26 =	spop (v2sf)  }
0x6f: {  	(v2sf) =	vpush v0, $0x9;
	s24 =	sadd.f32 s26, s25  }
0x70: {  	s28 =	spop (v2sf)  }
0x71: {  	(v2sf) =	vpush v0, $0xA;
	s24 =	sadd.f32 s24, s28  }
0x72: {  	s29 =	spop (v2sf)  }
0x73: {  	(v2sf) =	vpush v0, $0xB;
	s24 =	sadd.f32 s24, s29  }
0x74: {  	s30 =	spop (v2sf)  }
0x75: {  	(v2sf) =	vpush v0, $0xC;
	s24 =	sadd.f32 s24, s30  }
0x76: {  	s31 =	spop (v2sf)  }
0x77: {  	(v2sf) =	vpush v0, $0xD;
	s24 =	sadd.f32 s24, s31  }
0x78: {  	s26 =	spop (v2sf)  }
0x79: {  	(v2sf) =	vpush v0, $0xE;
	s24 =	sadd.f32 s24, s26  }
0x7a: {  	s28 =	spop (v2sf)  }
0x7b: {  	(v2sf) =	vpush v0, $0xF;
	s24 =	sadd.f32 s24, s28  }
0x7c: {  	s29 =	spop (v2sf)  }
0x7d: {  	s24 =	sadd.f32 s24, s29  }
0x7e: {  	s30 =	spop (v2sf)  }
0x7f: {  	s24 =	sadd.f32 s24, s30  }
0x80: {  	s31 =	spop (v2sf)  }
0x81: {  	[tilespmem:$0x1FFF0] =	vst v6;
	s24 =	sadd.f32 s24, s31  }
0x82: {  	[tilespmem:$0x1200] =	vst v5;
	s26 =	spop (v2sf)  }
0x83: {  	[tilespmem:$0x1210] =	vst v5;
	s24 =	sadd.f32 s24, s26  }
0x84: {  	[tilespmem:$0x1220] =	vst v5;
	s28 =	spop (v2sf)  }
0x85: {  	[tilespmem:$0x1230] =	vst v5;
	s24 =	sadd.f32 s24, s28  }
0x86: {  	[tilespmem:$0x1240] =	vst v5;
	s29 =	spop (v2sf)  }
0x87: {  	[tilespmem:$0x1250] =	vst v5;
	s24 =	sadd.f32 s24, s29  }
0x88: {  	[tilespmem:$0x1260] =	vst v5;
	s30 =	spop (v2sf)  }
0x89: {  	[tilespmem:$0x1270] =	vst v5;
	s24 =	sadd.f32 s24, s30  }
0x8a: {  	[tilespmem:$0x1280] =	vst v5;
	s31 =	spop (v2sf)  }
0x8b: {  	[tilespmem:$0x1290] =	vst v5;
	s24 =	sadd.f32 s24, s31  }
0x8c: {  	[tilespmem:$0x12A0] =	vst v5  }
0x8d: {  	[tilespmem:$0x12B0] =	vst v5;
	p1 =	sgt.f32 s24, $0.0e+00  }
.Ltmp2:
0x8e: {  	[tilespmem:$0x12C0] =	vst v5;
	(pc) =	sbr.rel @!p1 .LBB2_5-.Ltmp2, $4  }
.Ltmp3:
0x8f: {  	[tilespmem:$0x12D0] =	vst v5;
	(pc) =	sbr.rel @p1 .LBB2_2-.Ltmp3, $4  }
0x90: {  	[tilespmem:$0x12E0] =	vst v5  }
0x91: {  	[tilespmem:$0x12F0] =	vst v5  }
0x92: {  	[tilespmem:$0x1300] =	vst v0;
	s25 =	simm.s32 $0x0;
	s24 =	smov.u32 s11  }
0x93: {  	_ = 	snop  }
.LBB2_4:
0x94: {  	s25 =	sadd.s32 $0x40, s25  }
0x95: {  	p1 =	sne.s32 s25, $0x400  }
.Ltmp4:
0x96: {  	_ = 	snop;
	(pc) =	sbr.rel @!p1 .LBB2_5-.Ltmp4, $2  }
0x97: {  	_ =	sdelay $0x2  }
0x98: {  	s24 =	sadd.s32 $0x200, s24  }
.LBB2_2:
0x99: {  	s26 =	sshra.s32 s25, $0x2  }
0x9a: {  	v0 =	vld [tilespmem:s26+$0x100];
	_ =	sdelay $0x4  }
0x9b: {  	vm0 =	veq.s32 v0, v6  }
0x9c: {  	v17 =	vsel vm0, $0x3F800000, v5  }
0x9d: {  	(v2sf) =	vpush v17, $0x0  }
0x9e: {  	(v2sf) =	vpush v17, $0x1;
	_ =	sdelay $0x1  }
0x9f: {  	(v2sf) =	vpush v17, $0x2;
	_ =	sdelay $0x1  }
0xa0: {  	(v2sf) =	vpush v17, $0x3;
	_ =	sdelay $0x1  }
0xa1: {  	(v2sf) =	vpush v17, $0x4;
	_ =	sdelay $0x1  }
0xa2: {  	(v2sf) =	vpush v17, $0x5;
	_ =	sdelay $0x1  }
0xa3: {  	(v2sf) =	vpush v17, $0x6;
	_ =	sdelay $0x1  }
0xa4: {  	(v2sf) =	vpush v17, $0x7;
	_ =	sdelay $0x1  }
0xa5: {  	s29 =	spop (v2sf);
	(v2sf) =	vpush v17, $0x8  }
0xa6: {  	s28 =	spop (v2sf)  }
0xa7: {  	(v2sf) =	vpush v17, $0x9;
	s26 =	sadd.f32 s28, s29  }
0xa8: {  	s30 =	spop (v2sf)  }
0xa9: {  	(v2sf) =	vpush v17, $0xA;
	s26 =	sadd.f32 s26, s30  }
0xaa: {  	s31 =	spop (v2sf)  }
0xab: {  	(v2sf) =	vpush v17, $0xB;
	s26 =	sadd.f32 s26, s31  }
0xac: {  	s29 =	spop (v2sf)  }
0xad: {  	(v2sf) =	vpush v17, $0xC;
	s26 =	sadd.f32 s26, s29  }
0xae: {  	s30 =	spop (v2sf)  }
0xaf: {  	(v2sf) =	vpush v17, $0xD;
	s26 =	sadd.f32 s26, s30  }
0xb0: {  	s31 =	spop (v2sf)  }
0xb1: {  	(v2sf) =	vpush v17, $0xE;
	s26 =	sadd.f32 s26, s31  }
0xb2: {  	s29 =	spop (v2sf)  }
0xb3: {  	(v2sf) =	vpush v17, $0xF;
	s26 =	sadd.f32 s26, s29  }
0xb4: {  	s30 =	spop (v2sf)  }
0xb5: {  	s26 =	sadd.f32 s26, s30  }
0xb6: {  	s31 =	spop (v2sf)  }
0xb7: {  	s26 =	sadd.f32 s26, s31  }
0xb8: {  	s29 =	spop (v2sf)  }
0xb9: {  	s26 =	sadd.f32 s26, s29  }
0xba: {  	s30 =	spop (v2sf)  }
0xbb: {  	s26 =	sadd.f32 s26, s30  }
0xbc: {  	s31 =	spop (v2sf)  }
0xbd: {  	s26 =	sadd.f32 s26, s31  }
0xbe: {  	s29 =	spop (v2sf)  }
0xbf: {  	s26 =	sadd.f32 s26, s29  }
0xc0: {  	s30 =	spop (v2sf)  }
0xc1: {  	s26 =	sadd.f32 s26, s30  }
0xc2: {  	s31 =	spop (v2sf)  }
0xc3: {  	s26 =	sadd.f32 s26, s31;
	_ =	sdelay $0x1  }
0xc4: {  	p1 =	sgt.f32 s26, $0.0e+00  }
.Ltmp5:
0xc5: {  	_ = 	snop;
	(pc) =	sbr.rel @!p1 .LBB2_4-.Ltmp5, $1  }
0xc6: {  	_ =	sdelay $0x3  }
0xc7: {  	[tilespmem:s20], [sflag:$0x3] =	stream.linear.gather [hbm4b:s24+s5], $0x1000, $0x38;
	[tilespmem:$0x1500] =	vst v63  }
0xc8: {  	_ =	swait.ge [sflag:s21], $0x1000  }
0xc9: {  	[sflag:s21] =	ssyncset.done $0x0  }
0xca: {  	[sflag:s21] =	ssyncadd.s32 $0xFFFFF000  }
0xcb: {  	v7 =	vld [tilespmem:$0x1200]  }
0xcc: {  	v8 =	vld [tilespmem:$0x200]  }
0xcd: {  	v9 =	vld [tilespmem:$0x280]  }
0xce: {  	v11 =	vld [tilespmem:$0x300]  }
0xcf: {  	v3 =	vld [tilespmem:$0x380]  }
0xd0: {  	v5 =	vld [tilespmem:$0x400]  }
0xd1: {  	v10 =	vld [tilespmem:$0x480]  }
0xd2: {  	v18 =	vld [tilespmem:$0x500]  }
0xd3: {  	v20 =	vld [tilespmem:$0x580]  }
0xd4: {  	v22 =	vld [tilespmem:$0xA00]  }
0xd5: {  	v28 =	vld [tilespmem:$0xA80]  }
0xd6: {  	v31 =	vld [tilespmem:$0xB00]  }
0xd7: {  	v33 =	vld [tilespmem:$0xB80]  }
0xd8: {  	v40 =	vld [tilespmem:$0xC00]  }
0xd9: {  	v48 =	vld [tilespmem:$0xC80]  }
0xda: {  	v0 =	vld [tilespmem:$0xD00]  }
0xdb: {  	v37 =	vld [tilespmem:$0xD80]  }
0xdc: {  	v2 =	vld [tilespmem:$0x1210]  }
0xdd: {  	v24 =	vld [tilespmem:$0xDB0]  }
0xde: {  	v1 =	vld [tilespmem:$0x290]  }
0xdf: {  	v4 =	vld [tilespmem:$0x310]  }
0xe0: {  	v6 =	vld [tilespmem:$0x390]  }
0xe1: {  	v16 =	vld [tilespmem:$0x410]  }
0xe2: {  	[tilespmem:$0x1FC90] =	vst v24;
	v24 =	vld [tilespmem:$0x540]  }
0xe3: {  	v19 =	vld [tilespmem:$0x490]  }
0xe4: {  	v21 =	vld [tilespmem:$0x510]  }
0xe5: {  	v23 =	vld [tilespmem:$0x590]  }
0xe6: {  	v29 =	vld [tilespmem:$0xA10]  }
0xe7: {  	[tilespmem:$0x1FBF0] =	vst v24;
	v24 =	vld [tilespmem:$0xBC0]  }
0xe8: {  	v35 =	vld [tilespmem:$0xA90]  }
0xe9: {  	v39 =	vld [tilespmem:$0xB10]  }
0xea: {  	v43 =	vld [tilespmem:$0xB90]  }
0xeb: {  	v47 =	vld [tilespmem:$0xC10]  }
0xec: {  	[tilespmem:$0x1FCD0] =	vst v24;
	v24 =	vld [tilespmem:$0x3D0]  }
0xed: {  	v60 =	vld [tilespmem:$0xC90]  }
0xee: {  	v12 =	vld [tilespmem:$0xD10]  }
0xef: {  	v38 =	vld [tilespmem:$0xD90]  }
0xf0: {  	v32 =	vld [tilespmem:$0x1220]  }
0xf1: {  	[tilespmem:$0x1FBA0] =	vst v24;
	v24 =	vld [tilespmem:$0x450]  }
0xf2: {  	v30 =	vld [tilespmem:$0x2A0]  }
0xf3: {  	v36 =	vld [tilespmem:$0x320]  }
0xf4: {  	v44 =	vld [tilespmem:$0x3A0]  }
0xf5: {  	v42 =	vld [tilespmem:$0x420]  }
0xf6: {  	[tilespmem:$0x1FBE0] =	vst v24;
	v24 =	vld [tilespmem:$0x4D0]  }
0xf7: {  	v49 =	vld [tilespmem:$0x4A0]  }
0xf8: {  	v54 =	vld [tilespmem:$0x520]  }
0xf9: {  	v51 =	vld [tilespmem:$0x5A0]  }
0xfa: {  	v56 =	vld [tilespmem:$0xA20]  }
0xfb: {  	[tilespmem:$0x1FC00] =	vst v24;
	v24 =	vld [tilespmem:$0x550]  }
0xfc: {  	v41 =	vld [tilespmem:$0xAA0]  }
0xfd: {  	v45 =	vld [tilespmem:$0xB20]  }
0xfe: {  	v46 =	vld [tilespmem:$0xBA0]  }
0xff: {  	v15 =	vbroadcast v17, $0x0;
	v50 =	vld [tilespmem:$0xC20]  }
0x100: {  	[tilespmem:$0x1FC40] =	vst v24;
	v24 =	vld [tilespmem:$0x5D0]  }
0x101: {  	v14 =	vbroadcast v17, $0x1;
	v52 =	vld [tilespmem:$0xCA0];
	v8 =	vmul.f32 v8, v15  }
0x102: {  	v53 =	vld [tilespmem:$0xD20]  }
0x103: {  	v13 =	vbroadcast v17, $0x2;
	v55 =	vld [tilespmem:$0xDA0];
	v7 =	vadd.f32 v8, v7;
	v8 =	vmul.f32 v9, v14  }
0x104: {  	[tilespmem:$0x1FAD0] =	vst v12;
	v12 =	vld [tilespmem:$0xC50]  }
0x105: {  	v7 =	vadd.f32 v8, v7;
	v8 =	vmul.f32 v11, v13;
	[tilespmem:$0x1FC60] =	vst v24;
	v24 =	vld [tilespmem:$0xA50]  }
0x106: {  	v27 =	vld [tilespmem:$0x1230]  }
0x107: {  	v7 =	vadd.f32 v8, v7;
	v8 =	vld [tilespmem:$0xDD0]  }
0x108: {  	v26 =	vld [tilespmem:$0x230];
	[tilespmem:$0x1FAC0] =	vst v0  }
0x109: {  	v0 =	vld [tilespmem:$0x210];
	[tilespmem:$0x1FD80] =	vst v12  }
0x10a: {  	v12 =	vbroadcast v17, $0x3;
	[tilespmem:$0x1FCA0] =	vst v24;
	v24 =	vld [tilespmem:$0xAD0]  }
0x10b: {  	v25 =	vld [tilespmem:$0x2B0]  }
0x10c: {  	v3 =	vmul.f32 v3, v12;
	[tilespmem:$0x1FE40] =	vst v8;
	v8 =	vld [tilespmem:$0x1260]  }
0x10d: {  	v34 =	vld [tilespmem:$0x330];
	v11 =	vbroadcast v17, $0x4  }
0x10e: {  	v0 =	vmul.f32 v0, v15;
	v3 =	vadd.f32 v3, v7;
	v7 =	vld [tilespmem:$0x260]  }
0x10f: {  	v9 =	vbroadcast v17, $0x5;
	v5 =	vmul.f32 v5, v11;
	[tilespmem:$0x1FCC0] =	vst v24;
	v24 =	vld [tilespmem:$0xB50]  }
0x110: {  	v59 =	vld [tilespmem:$0xAB0];
	v0 =	vadd.f32 v0, v2  }
0x111: {  	v57 =	vld [tilespmem:$0xB30];
	v2 =	vadd.f32 v5, v3;
	v3 =	vmul.f32 v10, v9;
	[tilespmem:$0x1FD00] =	vst v8;
	v8 =	vbroadcast v17, $0x6  }
0x112: {  	v5 =	vld [tilespmem:$0x360]  }
0x113: {  	v58 =	vld [tilespmem:$0xBB0];
	v2 =	vadd.f32 v3, v2;
	[tilespmem:$0x1FCE0] =	vst v7;
	v7 =	vbroadcast v17, $0x7;
	v3 =	vmul.f32 v18, v8  }
0x114: {  	v10 =	vmul.f32 v6, v12;
	[tilespmem:$0x1FCF0] =	vst v24;
	v24 =	vld [tilespmem:$0xBD0]  }
0x115: {  	v61 =	vld [tilespmem:$0xC30];
	v6 =	vbroadcast v17, $0x8;
	v2 =	vadd.f32 v3, v2;
	v3 =	vmul.f32 v20, v7  }
0x116: {  	v62 =	vld [tilespmem:$0xCB0]  }
0x117: {  	v63 =	vld [tilespmem:$0xD30];
	[tilespmem:$0x1FD30] =	vst v5;
	v5 =	vbroadcast v17, $0x9;
	v2 =	vadd.f32 v3, v2;
	v3 =	vmul.f32 v22, v6  }
0x118: {  	[tilespmem:$0x1FAF0] =	vst v37;
	v37 =	vld [tilespmem:$0x220]  }
0x119: {  	v2 =	vadd.f32 v3, v2;
	v3 =	vmul.f32 v28, v5;
	[tilespmem:$0x1FD40] =	vst v24;
	v24 =	vld [tilespmem:$0xCD0]  }
0x11a: {  	[tilespmem:$0x1FB00] =	vst v38;
	v38 =	vld [tilespmem:$0x3B0]  }
0x11b: {  	[tilespmem:$0x1FAE0] =	vst v41;
	v2 =	vadd.f32 v3, v2;
	v3 =	vld [tilespmem:$0xC60]  }
0x11c: {  	[tilespmem:$0x1FB10] =	vst v45;
	v41 =	vld [tilespmem:$0x430]  }
0x11d: {  	[tilespmem:$0x1FB30] =	vst v46;
	v45 =	vld [tilespmem:$0x4B0]  }
0x11e: {  	[tilespmem:$0x1FDC0] =	vst v24;
	v24 =	vld [tilespmem:$0xD50]  }
0x11f: {  	[tilespmem:$0x1FB60] =	vst v50;
	v46 =	vld [tilespmem:$0x530]  }
0x120: {  	[tilespmem:$0x1FE90] =	vst v3;
	v3 =	vld [tilespmem:$0xCE0]  }
0x121: {  	[tilespmem:$0x1FBB0] =	vst v52;
	v50 =	vld [tilespmem:$0x5B0]  }
0x122: {  	[tilespmem:$0x1FC10] =	vst v53;
	v53 =	vld [tilespmem:$0xA30]  }
0x123: {  	[tilespmem:$0x1FE00] =	vst v24;
	v24 =	vld [tilespmem:$0x2E0]  }
0x124: {  	[tilespmem:$0x1FBD0] =	vst v62;
	v62 =	vld [tilespmem:$0x1240]  }
0x125: {  	[tilespmem:$0x1FEB0] =	vst v3;
	v3 =	vld [tilespmem:$0xA70]  }
0x126: {  	[tilespmem:$0x1FC70] =	vst v55;
	v55 =	vld [tilespmem:$0x240];
	v1 =	vmul.f32 v1, v14  }
0x127: {  	[tilespmem:$0x1FB80] =	vst v61;
	v61 =	vld [tilespmem:$0x2C0]  }
0x128: {  	v52 =	vld [tilespmem:$0x340];
	v0 =	vadd.f32 v1, v0;
	[tilespmem:$0x1FD10] =	vst v24;
	v24 =	vmul.f32 v4, v13  }
0x129: {  	[tilespmem:$0x1FB40] =	vst v58;
	v58 =	vld [tilespmem:$0x440]  }
0x12a: {  	[tilespmem:$0x1FE10] =	vst v3;
	v3 =	vld [tilespmem:$0xAF0];
	v0 =	vadd.f32 v24, v0  }
0x12b: {  	[tilespmem:$0x1FB20] =	vst v57;
	v57 =	vld [tilespmem:$0x3C0]  }
0x12c: {  	[tilespmem:$0x1FC30] =	vst v63;
	v63 =	vld [tilespmem:$0x4C0];
	v18 =	vmul.f32 v16, v11;
	v0 =	vadd.f32 v10, v0  }
0x12d: {  	[tilespmem:$0x1FB50] =	vst v52;
	v52 =	vld [tilespmem:$0x5C0]  }
0x12e: {  	v19 =	vmul.f32 v19, v9;
	[tilespmem:$0x1FB90] =	vst v58;
	v58 =	vld [tilespmem:$0xAC0];
	v0 =	vadd.f32 v18, v0  }
0x12f: {  	[tilespmem:$0x1FE30] =	vst v3;
	v3 =	vld [tilespmem:$0xB70];
	v24 =	vbroadcast v17, $0xA  }
0x130: {  	[tilespmem:$0x1FB70] =	vst v57;
	v57 =	vld [tilespmem:$0xA40];
	v1 =	vmul.f32 v29, v6;
	v20 =	vmul.f32 v21, v8;
	v0 =	vadd.f32 v19, v0  }
0x131: {  	[tilespmem:$0x1FBC0] =	vst v63;
	v29 =	vld [tilespmem:$0xDE0];
	v21 =	vmul.f32 v31, v24;
	v31 =	vbroadcast v17, $0xB  }
0x132: {  	v63 =	vld [tilespmem:$0xB40];
	[tilespmem:$0x1FC20] =	vst v52;
	v22 =	vmul.f32 v23, v7;
	v0 =	vadd.f32 v20, v0  }
0x133: {  	[tilespmem:$0x1FC80] =	vst v58;
	v58 =	vld [tilespmem:$0xD40];
	v10 =	vadd.f32 v21, v2;
	v23 =	vmul.f32 v33, v31;
	v33 =	vbroadcast v17, $0xC  }
0x134: {  	[tilespmem:$0x1FE60] =	vst v3;
	v3 =	vld [tilespmem:$0xBF0];
	v0 =	vadd.f32 v22, v0  }
0x135: {  	[tilespmem:$0x1FC50] =	vst v57;
	v52 =	vld [tilespmem:$0xC40];
	v10 =	vadd.f32 v23, v10;
	v40 =	vmul.f32 v40, v33  }
0x136: {  	v57 =	vld [tilespmem:$0xCC0];
	[tilespmem:$0x1FF00] =	vst v29;
	v29 =	vmul.f32 v35, v5;
	v0 =	vadd.f32 v1, v0  }
0x137: {  	[tilespmem:$0x1FCB0] =	vst v63;
	v63 =	vld [tilespmem:$0xDC0];
	v16 =	vadd.f32 v40, v10  }
0x138: {  	[tilespmem:$0x1FDA0] =	vst v58;
	v58 =	vld [tilespmem:$0x1250];
	v40 =	vmul.f32 v39, v24;
	v10 =	vbroadcast v17, $0xD;
	v0 =	vadd.f32 v29, v0  }
0x139: {  	[tilespmem:$0x1FE80] =	vst v3;
	v3 =	vld [tilespmem:$0x1FAC0]  }
0x13a: {  	v28 =	vld [tilespmem:$0xD60];
	v0 =	vadd.f32 v40, v0;
	v40 =	vmul.f32 v48, v10  }
0x13b: {  	[tilespmem:$0x1FD20] =	vst v52;
	v52 =	vld [tilespmem:$0x250]  }
0x13c: {  	[tilespmem:$0x1FD60] =	vst v57;
	v57 =	vld [tilespmem:$0x2D0];
	v20 =	vadd.f32 v40, v16;
	v16 =	vbroadcast v17, $0xE  }
0x13d: {  	[tilespmem:$0x1FDE0] =	vst v63;
	v63 =	vld [tilespmem:$0x350]  }
0x13e: {  	v39 =	vmul.f32 v47, v33;
	v47 =	vmul.f32 v3, v16;
	v3 =	vld [tilespmem:$0xC70]  }
0x13f: {  	[tilespmem:$0x1FED0] =	vst v28;
	v28 =	vmul.f32 v37, v15;
	v4 =	vld [tilespmem:$0x3E0]  }
0x140: {  	v37 =	vmul.f32 v30, v14;
	v30 =	vld [tilespmem:$0x1FB20]  }
0x141: {  	v35 =	vadd.f32 v28, v32;
	v28 =	vld [tilespmem:$0x370];
	v32 =	vmul.f32 v36, v13;
	v36 =	vmul.f32 v42, v11  }
0x142: {  	v42 =	vmul.f32 v54, v8;
	v54 =	vmul.f32 v46, v8;
	v46 =	vld [tilespmem:$0x1FAF0]  }
0x143: {  	[tilespmem:$0x1FEA0] =	vst v3;
	v3 =	vld [tilespmem:$0xCF0]  }
0x144: {  	[tilespmem:$0x1FD50] =	vst v4;
	v4 =	vld [tilespmem:$0x460]  }
0x145: {  	v21 =	vld [tilespmem:$0x2F0]  }
0x146: {  	v18 =	vadd.f32 v37, v35;
	v37 =	vld [tilespmem:$0x470]  }
0x147: {  	v2 =	vld [tilespmem:$0x570]  }
0x148: {  	[tilespmem:$0x1FEC0] =	vst v3;
	v3 =	vld [tilespmem:$0xD70]  }
0x149: {  	v23 =	vld [tilespmem:$0x270]  }
0x14a: {  	v18 =	vadd.f32 v32, v18;
	v32 =	vmul.f32 v43, v31;
	v43 =	vld [tilespmem:$0x5F0]  }
0x14b: {  	v26 =	vmul.f32 v26, v15;
	[tilespmem:$0x1FD70] =	vst v4;
	v4 =	vld [tilespmem:$0x4E0]  }
0x14c: {  	v19 =	vld [tilespmem:$0x710]  }
0x14d: {  	v25 =	vmul.f32 v25, v14;
	v35 =	vadd.f32 v26, v27;
	[tilespmem:$0x1FEF0] =	vst v3;
	v3 =	vld [tilespmem:$0xDF0]  }
0x14e: {  	v22 =	vld [tilespmem:$0x1270]  }
0x14f: {  	v34 =	vmul.f32 v34, v13;
	v1 =	vadd.f32 v25, v35;
	v25 =	vmul.f32 v59, v5;
	v59 =	vld [tilespmem:$0x1FB60]  }
0x150: {  	[tilespmem:$0x1FD90] =	vst v4;
	v4 =	vld [tilespmem:$0x560];
	v48 =	vmul.f32 v44, v12  }
0x151: {  	v38 =	vmul.f32 v38, v12;
	v1 =	vadd.f32 v34, v1;
	v29 =	vmul.f32 v55, v15;
	v55 =	vld [tilespmem:$0xE80]  }
0x152: {  	v35 =	vadd.f32 v48, v18;
	[tilespmem:$0x1FF10] =	vst v3;
	v3 =	vld [tilespmem:$0x1FAD0]  }
0x153: {  	v44 =	vld [tilespmem:$0x4F0];
	v1 =	vadd.f32 v38, v1  }
0x154: {  	v38 =	vmul.f32 v61, v14;
	v61 =	vld [tilespmem:$0x1FB70];
	v40 =	vmul.f32 v49, v9;
	v18 =	vadd.f32 v36, v35  }
0x155: {  	[tilespmem:$0x1FDB0] =	vst v4;
	v4 =	vld [tilespmem:$0x5E0]  }
0x156: {  	v41 =	vmul.f32 v41, v11;
	v48 =	vmul.f32 v45, v9;
	v45 =	vld [tilespmem:$0x1280];
	v18 =	vadd.f32 v40, v18  }
0x157: {  	v49 =	vmul.f32 v60, v10;
	v60 =	vmul.f32 v3, v16;
	v3 =	vld [tilespmem:$0x1FAE0]  }
0x158: {  	v51 =	vmul.f32 v51, v7;
	v1 =	vadd.f32 v41, v1;
	v36 =	vld [tilespmem:$0x680];
	v18 =	vadd.f32 v42, v18  }
0x159: {  	v0 =	vadd.f32 v32, v0;
	v35 =	vmul.f32 v53, v6;
	v53 =	vld [tilespmem:$0x1FB00]  }
0x15a: {  	v56 =	vmul.f32 v56, v6;
	v1 =	vadd.f32 v48, v1;
	v48 =	vld [tilespmem:$0x780];
	v18 =	vadd.f32 v51, v18  }
0x15b: {  	v0 =	vadd.f32 v39, v0;
	v39 =	vld [tilespmem:$0x1FB40]  }
0x15c: {  	v18 =	vadd.f32 v56, v18;
	v56 =	vld [tilespmem:$0x1FB10];
	v34 =	vmul.f32 v3, v5  }
0x15d: {  	v17 =	vbroadcast v17, $0xF;
	v20 =	vadd.f32 v47, v20;
	v0 =	vadd.f32 v49, v0;
	v40 =	vld [tilespmem:$0x700]  }
0x15e: {  	v32 =	vmul.f32 v50, v7;
	v1 =	vadd.f32 v54, v1;
	v18 =	vadd.f32 v34, v18;
	v34 =	vld [tilespmem:$0x1FB30]  }
0x15f: {  	v47 =	vmul.f32 v46, v17;
	v46 =	vld [tilespmem:$0x1FB50];
	v54 =	vmul.f32 v53, v17;
	v0 =	vadd.f32 v60, v0  }
0x160: {  	v49 =	vld [tilespmem:$0xE00];
	v1 =	vadd.f32 v32, v1;
	v42 =	vmul.f32 v52, v15  }
0x161: {  	[tilespmem:$0x1FDD0] =	vst v4;
	v4 =	vld [tilespmem:$0xA60];
	v60 =	vmul.f32 v56, v24;
	v0 =	vadd.f32 v54, v0  }
0x162: {  	v1 =	vadd.f32 v35, v1;
	v50 =	vadd.f32 v42, v58;
	v58 =	vmul.f32 v57, v14;
	v42 =	vld [tilespmem:$0x1FB90]  }
0x163: {  	v57 =	vld [tilespmem:$0x1FBB0];
	[tilespmem:$0x1FFA0] =	vst v0;
	v0 =	vadd.f32 v29, v62;
	v18 =	vadd.f32 v60, v18;
	v35 =	vmul.f32 v34, v31  }
0x164: {  	v27 =	vadd.f32 v47, v20;
	v56 =	vld [tilespmem:$0x1080]  }
0x165: {  	v47 =	vmul.f32 v46, v13;
	v0 =	vadd.f32 v38, v0;
	v18 =	vadd.f32 v35, v18;
	v35 =	vld [tilespmem:$0x1FB80]  }
0x166: {  	v32 =	vmul.f32 v30, v24;
	v41 =	vmul.f32 v39, v31;
	[tilespmem:$0x1FEE0] =	vst v49;
	v49 =	vld [tilespmem:$0x1FBA0];
	v1 =	vadd.f32 v25, v1  }
0x167: {  	v62 =	vmul.f32 v61, v12;
	v60 =	vmul.f32 v59, v33;
	v59 =	vld [tilespmem:$0x1FBC0];
	v0 =	vadd.f32 v47, v0  }
0x168: {  	v20 =	vadd.f32 v58, v50;
	v1 =	vadd.f32 v32, v1;
	v46 =	vmul.f32 v42, v11;
	v42 =	vld [tilespmem:$0x1FBF0]  }
0x169: {  	v58 =	vmul.f32 v57, v10;
	v0 =	vadd.f32 v62, v0;
	v62 =	vld [tilespmem:$0x1FBD0];
	v18 =	vadd.f32 v60, v18  }
0x16a: {  	v1 =	vadd.f32 v41, v1;
	[tilespmem:$0x1FF50] =	vst v56;
	v56 =	vld [tilespmem:$0x1FC00];
	v38 =	vmul.f32 v35, v33  }
0x16b: {  	v26 =	vadd.f32 v58, v18;
	v58 =	vld [tilespmem:$0x1FC10]  }
0x16c: {  	v0 =	vadd.f32 v46, v0;
	v60 =	vmul.f32 v59, v9;
	v1 =	vadd.f32 v38, v1;
	v38 =	vld [tilespmem:$0x1FBE0]  }
0x16d: {  	v39 =	vmul.f32 v63, v13;
	v47 =	vld [tilespmem:$0x1000]  }
0x16e: {  	v46 =	vmul.f32 v42, v8;
	v63 =	vmul.f32 v62, v10;
	v62 =	vld [tilespmem:$0x1FC30];
	v0 =	vadd.f32 v60, v0  }
0x16f: {  	v20 =	vadd.f32 v39, v20;
	v50 =	vmul.f32 v49, v12;
	v61 =	vld [tilespmem:$0x1100]  }
0x170: {  	v30 =	vadd.f32 v46, v0;
	v46 =	vld [tilespmem:$0x1FC40];
	v59 =	vmul.f32 v58, v16  }
0x171: {  	v20 =	vadd.f32 v50, v20;
	v60 =	vld [tilespmem:$0x1FC20];
	v39 =	vmul.f32 v38, v11  }
0x172: {  	[tilespmem:$0x1FF90] =	vst v27;
	v57 =	vmul.f32 v56, v9;
	v42 =	vadd.f32 v59, v26;
	v59 =	vld [tilespmem:$0x1FC60]  }
0x173: {  	v56 =	vld [tilespmem:$0x1FC50];
	[tilespmem:$0x1FF40] =	vst v47;
	v27 =	vadd.f32 v63, v1;
	v63 =	vmul.f32 v62, v16;
	v47 =	vadd.f32 v39, v20  }
0x174: {  	v52 =	vld [tilespmem:$0x980]  }
0x175: {  	v27 =	vadd.f32 v63, v27;
	v63 =	vld [tilespmem:$0x1FC80];
	v20 =	vadd.f32 v57, v47;
	v47 =	vmul.f32 v46, v8  }
0x176: {  	v53 =	vld [tilespmem:$0x900];
	[tilespmem:$0x1FF60] =	vst v61;
	v61 =	vmul.f32 v60, v7  }
0x177: {  	[tilespmem:$0x1FDF0] =	vst v4;
	v4 =	vld [tilespmem:$0xAE0];
	v60 =	vmul.f32 v59, v7;
	v58 =	vadd.f32 v47, v20  }
0x178: {  	v41 =	vld [tilespmem:$0xF80];
	v50 =	vadd.f32 v61, v30;
	v57 =	vmul.f32 v56, v6  }
0x179: {  	v39 =	vadd.f32 v60, v58;
	v58 =	vld [tilespmem:$0x1FCA0]  }
0x17a: {  	v34 =	vld [tilespmem:$0xF00];
	v26 =	vmul.f32 v63, v5;
	v30 =	vadd.f32 v57, v50  }
0x17b: {  	v61 =	vld [tilespmem:$0x1FC70]  }
0x17c: {  	v30 =	vadd.f32 v26, v30;
	v26 =	vld [tilespmem:$0x1FCB0]  }
0x17d: {  	v56 =	vld [tilespmem:$0x1FC90]  }
0x17e: {  	v59 =	vmul.f32 v58, v6;
	v58 =	vld [tilespmem:$0x1FCD0]  }
0x17f: {  	v47 =	vld [tilespmem:$0x1FCC0]  }
0x180: {  	[tilespmem:$0x1FF30] =	vst v41;
	v41 =	vld [tilespmem:$0x1180]  }
0x181: {  	[tilespmem:$0x1FF20] =	vst v34;
	v34 =	vmul.f32 v26, v24;
	v26 =	vld [tilespmem:$0x1FCF0]  }
0x182: {  	v51 =	vld [tilespmem:$0x800]  }
0x183: {  	[tilespmem:$0x1FE20] =	vst v4;
	v4 =	vld [tilespmem:$0xB60];
	v62 =	vmul.f32 v61, v17;
	v30 =	vadd.f32 v34, v30;
	v60 =	vmul.f32 v58, v31  }
0x184: {  	v61 =	vld [tilespmem:$0x1FCE0];
	v57 =	vmul.f32 v56, v17;
	v50 =	vmul.f32 v47, v5;
	v46 =	vadd.f32 v59, v39  }
0x185: {  	v30 =	vadd.f32 v60, v30;
	v60 =	vld [tilespmem:$0x1FD10]  }
0x186: {  	[tilespmem:$0x1FF70] =	vst v41;
	v41 =	vadd.f32 v57, v27;
	v27 =	vadd.f32 v50, v46;
	v50 =	vld [tilespmem:$0x1FD00];
	v34 =	vmul.f32 v26, v24  }
0x187: {  	v63 =	vadd.f32 v62, v42;
	v42 =	vld [tilespmem:$0x1FD40]  }
0x188: {  	[tilespmem:$0x1FE50] =	vst v4;
	v27 =	vadd.f32 v34, v27;
	v34 =	vld [tilespmem:$0x1FD30]  }
0x189: {  	v4 =	vld [tilespmem:$0xBE0];
	[tilespmem:$0x1FFB0] =	vst v63;
	v63 =	vmul.f32 v61, v15  }
0x18a: {  	v61 =	vmul.f32 v60, v14;
	v60 =	vld [tilespmem:$0x1FD50]  }
0x18b: {  	v23 =	vmul.f32 v23, v15;
	v25 =	vld [tilespmem:$0x1290];
	v57 =	vadd.f32 v63, v50  }
0x18c: {  	v47 =	vmul.f32 v42, v31;
	v42 =	vld [tilespmem:$0x1FD70]  }
0x18d: {  	v22 =	vadd.f32 v23, v22;
	v32 =	vld [tilespmem:$0x790];
	v38 =	vmul.f32 v34, v13;
	v23 =	vadd.f32 v61, v57  }
0x18e: {  	v21 =	vmul.f32 v21, v14;
	v49 =	vld [tilespmem:$0x610]  }
0x18f: {  	[tilespmem:$0x1FE70] =	vst v4;
	v4 =	vld [tilespmem:$0x3F0];
	v23 =	vadd.f32 v38, v23;
	v61 =	vmul.f32 v60, v12  }
0x190: {  	v21 =	vadd.f32 v21, v22;
	v54 =	vld [tilespmem:$0x880]  }
0x191: {  	v22 =	vadd.f32 v47, v27;
	v47 =	vmul.f32 v42, v11;
	v38 =	vld [tilespmem:$0x1FD80];
	v23 =	vadd.f32 v61, v23  }
0x192: {  	v3 =	vld [tilespmem:$0x600]  }
0x193: {  	v42 =	vadd.f32 v47, v23;
	v47 =	vld [tilespmem:$0x1FD90]  }
0x194: {  	v29 =	vld [tilespmem:$0x910]  }
0x195: {  	v28 =	vmul.f32 v28, v13;
	v18 =	vld [tilespmem:$0x690]  }
0x196: {  	v27 =	vmul.f32 v38, v33;
	v38 =	vld [tilespmem:$0x1FDB0]  }
0x197: {  	v21 =	vadd.f32 v28, v21;
	v35 =	vld [tilespmem:$0x890];
	v34 =	vmul.f32 v4, v12  }
0x198: {  	v20 =	vld [tilespmem:$0x810];
	v1 =	vmul.f32 v47, v9  }
0x199: {  	v63 =	vld [tilespmem:$0x1FD20];
	v21 =	vadd.f32 v34, v21;
	v60 =	vmul.f32 v37, v11  }
0x19a: {  	v39 =	vadd.f32 v1, v42;
	v42 =	vld [tilespmem:$0x1FDC0]  }
0x19b: {  	[tilespmem:$0x1FFC0] =	vst v41;
	v41 =	vld [tilespmem:$0x1FD60];
	v21 =	vadd.f32 v60, v21;
	v60 =	vmul.f32 v38, v8  }
0x19c: {  	v37 =	vld [tilespmem:$0x1FDA0]  }
0x19d: {  	v22 =	vadd.f32 v27, v22;
	v27 =	vmul.f32 v44, v9;
	v47 =	vadd.f32 v60, v39;
	v39 =	vld [tilespmem:$0x1FDD0]  }
0x19e: {  	v62 =	vld [tilespmem:$0x990];
	v26 =	vmul.f32 v63, v33  }
0x19f: {  	v21 =	vadd.f32 v27, v21;
	v27 =	vmul.f32 v42, v10;
	v42 =	vmul.f32 v43, v7;
	v43 =	vld [tilespmem:$0x1FDE0]  }
0x1a0: {  	v56 =	vld [tilespmem:$0xE90];
	v28 =	vmul.f32 v41, v10;
	v30 =	vadd.f32 v26, v30  }
0x1a1: {  	v59 =	vld [tilespmem:$0xE10]  }
0x1a2: {  	v46 =	vld [tilespmem:$0xF90];
	v61 =	vadd.f32 v28, v30;
	v44 =	vmul.f32 v37, v16;
	v0 =	vmul.f32 v39, v7  }
0x1a3: {  	v58 =	vld [tilespmem:$0xF10];
	v1 =	vmul.f32 v2, v8  }
0x1a4: {  	v41 =	vld [tilespmem:$0x620];
	v44 =	vadd.f32 v44, v61;
	v38 =	vadd.f32 v0, v47;
	v47 =	vmul.f32 v43, v17  }
0x1a5: {  	v50 =	vld [tilespmem:$0x1010];
	v1 =	vadd.f32 v1, v21  }
0x1a6: {  	v27 =	vadd.f32 v27, v22;
	v22 =	vld [tilespmem:$0x1FDF0];
	v4 =	vadd.f32 v47, v44  }
0x1a7: {  	v21 =	vadd.f32 v42, v1;
	v42 =	vld [tilespmem:$0x1FE00]  }
0x1a8: {  	[tilespmem:$0x1FFD0] =	vst v4;
	v4 =	vld [tilespmem:$0x1FE20]  }
0x1a9: {  	v57 =	vld [tilespmem:$0x1090]  }
0x1aa: {  	v43 =	vld [tilespmem:$0x1FE10]  }
0x1ab: {  	v63 =	vld [tilespmem:$0x1110];
	v0 =	vmul.f32 v22, v6  }
0x1ac: {  	v1 =	vmul.f32 v42, v16;
	v42 =	vld [tilespmem:$0x1FE30]  }
0x1ad: {  	v34 =	vld [tilespmem:$0x6A0];
	v0 =	vadd.f32 v0, v38;
	v47 =	vmul.f32 v4, v5  }
0x1ae: {  	v26 =	vld [tilespmem:$0x1190]  }
0x1af: {  	v2 =	vmul.f32 v43, v6;
	v4 =	vadd.f32 v47, v0;
	v47 =	vld [tilespmem:$0x1FE50]  }
0x1b0: {  	v30 =	vld [tilespmem:$0x7A0]  }
0x1b1: {  	v28 =	vld [tilespmem:$0x820];
	v21 =	vadd.f32 v2, v21;
	v2 =	vmul.f32 v42, v5  }
0x1b2: {  	v44 =	vld [tilespmem:$0x1FE40]  }
0x1b3: {  	v0 =	vmul.f32 v3, v15;
	v3 =	vadd.f32 v2, v21;
	v21 =	vld [tilespmem:$0x1FE60]  }
0x1b4: {  	[tilespmem:$0x1FF80] =	vst v26;
	v26 =	vld [tilespmem:$0x12A0];
	v27 =	vadd.f32 v1, v27;
	v1 =	vmul.f32 v47, v24  }
0x1b5: {  	v23 =	vld [tilespmem:$0x720]  }
0x1b6: {  	v1 =	vadd.f32 v1, v4;
	v4 =	vld [tilespmem:$0x1FE70]  }
0x1b7: {  	v37 =	vld [tilespmem:$0x8A0]  }
0x1b8: {  	v61 =	vld [tilespmem:$0xF20];
	v38 =	vmul.f32 v44, v17;
	v2 =	vmul.f32 v21, v24  }
0x1b9: {  	v60 =	vld [tilespmem:$0x920];
	v0 =	vadd.f32 v0, v45;
	v21 =	vmul.f32 v36, v14  }
0x1ba: {  	v39 =	vld [tilespmem:$0x9A0];
	v38 =	vadd.f32 v38, v27;
	v2 =	vadd.f32 v2, v3;
	v3 =	vmul.f32 v49, v15  }
0x1bb: {  	v22 =	vld [tilespmem:$0xE20];
	v27 =	vmul.f32 v40, v13;
	v0 =	vadd.f32 v21, v0;
	v4 =	vmul.f32 v4, v31  }
0x1bc: {  	v18 =	vmul.f32 v18, v14;
	v43 =	vld [tilespmem:$0xEA0];
	v3 =	vadd.f32 v3, v25  }
0x1bd: {  	v25 =	vld [tilespmem:$0x1FE80];
	v0 =	vadd.f32 v27, v0;
	v1 =	vadd.f32 v4, v1;
	v4 =	vmul.f32 v48, v12  }
0x1be: {  	v42 =	vld [tilespmem:$0xFA0];
	v21 =	vmul.f32 v19, v13;
	v3 =	vadd.f32 v18, v3  }
0x1bf: {  	v0 =	vadd.f32 v4, v0;
	v4 =	vld [tilespmem:$0x1FE90]  }
0x1c0: {  	v3 =	vadd.f32 v21, v3;
	v21 =	vld [tilespmem:$0x1FEA0]  }
0x1c1: {  	v44 =	vld [tilespmem:$0x1020]  }
0x1c2: {  	v40 =	vld [tilespmem:$0x630];
	v36 =	vmul.f32 v25, v31  }
0x1c3: {  	[tilespmem:$0x1FFE0] =	vst v38;
	v38 =	vld [tilespmem:$0x12B0]  }
0x1c4: {  	v45 =	vld [tilespmem:$0x1120];
	v2 =	vadd.f32 v36, v2;
	v36 =	vmul.f32 v51, v11;
	v4 =	vmul.f32 v4, v33  }
0x1c5: {  	v32 =	vmul.f32 v32, v12;
	v47 =	vld [tilespmem:$0x10A0];
	v18 =	vmul.f32 v21, v33  }
0x1c6: {  	v49 =	vld [tilespmem:$0x11A0];
	v0 =	vadd.f32 v36, v0;
	v1 =	vadd.f32 v4, v1;
	v4 =	vmul.f32 v54, v9  }
0x1c7: {  	v19 =	vld [tilespmem:$0x730];
	v3 =	vadd.f32 v32, v3  }
0x1c8: {  	v2 =	vadd.f32 v18, v2;
	v18 =	vmul.f32 v20, v11;
	v0 =	vadd.f32 v4, v0;
	v4 =	vld [tilespmem:$0x1FEB0]  }
0x1c9: {  	v27 =	vld [tilespmem:$0x6B0]  }
0x1ca: {  	v35 =	vmul.f32 v35, v9;
	v48 =	vld [tilespmem:$0x7B0];
	v36 =	vmul.f32 v53, v8;
	v3 =	vadd.f32 v18, v3  }
0x1cb: {  	v25 =	vld [tilespmem:$0x8B0]  }
0x1cc: {  	v21 =	vld [tilespmem:$0x1FEC0];
	v3 =	vadd.f32 v35, v3;
	v0 =	vadd.f32 v36, v0;
	v36 =	vmul.f32 v29, v8  }
0x1cd: {  	v32 =	vld [tilespmem:$0x1FEE0];
	v4 =	vmul.f32 v4, v10  }
0x1ce: {  	v3 =	vadd.f32 v36, v3;
	v36 =	vld [tilespmem:$0x1FEF0]  }
0x1cf: {  	v51 =	vld [tilespmem:$0x830];
	v1 =	vadd.f32 v4, v1;
	v4 =	vmul.f32 v52, v7  }
0x1d0: {  	v53 =	vld [tilespmem:$0x9B0]  }
0x1d1: {  	v18 =	vmul.f32 v21, v10;
	v0 =	vadd.f32 v4, v0;
	v4 =	vld [tilespmem:$0x1FED0]  }
0x1d2: {  	v20 =	vld [tilespmem:$0x930];
	v29 =	vmul.f32 v32, v6  }
0x1d3: {  	v54 =	vld [tilespmem:$0xE30];
	v2 =	vadd.f32 v18, v2;
	v32 =	vmul.f32 v62, v7;
	v18 =	vmul.f32 v36, v16  }
0x1d4: {  	v21 =	vld [tilespmem:$0xFB0]  }
0x1d5: {  	v59 =	vmul.f32 v59, v6;
	v2 =	vadd.f32 v18, v2;
	v18 =	vadd.f32 v32, v3;
	v3 =	vld [tilespmem:$0x1FF00]  }
0x1d6: {  	v35 =	vld [tilespmem:$0xF30];
	v4 =	vmul.f32 v4, v16  }
0x1d7: {  	v18 =	vadd.f32 v59, v18;
	v59 =	vld [tilespmem:$0x1FF20]  }
0x1d8: {  	v62 =	vld [tilespmem:$0x1030];
	v0 =	vadd.f32 v29, v0;
	v1 =	vadd.f32 v4, v1;
	v4 =	vmul.f32 v55, v5  }
0x1d9: {  	v52 =	vld [tilespmem:$0xEB0]  }
0x1da: {  	v0 =	vadd.f32 v4, v0;
	v4 =	vmul.f32 v3, v17;
	v3 =	vld [tilespmem:$0x1FF10]  }
0x1db: {  	v56 =	vmul.f32 v56, v5;
	v36 =	vld [tilespmem:$0x10B0]  }
0x1dc: {  	v32 =	vld [tilespmem:$0x1130];
	v29 =	vmul.f32 v59, v24  }
0x1dd: {  	v18 =	vadd.f32 v56, v18;
	v56 =	vld [tilespmem:$0x1FF30]  }
0x1de: {  	v59 =	vld [tilespmem:$0x12C0];
	v0 =	vadd.f32 v29, v0;
	v29 =	vmul.f32 v40, v15  }
0x1df: {  	v40 =	vld [tilespmem:$0x6C0];
	v55 =	vmul.f32 v3, v17  }
0x1e0: {  	v29 =	vadd.f32 v29, v38;
	v38 =	vmul.f32 v58, v24;
	v58 =	vmul.f32 v30, v12;
	v30 =	vld [tilespmem:$0x940]  }
0x1e1: {  	v3 =	vld [tilespmem:$0x11B0];
	v2 =	vadd.f32 v55, v2;
	v55 =	vmul.f32 v41, v15  }
0x1e2: {  	v27 =	vmul.f32 v27, v14;
	v18 =	vadd.f32 v38, v18;
	v38 =	vld [tilespmem:$0x8C0]  }
0x1e3: {  	v4 =	vadd.f32 v4, v1;
	v41 =	vld [tilespmem:$0x640];
	v1 =	vadd.f32 v55, v26;
	v26 =	vmul.f32 v56, v31  }
0x1e4: {  	v34 =	vmul.f32 v34, v14;
	v55 =	vld [tilespmem:$0x740]  }
0x1e5: {  	v19 =	vmul.f32 v19, v13;
	v56 =	vld [tilespmem:$0x7C0];
	v0 =	vadd.f32 v26, v0;
	v26 =	vadd.f32 v27, v29  }
0x1e6: {  	v23 =	vmul.f32 v23, v13;
	v1 =	vadd.f32 v34, v1;
	v29 =	vld [tilespmem:$0x1FF40]  }
0x1e7: {  	v34 =	vld [tilespmem:$0x840];
	v19 =	vadd.f32 v19, v26;
	v26 =	vmul.f32 v46, v31  }
0x1e8: {  	v27 =	vld [tilespmem:$0x11C0];
	v1 =	vadd.f32 v23, v1  }
0x1e9: {  	v18 =	vadd.f32 v26, v18;
	v26 =	vmul.f32 v51, v11;
	v51 =	vld [tilespmem:$0x1FF50]  }
0x1ea: {  	v46 =	vld [tilespmem:$0x9C0];
	v1 =	vadd.f32 v58, v1;
	v58 =	vmul.f32 v28, v11  }
0x1eb: {  	v28 =	vld [tilespmem:$0xEC0];
	v23 =	vmul.f32 v29, v33;
	v29 =	vmul.f32 v48, v12  }
0x1ec: {  	v37 =	vmul.f32 v37, v9;
	v48 =	vld [tilespmem:$0xE40];
	v1 =	vadd.f32 v58, v1  }
0x1ed: {  	v50 =	vmul.f32 v50, v33;
	v0 =	vadd.f32 v23, v0;
	v19 =	vadd.f32 v29, v19;
	v23 =	vld [tilespmem:$0xF40]  }
0x1ee: {  	v29 =	vld [tilespmem:$0xFC0];
	v1 =	vadd.f32 v37, v1;
	v58 =	vmul.f32 v51, v10  }
0x1ef: {  	v25 =	vmul.f32 v25, v9;
	v37 =	vadd.f32 v50, v18;
	v18 =	vld [tilespmem:$0x1140];
	v19 =	vadd.f32 v26, v19  }
0x1f0: {  	v51 =	vld [tilespmem:$0x1FF60];
	v0 =	vadd.f32 v58, v0  }
0x1f1: {  	v26 =	vld [tilespmem:$0x1040];
	v58 =	vmul.f32 v60, v8;
	v19 =	vadd.f32 v25, v19;
	v60 =	vmul.f32 v20, v8  }
0x1f2: {  	v20 =	vld [tilespmem:$0x10C0]  }
0x1f3: {  	v39 =	vmul.f32 v39, v7;
	v19 =	vadd.f32 v60, v19;
	v60 =	vmul.f32 v53, v7;
	v53 =	vld [tilespmem:$0x750]  }
0x1f4: {  	v1 =	vadd.f32 v58, v1;
	v58 =	vmul.f32 v57, v10;
	v57 =	vmul.f32 v54, v6;
	v54 =	vld [tilespmem:$0x950]  }
0x1f5: {  	v50 =	vmul.f32 v51, v16;
	v51 =	vld [tilespmem:$0x6D0]  }
0x1f6: {  	v1 =	vadd.f32 v39, v1;
	v39 =	vld [tilespmem:$0x12D0]  }
0x1f7: {  	v25 =	vadd.f32 v58, v37;
	v58 =	vld [tilespmem:$0x1FF70]  }
0x1f8: {  	v22 =	vmul.f32 v22, v6;
	v43 =	vmul.f32 v43, v5;
	v37 =	vld [tilespmem:$0x850]  }
0x1f9: {  	v19 =	vadd.f32 v60, v19;
	v60 =	vmul.f32 v63, v16;
	v0 =	vadd.f32 v50, v0;
	v50 =	vld [tilespmem:$0x650]  }
0x1fa: {  	v63 =	vmul.f32 v61, v24;
	v61 =	vmul.f32 v40, v14;
	v40 =	vld [tilespmem:$0x9D0];
	v1 =	vadd.f32 v22, v1  }
0x1fb: {  	v42 =	vmul.f32 v42, v31;
	v44 =	vmul.f32 v44, v33;
	v19 =	vadd.f32 v57, v19;
	v57 =	vld [tilespmem:$0x1FF80]  }
0x1fc: {  	v35 =	vmul.f32 v35, v24;
	v52 =	vmul.f32 v52, v5;
	v1 =	vadd.f32 v43, v1;
	v43 =	vld [tilespmem:$0x7D0]  }
0x1fd: {  	v22 =	vmul.f32 v58, v17;
	v58 =	vmul.f32 v41, v15;
	v41 =	vld [tilespmem:$0x8D0]  }
0x1fe: {  	v19 =	vadd.f32 v52, v19;
	v1 =	vadd.f32 v63, v1;
	v63 =	vmul.f32 v50, v15;
	v50 =	vld [tilespmem:$0xED0]  }
0x1ff: {  	v0 =	vadd.f32 v22, v0;
	v22 =	vadd.f32 v58, v59;
	v59 =	vmul.f32 v51, v14;
	v51 =	vld [tilespmem:$0xF50]  }
0x200: {  	v25 =	vadd.f32 v60, v25;
	v52 =	vmul.f32 v57, v17;
	v57 =	vmul.f32 v55, v13;
	v55 =	vld [tilespmem:$0xFD0]  }
0x201: {  	v60 =	vmul.f32 v21, v31;
	v19 =	vadd.f32 v35, v19;
	v1 =	vadd.f32 v42, v1;
	v42 =	vld [tilespmem:$0xE50]  }
0x202: {  	v35 =	vadd.f32 v63, v39;
	v63 =	vmul.f32 v53, v13;
	v53 =	vmul.f32 v54, v8;
	v54 =	vld [tilespmem:$0x12F0]  }
0x203: {  	v58 =	vmul.f32 v62, v33;
	v19 =	vadd.f32 v60, v19;
	v21 =	vadd.f32 v52, v25;
	v52 =	vld [tilespmem:$0x1050]  }
0x204: {  	v22 =	vadd.f32 v61, v22;
	v61 =	vmul.f32 v56, v12;
	v56 =	vmul.f32 v43, v12;
	v43 =	vld [tilespmem:$0xF70]  }
0x205: {  	v62 =	vadd.f32 v58, v19;
	v19 =	vld [tilespmem:$0x10D0]  }
0x206: {  	v36 =	vmul.f32 v36, v10;
	v44 =	vadd.f32 v44, v1;
	v1 =	vld [tilespmem:$0x1150]  }
0x207: {  	v47 =	vmul.f32 v47, v10;
	v58 =	vmul.f32 v37, v11;
	v37 =	vld [tilespmem:$0x12E0]  }
0x208: {  	v60 =	vadd.f32 v57, v22;
	v25 =	vadd.f32 v36, v62;
	v62 =	vld [tilespmem:$0x670]  }
0x209: {  	v38 =	vmul.f32 v38, v9;
	v57 =	vadd.f32 v47, v44;
	v44 =	vld [tilespmem:$0x7F0]  }
0x20a: {  	v34 =	vmul.f32 v34, v11;
	v35 =	vadd.f32 v59, v35;
	v36 =	vld [tilespmem:$0xEE0];
	v22 =	vadd.f32 v61, v60  }
0x20b: {  	v59 =	vmul.f32 v45, v16;
	v60 =	vmul.f32 v41, v9;
	v41 =	vld [tilespmem:$0x6E0]  }
0x20c: {  	v35 =	vadd.f32 v63, v35;
	v61 =	vmul.f32 v46, v7;
	v46 =	vld [tilespmem:$0x860];
	v34 =	vadd.f32 v34, v22  }
0x20d: {  	v39 =	vadd.f32 v59, v57;
	v57 =	vld [tilespmem:$0x6F0]  }
0x20e: {  	v32 =	vmul.f32 v32, v16;
	v35 =	vadd.f32 v56, v35;
	v34 =	vadd.f32 v38, v34;
	v38 =	vld [tilespmem:$0x660]  }
0x20f: {  	v30 =	vmul.f32 v30, v8;
	v56 =	vmul.f32 v49, v17;
	v49 =	vld [tilespmem:$0x8E0]  }
0x210: {  	v59 =	vmul.f32 v40, v7;
	v40 =	vmul.f32 v55, v31;
	v55 =	vld [tilespmem:$0x1160];
	v35 =	vadd.f32 v58, v35  }
0x211: {  	v3 =	vmul.f32 v3, v17;
	v25 =	vadd.f32 v32, v25;
	v22 =	vld [tilespmem:$0x11D0];
	v30 =	vadd.f32 v30, v34  }
0x212: {  	v28 =	vmul.f32 v28, v5;
	v23 =	vmul.f32 v23, v24;
	v63 =	vadd.f32 v60, v35;
	v60 =	vld [tilespmem:$0x760]  }
0x213: {  	v25 =	vadd.f32 v3, v25;
	v30 =	vadd.f32 v61, v30;
	v61 =	vld [tilespmem:$0x770];
	v3 =	vmul.f32 v38, v15  }
0x214: {  	v58 =	vmul.f32 v48, v6;
	v39 =	vadd.f32 v56, v39;
	v15 =	vmul.f32 v62, v15;
	v62 =	vld [tilespmem:$0x7E0]  }
0x215: {  	v48 =	vld [tilespmem:$0x870];
	v32 =	vadd.f32 v53, v63;
	v63 =	vmul.f32 v41, v14;
	v3 =	vadd.f32 v3, v37  }
0x216: {  	v56 =	vmul.f32 v50, v5;
	v50 =	vld [tilespmem:$0x1FFA0];
	v14 =	vmul.f32 v57, v14;
	v15 =	vadd.f32 v15, v54  }
0x217: {  	v29 =	vmul.f32 v29, v31;
	v35 =	vld [tilespmem:$0xE70];
	v47 =	vmul.f32 v60, v13;
	v3 =	vadd.f32 v63, v3  }
0x218: {  	v18 =	vmul.f32 v18, v16;
	v57 =	vld [tilespmem:$0x960];
	v14 =	vadd.f32 v14, v15;
	v13 =	vmul.f32 v61, v13  }
0x219: {  	v45 =	vmul.f32 v42, v6;
	v54 =	vld [tilespmem:$0x8F0];
	v53 =	vmul.f32 v62, v12;
	v3 =	vadd.f32 v47, v3  }
0x21a: {  	v41 =	vld [tilespmem:$0xF60];
	v32 =	vadd.f32 v59, v32;
	v12 =	vmul.f32 v44, v12;
	v13 =	vadd.f32 v13, v14  }
0x21b: {  	v59 =	vld [tilespmem:$0x970];
	v30 =	vadd.f32 v58, v30;
	v58 =	vmul.f32 v46, v11;
	v3 =	vadd.f32 v53, v3  }
0x21c: {  	v1 =	vmul.f32 v1, v16;
	v11 =	vmul.f32 v48, v11;
	v60 =	vld [tilespmem:$0x9E0];
	v12 =	vadd.f32 v12, v13  }
0x21d: {  	v32 =	vadd.f32 v45, v32;
	v15 =	vmul.f32 v49, v9;
	v61 =	vld [tilespmem:$0x9F0];
	v3 =	vadd.f32 v58, v3  }
0x21e: {  	v37 =	vmul.f32 v26, v33;
	v63 =	vld [tilespmem:$0xE60];
	v9 =	vmul.f32 v54, v9;
	v11 =	vadd.f32 v11, v12  }
0x21f: {  	v38 =	vld [tilespmem:$0xEF0];
	v28 =	vadd.f32 v28, v30;
	v34 =	vmul.f32 v57, v8;
	v3 =	vadd.f32 v15, v3  }
0x220: {  	v46 =	vld [tilespmem:$0x1060];
	v48 =	vmul.f32 v41, v24;
	v8 =	vmul.f32 v59, v8;
	v9 =	vadd.f32 v9, v11  }
0x221: {  	v45 =	vld [tilespmem:$0xFF0];
	v23 =	vadd.f32 v23, v28;
	v13 =	vmul.f32 v60, v7;
	v3 =	vadd.f32 v34, v3  }
0x222: {  	v57 =	vld [tilespmem:$0x1170];
	v62 =	vmul.f32 v51, v24;
	v7 =	vmul.f32 v61, v7;
	v8 =	vadd.f32 v8, v9  }
0x223: {  	v49 =	vld [tilespmem:$0x1070];
	v14 =	vadd.f32 v56, v32;
	v42 =	vmul.f32 v63, v6;
	v3 =	vadd.f32 v13, v3  }
0x224: {  	v23 =	vadd.f32 v29, v23;
	v6 =	vmul.f32 v35, v6;
	v7 =	vadd.f32 v7, v8;
	v8 =	vld [tilespmem:$0xFE0]  }
0x225: {  	v51 =	vld [tilespmem:$0x10E0];
	v12 =	vadd.f32 v62, v14;
	v11 =	vmul.f32 v36, v5;
	v3 =	vadd.f32 v42, v3  }
0x226: {  	v59 =	vld [tilespmem:$0x11E0];
	v14 =	vadd.f32 v37, v23;
	v5 =	vmul.f32 v38, v5;
	v6 =	vadd.f32 v6, v7  }
0x227: {  	[tilespmem:$0x1260] =	vst v4;
	v44 =	vmul.f32 v20, v10;
	v47 =	vld [tilespmem:$0x1FF90];
	v9 =	vadd.f32 v40, v12;
	v3 =	vadd.f32 v11, v3  }
0x228: {  	[tilespmem:$0x1270] =	vst v2;
	v56 =	vld [tilespmem:$0x1FFD0];
	v7 =	vmul.f32 v52, v33;
	v5 =	vadd.f32 v5, v6;
	v6 =	vmul.f32 v43, v24  }
0x229: {  	[tilespmem:$0x1280] =	vst v0;
	v53 =	vld [tilespmem:$0x10F0];
	v13 =	vmul.f32 v45, v31;
	v8 =	vmul.f32 v8, v31;
	v3 =	vadd.f32 v48, v3  }
0x22a: {  	[tilespmem:$0x1290] =	vst v21;
	v54 =	vld [tilespmem:$0x1FFC0];
	v7 =	vadd.f32 v7, v9;
	v5 =	vadd.f32 v6, v5;
	v6 =	vmul.f32 v19, v10  }
0x22b: {  	[tilespmem:$0x12A0] =	vst v39;
	v58 =	vld [tilespmem:$0x1FFE0];
	v12 =	vadd.f32 v44, v14;
	v3 =	vadd.f32 v8, v3;
	v8 =	vmul.f32 v46, v33  }
0x22c: {  	[tilespmem:$0x12B0] =	vst v25;
	v52 =	vld [tilespmem:$0x1FFB0];
	v6 =	vadd.f32 v6, v7;
	v5 =	vadd.f32 v13, v5;
	v7 =	vmul.f32 v49, v33  }
0x22d: {  	[tilespmem:$0x1210] =	vst v50;
	v4 =	vmul.f32 v51, v10;
	v12 =	vadd.f32 v18, v12;
	v3 =	vadd.f32 v8, v3;
	v8 =	vld [tilespmem:$0x11F0]  }
0x22e: {  	[tilespmem:$0x1200] =	vst v47;
	v60 =	vadd.f32 v7, v5;
	v5 =	vmul.f32 v53, v10;
	v7 =	vmul.f32 v27, v17  }
0x22f: {  	[tilespmem:$0x1240] =	vst v56;
	v61 =	vadd.f32 v1, v6;
	v62 =	vadd.f32 v4, v3;
	v3 =	vmul.f32 v55, v16  }
0x230: {  	[tilespmem:$0x1230] =	vst v54;
	v4 =	vmul.f32 v22, v17;
	v2 =	vadd.f32 v5, v60;
	v5 =	vmul.f32 v57, v16  }
0x231: {  	[tilespmem:$0x1250] =	vst v58;
	v6 =	vadd.f32 v7, v12;
	v1 =	vadd.f32 v3, v62;
	v3 =	vmul.f32 v59, v17  }
.Ltmp6:
0x232: {  	[tilespmem:$0x1220] =	vst v52;
	v0 =	vadd.f32 v4, v61;
	v2 =	vadd.f32 v5, v2;
	v4 =	vmul.f32 v8, v17;
	(pc) =	sbr.rel .LBB2_4-.Ltmp6, $4  }
0x233: {  	[tilespmem:$0x12C0] =	vst v6;
	v1 =	vadd.f32 v3, v1  }
0x234: {  	[tilespmem:$0x12D0] =	vst v0;
	v63 =	vadd.f32 v4, v2  }
0x235: {  	[tilespmem:$0x12E0] =	vst v1  }
0x236: {  	v5 =	vimm.f32 $0.0e+00;
	v6 =	vld [tilespmem:$0x1FFF0];
	[tilespmem:$0x12F0] =	vst v63  }
.LBB2_6:
0x237: {  	_ =	sfence.sel $0x180000  }
0x238: {  	[bflag:$0x0] =	sbarrier.arrive $0xFFFF  }
0x239: {  	p0 =	sne.s32 s1, $0x0;
	_ =	strace $0x90000047  }
0x23a: {  	s0 =	sadd.s32 @!p0 $0x100000, s2;
	[bflag:$0x2] =	sbarrier.arrive $0xFFFF  }
0x23b: {  	[sflag:s0] =	ssyncadd.tile.s32 @!p0 $0x1;
	_ =	shalt  }
.Lfunc_end2:
_tile_overlayer_lowered:
.L_overlay_start_2:
0x23c: {  	(tag) =	ssettag $0x2  }
0x23d: {  	s0 =	rddreg [dreg:$0x0];
	s2 =	stileid.u32  }
0x23e: {  	s1 =	rddreg [dreg:$0x1];
	p0 =	sne.s32 s2, $0x0  }
0x23f: {  	s3 =	rddreg [dreg:$0x2];
	[bflag:$0x3] =	sbarrier.arrive $0xFFFF;
	s2 =	simm.s32 @!p0 $0x1C03  }
0x240: {  	[timem:s3], [sflag:s2] =	dma.local @!p0 [hbm:s0], s1  }
0x241: {  	s0 =	simm.s32 @!p0 $0x3  }
0x242: {  	_ =	swait.ge @!p0 [sflag:s0], s1  }
0x243: {  	s1 =	ssub.s32 @!p0 $0x0, s1;
	[sflag:s0] =	ssyncset.done @!p0 $0x0  }
0x244: {  	[sflag:s0] =	ssyncadd.s32 @!p0 s1  }
0x245: {  	[bflag:$0x3] =	sbarrier.arrive $0xFFFF  }
0x246: {  	_ =	shalt  }

</sc_bundles>
